<compile_context>
chip_gen: v7x
topology: tpu7x:2x2x1
jax: 0.10.2.dev20260603
libtpu: 0.0.44.dev20260713+nightly
codegen_flags: <defaults>
</compile_context>

<pallas_src>
import functools

import jax
import jax.numpy as jnp
from jax import lax
from jax.experimental import pallas as pl
from jax.experimental.pallas import tpu as pltpu
from jax.experimental.pallas import tpu_sc as plsc

N = 10000
E = 160000
D = 256
DH = 128
G = 64
NS = 16
CHUNK = 80
EPT = E // NS
NCHUNKS = EPT // CHUNK
ROWS_PT = 624
ROWS_REM = N - NS * ROWS_PT

BLK = 1000
NB = N // BLK


NBUF = 2


def _sc_agg_body(fl_hbm, fh_hbm, src3_hbm, dst3_hbm, ol_hbm, oh_hbm,
                 acc, sidx, didx, rows0, rows1, gs0, gs1, ss0, ss1):
    rows = [rows0, rows1]
    gs = [gs0, gs1]
    ss = [ss0, ss1]
    cid = lax.axis_index("c")
    sid = lax.axis_index("s")
    r0 = sid * ROWS_PT
    rem0 = NS * ROWS_PT

    @pl.when(cid == 0)
    def _():
        pltpu.sync_copy(fl_hbm.at[pl.ds(r0, ROWS_PT)], acc.at[pl.ds(r0, ROWS_PT)])

        @pl.when(sid == 0)
        def _():
            pltpu.sync_copy(fl_hbm.at[pl.ds(rem0, ROWS_REM)],
                            acc.at[pl.ds(rem0, ROWS_REM)])

    @pl.when(cid == 1)
    def _():
        pltpu.sync_copy(fh_hbm.at[pl.ds(r0, ROWS_PT)], acc.at[pl.ds(r0, ROWS_PT)])

        @pl.when(sid == 0)
        def _():
            pltpu.sync_copy(fh_hbm.at[pl.ds(rem0, ROWS_REM)],
                            acc.at[pl.ds(rem0, ROWS_REM)])

    pltpu.sync_copy(src3_hbm.at[sid], sidx)
    pltpu.sync_copy(dst3_hbm.at[sid], didx)
    plsc.subcore_barrier()

    def gstart(b, c):
        @pl.when(cid == 0)
        def _():
            pltpu.async_copy(fl_hbm.at[sidx.at[pl.ds(c * CHUNK, CHUNK)]],
                             rows[b], gs[b])

        @pl.when(cid == 1)
        def _():
            pltpu.async_copy(fh_hbm.at[sidx.at[pl.ds(c * CHUNK, CHUNK)]],
                             rows[b], gs[b])

    def gwait(b):
        pltpu.make_async_copy(fl_hbm.at[sidx.at[pl.ds(0, CHUNK)]],
                              rows[b], gs[b]).wait()

    def sstart(b, c):
        pltpu.async_copy(rows[b], acc.at[didx.at[c]], ss[b], add=True)

    def swait(b):
        pltpu.make_async_copy(rows[b], acc.at[didx.at[0]], ss[b]).wait()

    gstart(0, 0)

    def body(j, carry):
        for b in range(NBUF):
            c = NBUF * j + b
            gwait(b)
            sstart(b, c)
            b1 = (b + 1) % NBUF

            @pl.when(c >= 1)
            def _():
                swait(b1)

            @pl.when(c + 1 <= NCHUNKS - 1)
            def _():
                gstart(b1, c + 1)
        return carry

    lax.fori_loop(0, (NCHUNKS - 1) // NBUF, body, 0)
    gwait(0)
    sstart(0, NCHUNKS - 1)
    swait(1)
    swait(0)
    plsc.subcore_barrier()

    @pl.when(cid == 0)
    def _():
        pltpu.sync_copy(acc.at[pl.ds(r0, ROWS_PT)], ol_hbm.at[pl.ds(r0, ROWS_PT)])

        @pl.when(sid == 0)
        def _():
            pltpu.sync_copy(acc.at[pl.ds(rem0, ROWS_REM)],
                            ol_hbm.at[pl.ds(rem0, ROWS_REM)])

    @pl.when(cid == 1)
    def _():
        pltpu.sync_copy(acc.at[pl.ds(r0, ROWS_PT)], oh_hbm.at[pl.ds(r0, ROWS_PT)])

        @pl.when(sid == 0)
        def _():
            pltpu.sync_copy(acc.at[pl.ds(rem0, ROWS_REM)],
                            oh_hbm.at[pl.ds(rem0, ROWS_REM)])


def _sc_aggregate(fl, fh, src, dst):
    mesh = plsc.VectorSubcoreMesh(core_axis_name="c", subcore_axis_name="s")
    f = pl.kernel(
        _sc_agg_body,
        out_type=(jax.ShapeDtypeStruct((N, DH), jnp.float32),
                  jax.ShapeDtypeStruct((N, DH), jnp.float32)),
        mesh=mesh,
        scratch_types=(
            pltpu.VMEM_SHARED((N, DH), jnp.float32),
            pltpu.VMEM((EPT,), jnp.int32),
            pltpu.VMEM((NCHUNKS, CHUNK), jnp.int32),
            pltpu.VMEM((CHUNK, DH), jnp.float32),
            pltpu.VMEM((CHUNK, DH), jnp.float32),
            pltpu.SemaphoreType.DMA,
            pltpu.SemaphoreType.DMA,
            pltpu.SemaphoreType.DMA,
            pltpu.SemaphoreType.DMA,
        ),
        name="sc_edge_aggregate",
    )
    src3 = src.reshape(NS, EPT)
    dst3 = dst.reshape(NS, NCHUNKS, CHUNK)
    return f(fl, fh, src3, dst3)


def _dotT(a, b):
    return lax.dot_general(a, b, (((1,), (1,)), ((), ())),
                           preferred_element_type=jnp.float32)


def _tc_level_body(gid_ref, al_ref, ah_ref, hw_ref, hb_ref, ww_ref, wb_ref,
                   nl_ref, nh_ref, fp_ref):
    step = pl.program_id(0)
    agg = jnp.concatenate([al_ref[...], ah_ref[...]], axis=1)
    nf = jnp.maximum(_dotT(agg, hw_ref[...]) + hb_ref[...], 0.0)
    logits = _dotT(nf, ww_ref[...]) + wb_ref[...]
    m = jnp.max(logits, axis=1, keepdims=True)
    ex = jnp.exp(logits - m)
    sparse = ex / jnp.sum(ex, axis=1, keepdims=True)
    nl_ref[...] = nf[:, :DH]
    nh_ref[...] = nf[:, DH:]
    gid = gid_ref[...].reshape(BLK, 1)
    onehot = (gid == lax.broadcasted_iota(jnp.int32, (BLK, G), 1)).astype(jnp.float32)
    fpb = lax.dot_general(onehot, sparse, (((0,), (0,)), ((), ())),
                          preferred_element_type=jnp.float32,
                          precision=lax.Precision.HIGHEST)

    @pl.when(step == 0)
    def _():
        fp_ref[...] = fpb

    @pl.when(step != 0)
    def _():
        fp_ref[...] += fpb


def _tc_level(gid3, al, ah, hw, hb, ww, wb):
    return pl.pallas_call(
        _tc_level_body,
        grid=(NB,),
        in_specs=[
            pl.BlockSpec((1, 1, BLK), lambda i: (i, 0, 0)),
            pl.BlockSpec((BLK, DH), lambda i: (i, 0)),
            pl.BlockSpec((BLK, DH), lambda i: (i, 0)),
            pl.BlockSpec((D, D), lambda i: (0, 0)),
            pl.BlockSpec((1, D), lambda i: (0, 0)),
            pl.BlockSpec((D, D), lambda i: (0, 0)),
            pl.BlockSpec((1, D), lambda i: (0, 0)),
        ],
        out_specs=[
            pl.BlockSpec((BLK, DH), lambda i: (i, 0)),
            pl.BlockSpec((BLK, DH), lambda i: (i, 0)),
            pl.BlockSpec((G, D), lambda i: (0, 0)),
        ],
        out_shape=[
            jax.ShapeDtypeStruct((N, DH), jnp.float32),
            jax.ShapeDtypeStruct((N, DH), jnp.float32),
            jax.ShapeDtypeStruct((G, D), jnp.float32),
        ],
        name="tc_level_dense",
    )(gid3, al, ah, hw, hb, ww, wb)


def _fc_body(fp1_ref, fp2_ref, fp3_ref, fcw_ref, fcb_ref, out_ref):
    fp = fp1_ref[...] + fp2_ref[...] + fp3_ref[...]
    fpb = fp.astype(jnp.bfloat16).astype(jnp.float32)
    fwb = fcw_ref[...].astype(jnp.bfloat16).astype(jnp.float32)
    prod = fpb * fwb
    out_ref[...] = jnp.sum(prod, axis=1, keepdims=True) + fcb_ref[...]


def _fc_out(fp1, fp2, fp3, fcw, fcb):
    return pl.pallas_call(
        _fc_body,
        out_shape=jax.ShapeDtypeStruct((G, 1), jnp.float32),
        name="tc_fc_out",
    )(fp1, fp2, fp3, fcw, fcb)


def kernel(x, edge_index, graph_ids,
           H1_w, H1_b, W1_w, W1_b,
           H2_w, H2_b, W2_w, W2_b,
           H3_w, H3_b, W3_w, W3_b,
           fc_w, fc_b):
    src = edge_index[0]
    dst = edge_index[1]
    fl = x[:, :DH]
    fh = x[:, DH:]
    gid3 = graph_ids.reshape(NB, 1, BLK)
    levels = [(H1_w, H1_b, W1_w, W1_b),
              (H2_w, H2_b, W2_w, W2_b),
              (H3_w, H3_b, W3_w, W3_b)]
    fps = []
    for hw, hb, ww, wb in levels:
        al, ah = _sc_aggregate(fl, fh, src, dst)
        fl, fh, fp = _tc_level(gid3, al, ah, hw, hb.reshape(1, D),
                               ww, wb.reshape(1, D))
        fps.append(fp)
    fcb_full = jnp.broadcast_to(fc_b.reshape(1, 1), (G, 1))
    return _fc_out(fps[0], fps[1], fps[2], fc_w, fcb_full)

# --- scband reference (transcript-rebuilt; emitter-appended) ---
"""Pipeline reference for scband-molec-fingerprint-net-90890097918354 (READ-ONLY COPY).

The authoritative reference and input builder live on the scoring server;
editing this copy changes nothing except your own understanding.
"""

import jax, jax.numpy as jnp
import numpy as np

N = 10000
E = 160000
D = 256
HDIM = 256
LEVELS = 3
G = 64


def setup_inputs(seed: int = 0) -> dict:
    key = jax.random.key(seed)
    ks = jax.random.split(key, 20)
    inp = {}
    inp["x"] = jax.random.normal(ks[0], (N, D), dtype=jnp.float32)
    inp["edge_index"] = jax.random.randint(ks[1], (2, E), 0, N, dtype=jnp.int32)
    inp["graph_ids"] = jnp.sort(jax.random.randint(ks[2], (N,), 0, G, dtype=jnp.int32))
    # learned parameters: H_l and W_l linear layers (all 256x256 since in=nfeatures=hidden), fc_output 256->1
    kidx = 3
    for lvl in range(1, LEVELS + 1):
        inp["H%d_w" % lvl] = jax.random.normal(ks[kidx], (HDIM, HDIM), dtype=jnp.float32) * 0.02; kidx += 1
        inp["H%d_b" % lvl] = jnp.zeros((HDIM,), dtype=jnp.float32)
        inp["W%d_w" % lvl] = jax.random.normal(ks[kidx], (HDIM, HDIM), dtype=jnp.float32) * 0.02; kidx += 1
        inp["W%d_b" % lvl] = jnp.zeros((HDIM,), dtype=jnp.float32)
    inp["fc_w"] = jax.random.normal(ks[kidx], (1, HDIM), dtype=jnp.float32) * 0.02
    inp["fc_b"] = jnp.zeros((1,), dtype=jnp.float32)
    return inp


def reference(x, edge_index, graph_ids,
              H1_w, H1_b, W1_w, W1_b,
              H2_w, H2_b, W2_w, W2_b,
              H3_w, H3_b, W3_w, W3_b,
              fc_w, fc_b):
    # Vectorized neural-fingerprint forward (MolecFingerprintNet):
    # per level: aggregate = self + sum of neighbor features (message passing),
    # new_feat = relu(H_l(agg)); sparse = softmax(W_l(new_feat));
    # fingerprint[g] += sum over vertices in graph g of sparse; then fc_output.
    src = edge_index[0]
    dst = edge_index[1]
    Hs = [(H1_w, H1_b), (H2_w, H2_b), (H3_w, H3_b)]
    Ws = [(W1_w, W1_b), (W2_w, W2_b), (W3_w, W3_b)]
    feats = x
    fingerprints = jnp.zeros((G, HDIM), dtype=jnp.float32)
    for (hw, hb), (ww, wb) in zip(Hs, Ws):
        msgs = jnp.take(feats, src, axis=0)
        agg = feats + jax.ops.segment_sum(msgs, dst, num_segments=N)
        new_feats = jax.nn.relu(agg @ hw.T + hb)
        sparse = jax.nn.softmax(new_feats @ ww.T + wb, axis=-1)
        fingerprints = fingerprints + jax.ops.segment_sum(sparse, graph_ids, num_segments=G)
        feats = new_feats
    out = fingerprints @ fc_w.T + fc_b
    return out

if __name__ == "__main__":
    import jax
    _d = setup_inputs()
    print(jax.jit(kernel)(*tuple(_d.values())))

</pallas_src>

<mosaic_0001>
#map = affine_map<(d0, d1) -> (0, 0)>
#map1 = affine_map<(d0, d1) -> (0, 0, 0)>
module attributes {stable_mosaic.version = 14 : i64} {
  func.func @sc_edge_aggregate(%arg0: i32, %arg1: i32, %arg2: memref<10000x128xf32, #tpu.memory_space<hbm>>, %arg3: memref<10000x128xf32, #tpu.memory_space<hbm>>, %arg4: memref<16x10000xi32, #tpu.memory_space<hbm>>, %arg5: memref<16x125x80xi32, #tpu.memory_space<hbm>>, %arg6: memref<10000x128xf32, #tpu.memory_space<hbm>>, %arg7: memref<10000x128xf32, #tpu.memory_space<hbm>>, %arg8: memref<10000x128xf32, #tpu.memory_space<vmem_shared>>, %arg9: memref<10000xi32, #tpu.memory_space<vmem>>, %arg10: memref<125x80xi32, #tpu.memory_space<vmem>>, %arg11: memref<80x128xf32, #tpu.memory_space<vmem>>, %arg12: memref<80x128xf32, #tpu.memory_space<vmem>>, %arg13: memref<!tpu.dma_semaphore, #tpu.memory_space<semaphore_mem>>, %arg14: memref<!tpu.dma_semaphore, #tpu.memory_space<semaphore_mem>>, %arg15: memref<!tpu.dma_semaphore, #tpu.memory_space<semaphore_mem>>, %arg16: memref<!tpu.dma_semaphore, #tpu.memory_space<semaphore_mem>>) attributes {dimension_semantics = [#tpu.dimension_semantics<core_parallel>, #tpu.dimension_semantics<subcore_parallel>], iteration_bounds = array<i64: 2, 16>, scalar_prefetch = 0 : i64, scratch_operands = 9 : i64, tpu.core_type = #tpu.core_type<sc_vector_subcore>, window_params = [{transform_indices = #map}, {transform_indices = #map}, {transform_indices = #map}, {transform_indices = #map1}, {transform_indices = #map}, {transform_indices = #map}]} {
    %mul3A = arith.constant 624 : i32
    %mul3A_0 = arith.muli %arg1, %mul3A : i32
    %eq3A = arith.constant 0 : i32
    %eq3A_1 = arith.cmpi eq, %arg0, %eq3A : i32
    %convert_element_type3A = arith.extui %eq3A_1 : i1 to i32
    %cond3A = arith.constant 0 : i32
    %cond3A_2 = arith.cmpi ne, %convert_element_type3A, %cond3A : i32
    scf.if %cond3A_2 {
      "tpu.region"() ({
        %run_scoped3A = tpu.sem_alloc : memref<!tpu.dma_semaphore, #tpu.memory_space<semaphore_mem>>
        %dma_start3A_63 = arith.constant 0 : i32
        %dma_start3A_64 = tpu.memref_slice %arg8[%mul3A_0, %dma_start3A_63] : memref<10000x128xf32, #tpu.memory_space<vmem_shared>> -> memref<624x128xf32, #tpu.memory_space<vmem_shared>>
        %dma_start3A_65 = arith.constant 0 : i32
        %dma_start3A_66 = tpu.memref_slice %arg2[%mul3A_0, %dma_start3A_65] : memref<10000x128xf32, #tpu.memory_space<hbm>> -> memref<624x128xf32, #tpu.memory_space<hbm>>
        tpu.enqueue_dma source(%dma_start3A_66 : memref<624x128xf32, #tpu.memory_space<hbm>>) target(%dma_start3A_64 : memref<624x128xf32, #tpu.memory_space<vmem_shared>>) target_semaphore(%run_scoped3A : memref<!tpu.dma_semaphore, #tpu.memory_space<semaphore_mem>>)
        %dma_wait3A_67 = arith.constant 0 : i32
        %dma_wait3A_68 = tpu.memref_slice %arg8[%mul3A_0, %dma_wait3A_67] : memref<10000x128xf32, #tpu.memory_space<vmem_shared>> -> memref<624x128xf32, #tpu.memory_space<vmem_shared>>
        %dma_wait3A_69 = arith.constant 0 : i32
        %dma_wait3A_70 = tpu.memref_slice %arg2[%mul3A_0, %dma_wait3A_69] : memref<10000x128xf32, #tpu.memory_space<hbm>> -> memref<624x128xf32, #tpu.memory_space<hbm>>
        tpu.wait_dma2 semaphore(%run_scoped3A : memref<!tpu.dma_semaphore, #tpu.memory_space<semaphore_mem>>) src(%dma_wait3A_70 : memref<624x128xf32, #tpu.memory_space<hbm>>) dst(%dma_wait3A_68 : memref<624x128xf32, #tpu.memory_space<vmem_shared>>)
        tpu.yield
      }) : () -> ()
      %eq3A_58 = arith.constant 0 : i32
      %eq3A_59 = arith.cmpi eq, %arg1, %eq3A_58 : i32
      %convert_element_type3A_60 = arith.extui %eq3A_59 : i1 to i32
      %cond3A_61 = arith.constant 0 : i32
      %cond3A_62 = arith.cmpi ne, %convert_element_type3A_60, %cond3A_61 : i32
      scf.if %cond3A_62 {
        "tpu.region"() ({
          %run_scoped3A = tpu.sem_alloc : memref<!tpu.dma_semaphore, #tpu.memory_space<semaphore_mem>>
          %dma_start3A_63 = arith.constant 9984 : i32
          %dma_start3A_64 = arith.constant 0 : i32
          %dma_start3A_65 = tpu.memref_slice %arg8[%dma_start3A_63, %dma_start3A_64] : memref<10000x128xf32, #tpu.memory_space<vmem_shared>> -> memref<16x128xf32, #tpu.memory_space<vmem_shared>>
          %dma_start3A_66 = arith.constant 9984 : i32
          %dma_start3A_67 = arith.constant 0 : i32
          %dma_start3A_68 = tpu.memref_slice %arg2[%dma_start3A_66, %dma_start3A_67] : memref<10000x128xf32, #tpu.memory_space<hbm>> -> memref<16x128xf32, #tpu.memory_space<hbm>>
          tpu.enqueue_dma source(%dma_start3A_68 : memref<16x128xf32, #tpu.memory_space<hbm>>) target(%dma_start3A_65 : memref<16x128xf32, #tpu.memory_space<vmem_shared>>) target_semaphore(%run_scoped3A : memref<!tpu.dma_semaphore, #tpu.memory_space<semaphore_mem>>)
          %dma_wait3A_69 = arith.constant 9984 : i32
          %dma_wait3A_70 = arith.constant 0 : i32
          %dma_wait3A_71 = tpu.memref_slice %arg8[%dma_wait3A_69, %dma_wait3A_70] : memref<10000x128xf32, #tpu.memory_space<vmem_shared>> -> memref<16x128xf32, #tpu.memory_space<vmem_shared>>
          %dma_wait3A_72 = arith.constant 9984 : i32
          %dma_wait3A_73 = arith.constant 0 : i32
          %dma_wait3A_74 = tpu.memref_slice %arg2[%dma_wait3A_72, %dma_wait3A_73] : memref<10000x128xf32, #tpu.memory_space<hbm>> -> memref<16x128xf32, #tpu.memory_space<hbm>>
          tpu.wait_dma2 semaphore(%run_scoped3A : memref<!tpu.dma_semaphore, #tpu.memory_space<semaphore_mem>>) src(%dma_wait3A_74 : memref<16x128xf32, #tpu.memory_space<hbm>>) dst(%dma_wait3A_71 : memref<16x128xf32, #tpu.memory_space<vmem_shared>>)
          tpu.yield
        }) : () -> ()
      } else {
      }
    } else {
    }
    %eq3A_3 = arith.constant 1 : i32
    %eq3A_4 = arith.cmpi eq, %arg0, %eq3A_3 : i32
    %convert_element_type3A_5 = arith.extui %eq3A_4 : i1 to i32
    %cond3A_6 = arith.constant 0 : i32
    %cond3A_7 = arith.cmpi ne, %convert_element_type3A_5, %cond3A_6 : i32
    scf.if %cond3A_7 {
      "tpu.region"() ({
        %run_scoped3A = tpu.sem_alloc : memref<!tpu.dma_semaphore, #tpu.memory_space<semaphore_mem>>
        %dma_start3A_63 = arith.constant 0 : i32
        %dma_start3A_64 = tpu.memref_slice %arg8[%mul3A_0, %dma_start3A_63] : memref<10000x128xf32, #tpu.memory_space<vmem_shared>> -> memref<624x128xf32, #tpu.memory_space<vmem_shared>>
        %dma_start3A_65 = arith.constant 0 : i32
        %dma_start3A_66 = tpu.memref_slice %arg3[%mul3A_0, %dma_start3A_65] : memref<10000x128xf32, #tpu.memory_space<hbm>> -> memref<624x128xf32, #tpu.memory_space<hbm>>
        tpu.enqueue_dma source(%dma_start3A_66 : memref<624x128xf32, #tpu.memory_space<hbm>>) target(%dma_start3A_64 : memref<624x128xf32, #tpu.memory_space<vmem_shared>>) target_semaphore(%run_scoped3A : memref<!tpu.dma_semaphore, #tpu.memory_space<semaphore_mem>>)
        %dma_wait3A_67 = arith.constant 0 : i32
        %dma_wait3A_68 = tpu.memref_slice %arg8[%mul3A_0, %dma_wait3A_67] : memref<10000x128xf32, #tpu.memory_space<vmem_shared>> -> memref<624x128xf32, #tpu.memory_space<vmem_shared>>
        %dma_wait3A_69 = arith.constant 0 : i32
        %dma_wait3A_70 = tpu.memref_slice %arg3[%mul3A_0, %dma_wait3A_69] : memref<10000x128xf32, #tpu.memory_space<hbm>> -> memref<624x128xf32, #tpu.memory_space<hbm>>
        tpu.wait_dma2 semaphore(%run_scoped3A : memref<!tpu.dma_semaphore, #tpu.memory_space<semaphore_mem>>) src(%dma_wait3A_70 : memref<624x128xf32, #tpu.memory_space<hbm>>) dst(%dma_wait3A_68 : memref<624x128xf32, #tpu.memory_space<vmem_shared>>)
        tpu.yield
      }) : () -> ()
      %eq3A_58 = arith.constant 0 : i32
      %eq3A_59 = arith.cmpi eq, %arg1, %eq3A_58 : i32
      %convert_element_type3A_60 = arith.extui %eq3A_59 : i1 to i32
      %cond3A_61 = arith.constant 0 : i32
      %cond3A_62 = arith.cmpi ne, %convert_element_type3A_60, %cond3A_61 : i32
      scf.if %cond3A_62 {
        "tpu.region"() ({
          %run_scoped3A = tpu.sem_alloc : memref<!tpu.dma_semaphore, #tpu.memory_space<semaphore_mem>>
          %dma_start3A_63 = arith.constant 9984 : i32
          %dma_start3A_64 = arith.constant 0 : i32
          %dma_start3A_65 = tpu.memref_slice %arg8[%dma_start3A_63, %dma_start3A_64] : memref<10000x128xf32, #tpu.memory_space<vmem_shared>> -> memref<16x128xf32, #tpu.memory_space<vmem_shared>>
          %dma_start3A_66 = arith.constant 9984 : i32
          %dma_start3A_67 = arith.constant 0 : i32
          %dma_start3A_68 = tpu.memref_slice %arg3[%dma_start3A_66, %dma_start3A_67] : memref<10000x128xf32, #tpu.memory_space<hbm>> -> memref<16x128xf32, #tpu.memory_space<hbm>>
          tpu.enqueue_dma source(%dma_start3A_68 : memref<16x128xf32, #tpu.memory_space<hbm>>) target(%dma_start3A_65 : memref<16x128xf32, #tpu.memory_space<vmem_shared>>) target_semaphore(%run_scoped3A : memref<!tpu.dma_semaphore, #tpu.memory_space<semaphore_mem>>)
          %dma_wait3A_69 = arith.constant 9984 : i32
          %dma_wait3A_70 = arith.constant 0 : i32
          %dma_wait3A_71 = tpu.memref_slice %arg8[%dma_wait3A_69, %dma_wait3A_70] : memref<10000x128xf32, #tpu.memory_space<vmem_shared>> -> memref<16x128xf32, #tpu.memory_space<vmem_shared>>
          %dma_wait3A_72 = arith.constant 9984 : i32
          %dma_wait3A_73 = arith.constant 0 : i32
          %dma_wait3A_74 = tpu.memref_slice %arg3[%dma_wait3A_72, %dma_wait3A_73] : memref<10000x128xf32, #tpu.memory_space<hbm>> -> memref<16x128xf32, #tpu.memory_space<hbm>>
          tpu.wait_dma2 semaphore(%run_scoped3A : memref<!tpu.dma_semaphore, #tpu.memory_space<semaphore_mem>>) src(%dma_wait3A_74 : memref<16x128xf32, #tpu.memory_space<hbm>>) dst(%dma_wait3A_71 : memref<16x128xf32, #tpu.memory_space<vmem_shared>>)
          tpu.yield
        }) : () -> ()
      } else {
      }
    } else {
    }
    "tpu.region"() ({
      %run_scoped3A = tpu.sem_alloc : memref<!tpu.dma_semaphore, #tpu.memory_space<semaphore_mem>>
      %dma_start3A_58 = arith.constant 0 : i32
      %dma_start3A_59 = tpu.memref_slice %arg4[%arg1, %dma_start3A_58] : memref<16x10000xi32, #tpu.memory_space<hbm>> -> memref<1x10000xi32, #tpu.memory_space<hbm>>
      %dma_start3A_60 = tpu.memref_squeeze %dma_start3A_59 : memref<1x10000xi32, #tpu.memory_space<hbm>> -> memref<10000xi32, #tpu.memory_space<hbm>>
      %dma_start3A_61 = arith.constant 0 : i32
      %dma_start3A_62 = tpu.memref_slice %arg4[%arg1, %dma_start3A_61] : memref<16x10000xi32, #tpu.memory_space<hbm>> -> memref<1x10000xi32, #tpu.memory_space<hbm>>
      %dma_start3A_63 = tpu.memref_squeeze %dma_start3A_62 : memref<1x10000xi32, #tpu.memory_space<hbm>> -> memref<10000xi32, #tpu.memory_space<hbm>>
      tpu.enqueue_dma source(%dma_start3A_63 : memref<10000xi32, #tpu.memory_space<hbm>>) target(%arg9 : memref<10000xi32, #tpu.memory_space<vmem>>) target_semaphore(%run_scoped3A : memref<!tpu.dma_semaphore, #tpu.memory_space<semaphore_mem>>)
      %dma_wait3A_64 = arith.constant 0 : i32
      %dma_wait3A_65 = tpu.memref_slice %arg4[%arg1, %dma_wait3A_64] : memref<16x10000xi32, #tpu.memory_space<hbm>> -> memref<1x10000xi32, #tpu.memory_space<hbm>>
      %dma_wait3A_66 = tpu.memref_squeeze %dma_wait3A_65 : memref<1x10000xi32, #tpu.memory_space<hbm>> -> memref<10000xi32, #tpu.memory_space<hbm>>
      %dma_wait3A_67 = arith.constant 0 : i32
      %dma_wait3A_68 = tpu.memref_slice %arg4[%arg1, %dma_wait3A_67] : memref<16x10000xi32, #tpu.memory_space<hbm>> -> memref<1x10000xi32, #tpu.memory_space<hbm>>
      %dma_wait3A_69 = tpu.memref_squeeze %dma_wait3A_68 : memref<1x10000xi32, #tpu.memory_space<hbm>> -> memref<10000xi32, #tpu.memory_space<hbm>>
      tpu.wait_dma2 semaphore(%run_scoped3A : memref<!tpu.dma_semaphore, #tpu.memory_space<semaphore_mem>>) src(%dma_wait3A_69 : memref<10000xi32, #tpu.memory_space<hbm>>) dst(%arg9 : memref<10000xi32, #tpu.memory_space<vmem>>)
      tpu.yield
    }) : () -> ()
    "tpu.region"() ({
      %run_scoped3A = tpu.sem_alloc : memref<!tpu.dma_semaphore, #tpu.memory_space<semaphore_mem>>
      %dma_start3A_58 = arith.constant 0 : i32
      %dma_start3A_59 = arith.constant 0 : i32
      %dma_start3A_60 = tpu.memref_slice %arg5[%arg1, %dma_start3A_58, %dma_start3A_59] : memref<16x125x80xi32, #tpu.memory_space<hbm>> -> memref<1x125x80xi32, #tpu.memory_space<hbm>>
      %dma_start3A_61 = tpu.memref_squeeze %dma_start3A_60 : memref<1x125x80xi32, #tpu.memory_space<hbm>> -> memref<125x80xi32, #tpu.memory_space<hbm>>
      %dma_start3A_62 = arith.constant 0 : i32
      %dma_start3A_63 = arith.constant 0 : i32
      %dma_start3A_64 = tpu.memref_slice %arg5[%arg1, %dma_start3A_62, %dma_start3A_63] : memref<16x125x80xi32, #tpu.memory_space<hbm>> -> memref<1x125x80xi32, #tpu.memory_space<hbm>>
      %dma_start3A_65 = tpu.memref_squeeze %dma_start3A_64 : memref<1x125x80xi32, #tpu.memory_space<hbm>> -> memref<125x80xi32, #tpu.memory_space<hbm>>
      tpu.enqueue_dma source(%dma_start3A_65 : memref<125x80xi32, #tpu.memory_space<hbm>>) target(%arg10 : memref<125x80xi32, #tpu.memory_space<vmem>>) target_semaphore(%run_scoped3A : memref<!tpu.dma_semaphore, #tpu.memory_space<semaphore_mem>>)
      %dma_wait3A_66 = arith.constant 0 : i32
      %dma_wait3A_67 = arith.constant 0 : i32
      %dma_wait3A_68 = tpu.memref_slice %arg5[%arg1, %dma_wait3A_66, %dma_wait3A_67] : memref<16x125x80xi32, #tpu.memory_space<hbm>> -> memref<1x125x80xi32, #tpu.memory_space<hbm>>
      %dma_wait3A_69 = tpu.memref_squeeze %dma_wait3A_68 : memref<1x125x80xi32, #tpu.memory_space<hbm>> -> memref<125x80xi32, #tpu.memory_space<hbm>>
      %dma_wait3A_70 = arith.constant 0 : i32
      %dma_wait3A_71 = arith.constant 0 : i32
      %dma_wait3A_72 = tpu.memref_slice %arg5[%arg1, %dma_wait3A_70, %dma_wait3A_71] : memref<16x125x80xi32, #tpu.memory_space<hbm>> -> memref<1x125x80xi32, #tpu.memory_space<hbm>>
      %dma_wait3A_73 = tpu.memref_squeeze %dma_wait3A_72 : memref<1x125x80xi32, #tpu.memory_space<hbm>> -> memref<125x80xi32, #tpu.memory_space<hbm>>
      tpu.wait_dma2 semaphore(%run_scoped3A : memref<!tpu.dma_semaphore, #tpu.memory_space<semaphore_mem>>) src(%dma_wait3A_73 : memref<125x80xi32, #tpu.memory_space<hbm>>) dst(%arg10 : memref<125x80xi32, #tpu.memory_space<vmem>>)
      tpu.yield
    }) : () -> ()
    %barrier3A = arith.constant 0 : index
    tpu.barrier barrier_id(%barrier3A)
    %eq3A_8 = arith.constant 0 : i32
    %eq3A_9 = arith.cmpi eq, %arg0, %eq3A_8 : i32
    %convert_element_type3A_10 = arith.extui %eq3A_9 : i1 to i32
    %cond3A_11 = arith.constant 0 : i32
    %cond3A_12 = arith.cmpi ne, %convert_element_type3A_10, %cond3A_11 : i32
    scf.if %cond3A_12 {
      %dma_start3A_58 = arith.constant 0 : i32
      %dma_start3A_59 = tpu.memref_slice %arg9[%dma_start3A_58] : memref<10000xi32, #tpu.memory_space<vmem>> -> memref<80xi32, #tpu.memory_space<vmem>>
      %dma_start3A_60 = arith.constant 0 : i32
      %dma_start3A_61 = arith.constant 0 : i32
      %dma_start3A_62 = tpu.memref_slice %arg2[%dma_start3A_60, %dma_start3A_61] : memref<10000x128xf32, #tpu.memory_space<hbm>> -> memref<10000x128xf32, #tpu.memory_space<hbm>>
      tpu.enqueue_indirect_dma source(%dma_start3A_62 : memref<10000x128xf32, #tpu.memory_space<hbm>>) target(%arg11 : memref<80x128xf32, #tpu.memory_space<vmem>>) offsets(%dma_start3A_59 : memref<80xi32, #tpu.memory_space<vmem>>) semaphore(%arg13 : memref<!tpu.dma_semaphore, #tpu.memory_space<semaphore_mem>>)
    } else {
    }
    %eq3A_13 = arith.constant 1 : i32
    %eq3A_14 = arith.cmpi eq, %arg0, %eq3A_13 : i32
    %convert_element_type3A_15 = arith.extui %eq3A_14 : i1 to i32
    %cond3A_16 = arith.constant 0 : i32
    %cond3A_17 = arith.cmpi ne, %convert_element_type3A_15, %cond3A_16 : i32
    scf.if %cond3A_17 {
      %dma_start3A_58 = arith.constant 0 : i32
      %dma_start3A_59 = tpu.memref_slice %arg9[%dma_start3A_58] : memref<10000xi32, #tpu.memory_space<vmem>> -> memref<80xi32, #tpu.memory_space<vmem>>
      %dma_start3A_60 = arith.constant 0 : i32
      %dma_start3A_61 = arith.constant 0 : i32
      %dma_start3A_62 = tpu.memref_slice %arg3[%dma_start3A_60, %dma_start3A_61] : memref<10000x128xf32, #tpu.memory_space<hbm>> -> memref<10000x128xf32, #tpu.memory_space<hbm>>
      tpu.enqueue_indirect_dma source(%dma_start3A_62 : memref<10000x128xf32, #tpu.memory_space<hbm>>) target(%arg11 : memref<80x128xf32, #tpu.memory_space<vmem>>) offsets(%dma_start3A_59 : memref<80xi32, #tpu.memory_space<vmem>>) semaphore(%arg13 : memref<!tpu.dma_semaphore, #tpu.memory_space<semaphore_mem>>)
    } else {
    }
    %scan3A = arith.constant 0 : i32
    %scan3A_18 = arith.constant 0 : i32
    %scan3A_19 = arith.constant 62 : i32
    %scan3A_20 = arith.addi %scan3A_18, %scan3A_19 : i32
    %scan3A_21 = arith.constant 1 : i32
    scf.for %scan3A_58 = %scan3A_18 to %scan3A_20 step %scan3A_21  : i32 {
      %mul3A_59 = arith.constant 2 : i32
      %mul3A_60 = arith.muli %mul3A_59, %scan3A_58 : i32
      %add3A = arith.constant 0 : i32
      %add3A_61 = arith.addi %mul3A_60, %add3A : i32
      %dma_wait3A_62 = arith.constant 0 : i32
      %dma_wait3A_63 = tpu.memref_slice %arg9[%dma_wait3A_62] : memref<10000xi32, #tpu.memory_space<vmem>> -> memref<80xi32, #tpu.memory_space<vmem>>
      %dma_wait3A_64 = arith.constant 0 : i32
      %dma_wait3A_65 = arith.constant 0 : i32
      %dma_wait3A_66 = tpu.memref_slice %arg2[%dma_wait3A_64, %dma_wait3A_65] : memref<10000x128xf32, #tpu.memory_space<hbm>> -> memref<10000x128xf32, #tpu.memory_space<hbm>>
      tpu.wait_indirect_dma semaphore(%arg13 : memref<!tpu.dma_semaphore, #tpu.memory_space<semaphore_mem>>) src(%dma_wait3A_66 : memref<10000x128xf32, #tpu.memory_space<hbm>>) dst(%arg11 : memref<80x128xf32, #tpu.memory_space<vmem>>)
      %dma_start3A_67 = arith.constant 0 : i32
      %dma_start3A_68 = tpu.memref_slice %arg10[%add3A_61, %dma_start3A_67] : memref<125x80xi32, #tpu.memory_space<vmem>> -> memref<1x80xi32, #tpu.memory_space<vmem>>
      %dma_start3A_69 = tpu.memref_squeeze %dma_start3A_68 : memref<1x80xi32, #tpu.memory_space<vmem>> -> memref<80xi32, #tpu.memory_space<vmem>>
      %dma_start3A_70 = arith.constant 0 : i32
      %dma_start3A_71 = arith.constant 0 : i32
      %dma_start3A_72 = tpu.memref_slice %arg8[%dma_start3A_70, %dma_start3A_71] : memref<10000x128xf32, #tpu.memory_space<vmem_shared>> -> memref<10000x128xf32, #tpu.memory_space<vmem_shared>>
      tpu.enqueue_indirect_dma source(%arg11 : memref<80x128xf32, #tpu.memory_space<vmem>>) target(%dma_start3A_72 : memref<10000x128xf32, #tpu.memory_space<vmem_shared>>) offsets(%dma_start3A_69 : memref<80xi32, #tpu.memory_space<vmem>>) semaphore(%arg15 : memref<!tpu.dma_semaphore, #tpu.memory_space<semaphore_mem>>) {add = true}
      %ge3A = arith.constant 1 : i32
      %ge3A_73 = arith.cmpi sge, %add3A_61, %ge3A : i32
      %convert_element_type3A_74 = arith.extui %ge3A_73 : i1 to i32
      %cond3A_75 = arith.constant 0 : i32
      %cond3A_76 = arith.cmpi ne, %convert_element_type3A_74, %cond3A_75 : i32
      scf.if %cond3A_76 {
        %dma_wait3A_110 = arith.constant 0 : i32
        %dma_wait3A_111 = arith.constant 0 : i32
        %dma_wait3A_112 = tpu.memref_slice %arg10[%dma_wait3A_110, %dma_wait3A_111] : memref<125x80xi32, #tpu.memory_space<vmem>> -> memref<1x80xi32, #tpu.memory_space<vmem>>
        %dma_wait3A_113 = tpu.memref_squeeze %dma_wait3A_112 : memref<1x80xi32, #tpu.memory_space<vmem>> -> memref<80xi32, #tpu.memory_space<vmem>>
        %dma_wait3A_114 = arith.constant 0 : i32
        %dma_wait3A_115 = arith.constant 0 : i32
        %dma_wait3A_116 = tpu.memref_slice %arg8[%dma_wait3A_114, %dma_wait3A_115] : memref<10000x128xf32, #tpu.memory_space<vmem_shared>> -> memref<10000x128xf32, #tpu.memory_space<vmem_shared>>
        tpu.wait_indirect_dma semaphore(%arg16 : memref<!tpu.dma_semaphore, #tpu.memory_space<semaphore_mem>>) src(%arg12 : memref<80x128xf32, #tpu.memory_space<vmem>>) dst(%dma_wait3A_116 : memref<10000x128xf32, #tpu.memory_space<vmem_shared>>)
      } else {
      }
      %add3A_77 = arith.constant 1 : i32
      %add3A_78 = arith.addi %add3A_61, %add3A_77 : i32
      %le3A = arith.constant 124 : i32
      %le3A_79 = arith.cmpi sle, %add3A_78, %le3A : i32
      %convert_element_type3A_80 = arith.extui %le3A_79 : i1 to i32
      %cond3A_81 = arith.constant 0 : i32
      %cond3A_82 = arith.cmpi ne, %convert_element_type3A_80, %cond3A_81 : i32
      scf.if %cond3A_82 {
        %add3A_110 = arith.constant 1 : i32
        %add3A_111 = arith.addi %add3A_61, %add3A_110 : i32
        %eq3A_112 = arith.constant 0 : i32
        %eq3A_113 = arith.cmpi eq, %arg0, %eq3A_112 : i32
        %convert_element_type3A_114 = arith.extui %eq3A_113 : i1 to i32
        %cond3A_115 = arith.constant 0 : i32
        %cond3A_116 = arith.cmpi ne, %convert_element_type3A_114, %cond3A_115 : i32
        scf.if %cond3A_116 {
          %mul3A_122 = arith.constant 80 : i32
          %mul3A_123 = arith.muli %add3A_111, %mul3A_122 : i32
          %dma_start3A_124 = tpu.memref_slice %arg9[%mul3A_123] : memref<10000xi32, #tpu.memory_space<vmem>> -> memref<80xi32, #tpu.memory_space<vmem>>
          %dma_start3A_125 = arith.constant 0 : i32
          %dma_start3A_126 = arith.constant 0 : i32
          %dma_start3A_127 = tpu.memref_slice %arg2[%dma_start3A_125, %dma_start3A_126] : memref<10000x128xf32, #tpu.memory_space<hbm>> -> memref<10000x128xf32, #tpu.memory_space<hbm>>
          tpu.enqueue_indirect_dma source(%dma_start3A_127 : memref<10000x128xf32, #tpu.memory_space<hbm>>) target(%arg12 : memref<80x128xf32, #tpu.memory_space<vmem>>) offsets(%dma_start3A_124 : memref<80xi32, #tpu.memory_space<vmem>>) semaphore(%arg14 : memref<!tpu.dma_semaphore, #tpu.memory_space<semaphore_mem>>)
        } else {
        }
        %eq3A_117 = arith.constant 1 : i32
        %eq3A_118 = arith.cmpi eq, %arg0, %eq3A_117 : i32
        %convert_element_type3A_119 = arith.extui %eq3A_118 : i1 to i32
        %cond3A_120 = arith.constant 0 : i32
        %cond3A_121 = arith.cmpi ne, %convert_element_type3A_119, %cond3A_120 : i32
        scf.if %cond3A_121 {
          %mul3A_122 = arith.constant 80 : i32
          %mul3A_123 = arith.muli %add3A_111, %mul3A_122 : i32
          %dma_start3A_124 = tpu.memref_slice %arg9[%mul3A_123] : memref<10000xi32, #tpu.memory_space<vmem>> -> memref<80xi32, #tpu.memory_space<vmem>>
          %dma_start3A_125 = arith.constant 0 : i32
          %dma_start3A_126 = arith.constant 0 : i32
          %dma_start3A_127 = tpu.memref_slice %arg3[%dma_start3A_125, %dma_start3A_126] : memref<10000x128xf32, #tpu.memory_space<hbm>> -> memref<10000x128xf32, #tpu.memory_space<hbm>>
          tpu.enqueue_indirect_dma source(%dma_start3A_127 : memref<10000x128xf32, #tpu.memory_space<hbm>>) target(%arg12 : memref<80x128xf32, #tpu.memory_space<vmem>>) offsets(%dma_start3A_124 : memref<80xi32, #tpu.memory_space<vmem>>) semaphore(%arg14 : memref<!tpu.dma_semaphore, #tpu.memory_space<semaphore_mem>>)
        } else {
        }
      } else {
      }
      %mul3A_83 = arith.constant 2 : i32
      %mul3A_84 = arith.muli %mul3A_83, %scan3A_58 : i32
      %add3A_85 = arith.constant 1 : i32
      %add3A_86 = arith.addi %mul3A_84, %add3A_85 : i32
      %dma_wait3A_87 = arith.constant 0 : i32
      %dma_wait3A_88 = tpu.memref_slice %arg9[%dma_wait3A_87] : memref<10000xi32, #tpu.memory_space<vmem>> -> memref<80xi32, #tpu.memory_space<vmem>>
      %dma_wait3A_89 = arith.constant 0 : i32
      %dma_wait3A_90 = arith.constant 0 : i32
      %dma_wait3A_91 = tpu.memref_slice %arg2[%dma_wait3A_89, %dma_wait3A_90] : memref<10000x128xf32, #tpu.memory_space<hbm>> -> memref<10000x128xf32, #tpu.memory_space<hbm>>
      tpu.wait_indirect_dma semaphore(%arg14 : memref<!tpu.dma_semaphore, #tpu.memory_space<semaphore_mem>>) src(%dma_wait3A_91 : memref<10000x128xf32, #tpu.memory_space<hbm>>) dst(%arg12 : memref<80x128xf32, #tpu.memory_space<vmem>>)
      %dma_start3A_92 = arith.constant 0 : i32
      %dma_start3A_93 = tpu.memref_slice %arg10[%add3A_86, %dma_start3A_92] : memref<125x80xi32, #tpu.memory_space<vmem>> -> memref<1x80xi32, #tpu.memory_space<vmem>>
      %dma_start3A_94 = tpu.memref_squeeze %dma_start3A_93 : memref<1x80xi32, #tpu.memory_space<vmem>> -> memref<80xi32, #tpu.memory_space<vmem>>
      %dma_start3A_95 = arith.constant 0 : i32
      %dma_start3A_96 = arith.constant 0 : i32
      %dma_start3A_97 = tpu.memref_slice %arg8[%dma_start3A_95, %dma_start3A_96] : memref<10000x128xf32, #tpu.memory_space<vmem_shared>> -> memref<10000x128xf32, #tpu.memory_space<vmem_shared>>
      tpu.enqueue_indirect_dma source(%arg12 : memref<80x128xf32, #tpu.memory_space<vmem>>) target(%dma_start3A_97 : memref<10000x128xf32, #tpu.memory_space<vmem_shared>>) offsets(%dma_start3A_94 : memref<80xi32, #tpu.memory_space<vmem>>) semaphore(%arg16 : memref<!tpu.dma_semaphore, #tpu.memory_space<semaphore_mem>>) {add = true}
      %ge3A_98 = arith.constant 1 : i32
      %ge3A_99 = arith.cmpi sge, %add3A_86, %ge3A_98 : i32
      %convert_element_type3A_100 = arith.extui %ge3A_99 : i1 to i32
      %cond3A_101 = arith.constant 0 : i32
      %cond3A_102 = arith.cmpi ne, %convert_element_type3A_100, %cond3A_101 : i32
      scf.if %cond3A_102 {
        %dma_wait3A_110 = arith.constant 0 : i32
        %dma_wait3A_111 = arith.constant 0 : i32
        %dma_wait3A_112 = tpu.memref_slice %arg10[%dma_wait3A_110, %dma_wait3A_111] : memref<125x80xi32, #tpu.memory_space<vmem>> -> memref<1x80xi32, #tpu.memory_space<vmem>>
        %dma_wait3A_113 = tpu.memref_squeeze %dma_wait3A_112 : memref<1x80xi32, #tpu.memory_space<vmem>> -> memref<80xi32, #tpu.memory_space<vmem>>
        %dma_wait3A_114 = arith.constant 0 : i32
        %dma_wait3A_115 = arith.constant 0 : i32
        %dma_wait3A_116 = tpu.memref_slice %arg8[%dma_wait3A_114, %dma_wait3A_115] : memref<10000x128xf32, #tpu.memory_space<vmem_shared>> -> memref<10000x128xf32, #tpu.memory_space<vmem_shared>>
        tpu.wait_indirect_dma semaphore(%arg15 : memref<!tpu.dma_semaphore, #tpu.memory_space<semaphore_mem>>) src(%arg11 : memref<80x128xf32, #tpu.memory_space<vmem>>) dst(%dma_wait3A_116 : memref<10000x128xf32, #tpu.memory_space<vmem_shared>>)
      } else {
      }
      %add3A_103 = arith.constant 1 : i32
      %add3A_104 = arith.addi %add3A_86, %add3A_103 : i32
      %le3A_105 = arith.constant 124 : i32
      %le3A_106 = arith.cmpi sle, %add3A_104, %le3A_105 : i32
      %convert_element_type3A_107 = arith.extui %le3A_106 : i1 to i32
      %cond3A_108 = arith.constant 0 : i32
      %cond3A_109 = arith.cmpi ne, %convert_element_type3A_107, %cond3A_108 : i32
      scf.if %cond3A_109 {
        %add3A_110 = arith.constant 1 : i32
        %add3A_111 = arith.addi %add3A_86, %add3A_110 : i32
        %eq3A_112 = arith.constant 0 : i32
        %eq3A_113 = arith.cmpi eq, %arg0, %eq3A_112 : i32
        %convert_element_type3A_114 = arith.extui %eq3A_113 : i1 to i32
        %cond3A_115 = arith.constant 0 : i32
        %cond3A_116 = arith.cmpi ne, %convert_element_type3A_114, %cond3A_115 : i32
        scf.if %cond3A_116 {
          %mul3A_122 = arith.constant 80 : i32
          %mul3A_123 = arith.muli %add3A_111, %mul3A_122 : i32
          %dma_start3A_124 = tpu.memref_slice %arg9[%mul3A_123] : memref<10000xi32, #tpu.memory_space<vmem>> -> memref<80xi32, #tpu.memory_space<vmem>>
          %dma_start3A_125 = arith.constant 0 : i32
          %dma_start3A_126 = arith.constant 0 : i32
          %dma_start3A_127 = tpu.memref_slice %arg2[%dma_start3A_125, %dma_start3A_126] : memref<10000x128xf32, #tpu.memory_space<hbm>> -> memref<10000x128xf32, #tpu.memory_space<hbm>>
          tpu.enqueue_indirect_dma source(%dma_start3A_127 : memref<10000x128xf32, #tpu.memory_space<hbm>>) target(%arg11 : memref<80x128xf32, #tpu.memory_space<vmem>>) offsets(%dma_start3A_124 : memref<80xi32, #tpu.memory_space<vmem>>) semaphore(%arg13 : memref<!tpu.dma_semaphore, #tpu.memory_space<semaphore_mem>>)
        } else {
        }
        %eq3A_117 = arith.constant 1 : i32
        %eq3A_118 = arith.cmpi eq, %arg0, %eq3A_117 : i32
        %convert_element_type3A_119 = arith.extui %eq3A_118 : i1 to i32
        %cond3A_120 = arith.constant 0 : i32
        %cond3A_121 = arith.cmpi ne, %convert_element_type3A_119, %cond3A_120 : i32
        scf.if %cond3A_121 {
          %mul3A_122 = arith.constant 80 : i32
          %mul3A_123 = arith.muli %add3A_111, %mul3A_122 : i32
          %dma_start3A_124 = tpu.memref_slice %arg9[%mul3A_123] : memref<10000xi32, #tpu.memory_space<vmem>> -> memref<80xi32, #tpu.memory_space<vmem>>
          %dma_start3A_125 = arith.constant 0 : i32
          %dma_start3A_126 = arith.constant 0 : i32
          %dma_start3A_127 = tpu.memref_slice %arg3[%dma_start3A_125, %dma_start3A_126] : memref<10000x128xf32, #tpu.memory_space<hbm>> -> memref<10000x128xf32, #tpu.memory_space<hbm>>
          tpu.enqueue_indirect_dma source(%dma_start3A_127 : memref<10000x128xf32, #tpu.memory_space<hbm>>) target(%arg11 : memref<80x128xf32, #tpu.memory_space<vmem>>) offsets(%dma_start3A_124 : memref<80xi32, #tpu.memory_space<vmem>>) semaphore(%arg13 : memref<!tpu.dma_semaphore, #tpu.memory_space<semaphore_mem>>)
        } else {
        }
      } else {
      }
    }
    %scan3A_22 = arith.constant 62 : i32
    %dma_wait3A = arith.constant 0 : i32
    %dma_wait3A_23 = tpu.memref_slice %arg9[%dma_wait3A] : memref<10000xi32, #tpu.memory_space<vmem>> -> memref<80xi32, #tpu.memory_space<vmem>>
    %dma_wait3A_24 = arith.constant 0 : i32
    %dma_wait3A_25 = arith.constant 0 : i32
    %dma_wait3A_26 = tpu.memref_slice %arg2[%dma_wait3A_24, %dma_wait3A_25] : memref<10000x128xf32, #tpu.memory_space<hbm>> -> memref<10000x128xf32, #tpu.memory_space<hbm>>
    tpu.wait_indirect_dma semaphore(%arg13 : memref<!tpu.dma_semaphore, #tpu.memory_space<semaphore_mem>>) src(%dma_wait3A_26 : memref<10000x128xf32, #tpu.memory_space<hbm>>) dst(%arg11 : memref<80x128xf32, #tpu.memory_space<vmem>>)
    %dma_start3A = arith.constant 124 : i32
    %dma_start3A_27 = arith.constant 0 : i32
    %dma_start3A_28 = tpu.memref_slice %arg10[%dma_start3A, %dma_start3A_27] : memref<125x80xi32, #tpu.memory_space<vmem>> -> memref<1x80xi32, #tpu.memory_space<vmem>>
    %dma_start3A_29 = tpu.memref_squeeze %dma_start3A_28 : memref<1x80xi32, #tpu.memory_space<vmem>> -> memref<80xi32, #tpu.memory_space<vmem>>
    %dma_start3A_30 = arith.constant 0 : i32
    %dma_start3A_31 = arith.constant 0 : i32
    %dma_start3A_32 = tpu.memref_slice %arg8[%dma_start3A_30, %dma_start3A_31] : memref<10000x128xf32, #tpu.memory_space<vmem_shared>> -> memref<10000x128xf32, #tpu.memory_space<vmem_shared>>
    tpu.enqueue_indirect_dma source(%arg11 : memref<80x128xf32, #tpu.memory_space<vmem>>) target(%dma_start3A_32 : memref<10000x128xf32, #tpu.memory_space<vmem_shared>>) offsets(%dma_start3A_29 : memref<80xi32, #tpu.memory_space<vmem>>) semaphore(%arg15 : memref<!tpu.dma_semaphore, #tpu.memory_space<semaphore_mem>>) {add = true}
    %dma_wait3A_33 = arith.constant 0 : i32
    %dma_wait3A_34 = arith.constant 0 : i32
    %dma_wait3A_35 = tpu.memref_slice %arg10[%dma_wait3A_33, %dma_wait3A_34] : memref<125x80xi32, #tpu.memory_space<vmem>> -> memref<1x80xi32, #tpu.memory_space<vmem>>
    %dma_wait3A_36 = tpu.memref_squeeze %dma_wait3A_35 : memref<1x80xi32, #tpu.memory_space<vmem>> -> memref<80xi32, #tpu.memory_space<vmem>>
    %dma_wait3A_37 = arith.constant 0 : i32
    %dma_wait3A_38 = arith.constant 0 : i32
    %dma_wait3A_39 = tpu.memref_slice %arg8[%dma_wait3A_37, %dma_wait3A_38] : memref<10000x128xf32, #tpu.memory_space<vmem_shared>> -> memref<10000x128xf32, #tpu.memory_space<vmem_shared>>
    tpu.wait_indirect_dma semaphore(%arg16 : memref<!tpu.dma_semaphore, #tpu.memory_space<semaphore_mem>>) src(%arg12 : memref<80x128xf32, #tpu.memory_space<vmem>>) dst(%dma_wait3A_39 : memref<10000x128xf32, #tpu.memory_space<vmem_shared>>)
    %dma_wait3A_40 = arith.constant 0 : i32
    %dma_wait3A_41 = arith.constant 0 : i32
    %dma_wait3A_42 = tpu.memref_slice %arg10[%dma_wait3A_40, %dma_wait3A_41] : memref<125x80xi32, #tpu.memory_space<vmem>> -> memref<1x80xi32, #tpu.memory_space<vmem>>
    %dma_wait3A_43 = tpu.memref_squeeze %dma_wait3A_42 : memref<1x80xi32, #tpu.memory_space<vmem>> -> memref<80xi32, #tpu.memory_space<vmem>>
    %dma_wait3A_44 = arith.constant 0 : i32
    %dma_wait3A_45 = arith.constant 0 : i32
    %dma_wait3A_46 = tpu.memref_slice %arg8[%dma_wait3A_44, %dma_wait3A_45] : memref<10000x128xf32, #tpu.memory_space<vmem_shared>> -> memref<10000x128xf32, #tpu.memory_space<vmem_shared>>
    tpu.wait_indirect_dma semaphore(%arg15 : memref<!tpu.dma_semaphore, #tpu.memory_space<semaphore_mem>>) src(%arg11 : memref<80x128xf32, #tpu.memory_space<vmem>>) dst(%dma_wait3A_46 : memref<10000x128xf32, #tpu.memory_space<vmem_shared>>)
    %barrier3A_47 = arith.constant 0 : index
    tpu.barrier barrier_id(%barrier3A_47)
    %eq3A_48 = arith.constant 0 : i32
    %eq3A_49 = arith.cmpi eq, %arg0, %eq3A_48 : i32
    %convert_element_type3A_50 = arith.extui %eq3A_49 : i1 to i32
    %cond3A_51 = arith.constant 0 : i32
    %cond3A_52 = arith.cmpi ne, %convert_element_type3A_50, %cond3A_51 : i32
    scf.if %cond3A_52 {
      "tpu.region"() ({
        %run_scoped3A = tpu.sem_alloc : memref<!tpu.dma_semaphore, #tpu.memory_space<semaphore_mem>>
        %dma_start3A_63 = arith.constant 0 : i32
        %dma_start3A_64 = tpu.memref_slice %arg6[%mul3A_0, %dma_start3A_63] : memref<10000x128xf32, #tpu.memory_space<hbm>> -> memref<624x128xf32, #tpu.memory_space<hbm>>
        %dma_start3A_65 = arith.constant 0 : i32
        %dma_start3A_66 = tpu.memref_slice %arg8[%mul3A_0, %dma_start3A_65] : memref<10000x128xf32, #tpu.memory_space<vmem_shared>> -> memref<624x128xf32, #tpu.memory_space<vmem_shared>>
        tpu.enqueue_dma source(%dma_start3A_66 : memref<624x128xf32, #tpu.memory_space<vmem_shared>>) target(%dma_start3A_64 : memref<624x128xf32, #tpu.memory_space<hbm>>) target_semaphore(%run_scoped3A : memref<!tpu.dma_semaphore, #tpu.memory_space<semaphore_mem>>)
        %dma_wait3A_67 = arith.constant 0 : i32
        %dma_wait3A_68 = tpu.memref_slice %arg6[%mul3A_0, %dma_wait3A_67] : memref<10000x128xf32, #tpu.memory_space<hbm>> -> memref<624x128xf32, #tpu.memory_space<hbm>>
        %dma_wait3A_69 = arith.constant 0 : i32
        %dma_wait3A_70 = tpu.memref_slice %arg8[%mul3A_0, %dma_wait3A_69] : memref<10000x128xf32, #tpu.memory_space<vmem_shared>> -> memref<624x128xf32, #tpu.memory_space<vmem_shared>>
        tpu.wait_dma2 semaphore(%run_scoped3A : memref<!tpu.dma_semaphore, #tpu.memory_space<semaphore_mem>>) src(%dma_wait3A_70 : memref<624x128xf32, #tpu.memory_space<vmem_shared>>) dst(%dma_wait3A_68 : memref<624x128xf32, #tpu.memory_space<hbm>>)
        tpu.yield
      }) : () -> ()
      %eq3A_58 = arith.constant 0 : i32
      %eq3A_59 = arith.cmpi eq, %arg1, %eq3A_58 : i32
      %convert_element_type3A_60 = arith.extui %eq3A_59 : i1 to i32
      %cond3A_61 = arith.constant 0 : i32
      %cond3A_62 = arith.cmpi ne, %convert_element_type3A_60, %cond3A_61 : i32
      scf.if %cond3A_62 {
        "tpu.region"() ({
          %run_scoped3A = tpu.sem_alloc : memref<!tpu.dma_semaphore, #tpu.memory_space<semaphore_mem>>
          %dma_start3A_63 = arith.constant 9984 : i32
          %dma_start3A_64 = arith.constant 0 : i32
          %dma_start3A_65 = tpu.memref_slice %arg6[%dma_start3A_63, %dma_start3A_64] : memref<10000x128xf32, #tpu.memory_space<hbm>> -> memref<16x128xf32, #tpu.memory_space<hbm>>
          %dma_start3A_66 = arith.constant 9984 : i32
          %dma_start3A_67 = arith.constant 0 : i32
          %dma_start3A_68 = tpu.memref_slice %arg8[%dma_start3A_66, %dma_start3A_67] : memref<10000x128xf32, #tpu.memory_space<vmem_shared>> -> memref<16x128xf32, #tpu.memory_space<vmem_shared>>
          tpu.enqueue_dma source(%dma_start3A_68 : memref<16x128xf32, #tpu.memory_space<vmem_shared>>) target(%dma_start3A_65 : memref<16x128xf32, #tpu.memory_space<hbm>>) target_semaphore(%run_scoped3A : memref<!tpu.dma_semaphore, #tpu.memory_space<semaphore_mem>>)
          %dma_wait3A_69 = arith.constant 9984 : i32
          %dma_wait3A_70 = arith.constant 0 : i32
          %dma_wait3A_71 = tpu.memref_slice %arg6[%dma_wait3A_69, %dma_wait3A_70] : memref<10000x128xf32, #tpu.memory_space<hbm>> -> memref<16x128xf32, #tpu.memory_space<hbm>>
          %dma_wait3A_72 = arith.constant 9984 : i32
          %dma_wait3A_73 = arith.constant 0 : i32
          %dma_wait3A_74 = tpu.memref_slice %arg8[%dma_wait3A_72, %dma_wait3A_73] : memref<10000x128xf32, #tpu.memory_space<vmem_shared>> -> memref<16x128xf32, #tpu.memory_space<vmem_shared>>
          tpu.wait_dma2 semaphore(%run_scoped3A : memref<!tpu.dma_semaphore, #tpu.memory_space<semaphore_mem>>) src(%dma_wait3A_74 : memref<16x128xf32, #tpu.memory_space<vmem_shared>>) dst(%dma_wait3A_71 : memref<16x128xf32, #tpu.memory_space<hbm>>)
          tpu.yield
        }) : () -> ()
      } else {
      }
    } else {
    }
    %eq3A_53 = arith.constant 1 : i32
    %eq3A_54 = arith.cmpi eq, %arg0, %eq3A_53 : i32
    %convert_element_type3A_55 = arith.extui %eq3A_54 : i1 to i32
    %cond3A_56 = arith.constant 0 : i32
    %cond3A_57 = arith.cmpi ne, %convert_element_type3A_55, %cond3A_56 : i32
    scf.if %cond3A_57 {
      "tpu.region"() ({
        %run_scoped3A = tpu.sem_alloc : memref<!tpu.dma_semaphore, #tpu.memory_space<semaphore_mem>>
        %dma_start3A_63 = arith.constant 0 : i32
        %dma_start3A_64 = tpu.memref_slice %arg7[%mul3A_0, %dma_start3A_63] : memref<10000x128xf32, #tpu.memory_space<hbm>> -> memref<624x128xf32, #tpu.memory_space<hbm>>
        %dma_start3A_65 = arith.constant 0 : i32
        %dma_start3A_66 = tpu.memref_slice %arg8[%mul3A_0, %dma_start3A_65] : memref<10000x128xf32, #tpu.memory_space<vmem_shared>> -> memref<624x128xf32, #tpu.memory_space<vmem_shared>>
        tpu.enqueue_dma source(%dma_start3A_66 : memref<624x128xf32, #tpu.memory_space<vmem_shared>>) target(%dma_start3A_64 : memref<624x128xf32, #tpu.memory_space<hbm>>) target_semaphore(%run_scoped3A : memref<!tpu.dma_semaphore, #tpu.memory_space<semaphore_mem>>)
        %dma_wait3A_67 = arith.constant 0 : i32
        %dma_wait3A_68 = tpu.memref_slice %arg7[%mul3A_0, %dma_wait3A_67] : memref<10000x128xf32, #tpu.memory_space<hbm>> -> memref<624x128xf32, #tpu.memory_space<hbm>>
        %dma_wait3A_69 = arith.constant 0 : i32
        %dma_wait3A_70 = tpu.memref_slice %arg8[%mul3A_0, %dma_wait3A_69] : memref<10000x128xf32, #tpu.memory_space<vmem_shared>> -> memref<624x128xf32, #tpu.memory_space<vmem_shared>>
        tpu.wait_dma2 semaphore(%run_scoped3A : memref<!tpu.dma_semaphore, #tpu.memory_space<semaphore_mem>>) src(%dma_wait3A_70 : memref<624x128xf32, #tpu.memory_space<vmem_shared>>) dst(%dma_wait3A_68 : memref<624x128xf32, #tpu.memory_space<hbm>>)
        tpu.yield
      }) : () -> ()
      %eq3A_58 = arith.constant 0 : i32
      %eq3A_59 = arith.cmpi eq, %arg1, %eq3A_58 : i32
      %convert_element_type3A_60 = arith.extui %eq3A_59 : i1 to i32
      %cond3A_61 = arith.constant 0 : i32
      %cond3A_62 = arith.cmpi ne, %convert_element_type3A_60, %cond3A_61 : i32
      scf.if %cond3A_62 {
        "tpu.region"() ({
          %run_scoped3A = tpu.sem_alloc : memref<!tpu.dma_semaphore, #tpu.memory_space<semaphore_mem>>
          %dma_start3A_63 = arith.constant 9984 : i32
          %dma_start3A_64 = arith.constant 0 : i32
          %dma_start3A_65 = tpu.memref_slice %arg7[%dma_start3A_63, %dma_start3A_64] : memref<10000x128xf32, #tpu.memory_space<hbm>> -> memref<16x128xf32, #tpu.memory_space<hbm>>
          %dma_start3A_66 = arith.constant 9984 : i32
          %dma_start3A_67 = arith.constant 0 : i32
          %dma_start3A_68 = tpu.memref_slice %arg8[%dma_start3A_66, %dma_start3A_67] : memref<10000x128xf32, #tpu.memory_space<vmem_shared>> -> memref<16x128xf32, #tpu.memory_space<vmem_shared>>
          tpu.enqueue_dma source(%dma_start3A_68 : memref<16x128xf32, #tpu.memory_space<vmem_shared>>) target(%dma_start3A_65 : memref<16x128xf32, #tpu.memory_space<hbm>>) target_semaphore(%run_scoped3A : memref<!tpu.dma_semaphore, #tpu.memory_space<semaphore_mem>>)
          %dma_wait3A_69 = arith.constant 9984 : i32
          %dma_wait3A_70 = arith.constant 0 : i32
          %dma_wait3A_71 = tpu.memref_slice %arg7[%dma_wait3A_69, %dma_wait3A_70] : memref<10000x128xf32, #tpu.memory_space<hbm>> -> memref<16x128xf32, #tpu.memory_space<hbm>>
          %dma_wait3A_72 = arith.constant 9984 : i32
          %dma_wait3A_73 = arith.constant 0 : i32
          %dma_wait3A_74 = tpu.memref_slice %arg8[%dma_wait3A_72, %dma_wait3A_73] : memref<10000x128xf32, #tpu.memory_space<vmem_shared>> -> memref<16x128xf32, #tpu.memory_space<vmem_shared>>
          tpu.wait_dma2 semaphore(%run_scoped3A : memref<!tpu.dma_semaphore, #tpu.memory_space<semaphore_mem>>) src(%dma_wait3A_74 : memref<16x128xf32, #tpu.memory_space<vmem_shared>>) dst(%dma_wait3A_71 : memref<16x128xf32, #tpu.memory_space<hbm>>)
          tpu.yield
        }) : () -> ()
      } else {
      }
    } else {
    }
    return
  }
}

#map = affine_map<(d0, d1) -> (0, 0)>
#map1 = affine_map<(d0, d1) -> (0, 0, 0)>
module attributes {stable_mosaic.version = 14 : i64} {
  func.func @sc_edge_aggregate(%arg0: i32, %arg1: i32, %arg2: memref<10000x128xf32, #tpu.memory_space<hbm>>, %arg3: memref<10000x128xf32, #tpu.memory_space<hbm>>, %arg4: memref<16x10000xi32, #tpu.memory_space<hbm>>, %arg5: memref<16x125x80xi32, #tpu.memory_space<hbm>>, %arg6: memref<10000x128xf32, #tpu.memory_space<hbm>>, %arg7: memref<10000x128xf32, #tpu.memory_space<hbm>>, %arg8: memref<10000x128xf32, #tpu.memory_space<vmem_shared>>, %arg9: memref<10000xi32, #tpu.memory_space<vmem>>, %arg10: memref<125x80xi32, #tpu.memory_space<vmem>>, %arg11: memref<80x128xf32, #tpu.memory_space<vmem>>, %arg12: memref<80x128xf32, #tpu.memory_space<vmem>>, %arg13: memref<!tpu.dma_semaphore, #tpu.memory_space<semaphore_mem>>, %arg14: memref<!tpu.dma_semaphore, #tpu.memory_space<semaphore_mem>>, %arg15: memref<!tpu.dma_semaphore, #tpu.memory_space<semaphore_mem>>, %arg16: memref<!tpu.dma_semaphore, #tpu.memory_space<semaphore_mem>>) attributes {dimension_semantics = [#tpu.dimension_semantics<core_parallel>, #tpu.dimension_semantics<subcore_parallel>], iteration_bounds = array<i64: 2, 16>, scalar_prefetch = 0 : i64, scratch_operands = 9 : i64, tpu.core_type = #tpu.core_type<sc_vector_subcore>, window_params = [{transform_indices = #map}, {transform_indices = #map}, {transform_indices = #map}, {transform_indices = #map1}, {transform_indices = #map}, {transform_indices = #map}]} {
    %mul3A = arith.constant 624 : i32
    %mul3A_0 = arith.muli %arg1, %mul3A : i32
    %eq3A = arith.constant 0 : i32
    %eq3A_1 = arith.cmpi eq, %arg0, %eq3A : i32
    %convert_element_type3A = arith.extui %eq3A_1 : i1 to i32
    %cond3A = arith.constant 0 : i32
    %cond3A_2 = arith.cmpi ne, %convert_element_type3A, %cond3A : i32
    scf.if %cond3A_2 {
      "tpu.region"() ({
        %run_scoped3A = tpu.sem_alloc : memref<!tpu.dma_semaphore, #tpu.memory_space<semaphore_mem>>
        %dma_start3A_63 = arith.constant 0 : i32
        %dma_start3A_64 = tpu.memref_slice %arg8[%mul3A_0, %dma_start3A_63] : memref<10000x128xf32, #tpu.memory_space<vmem_shared>> -> memref<624x128xf32, #tpu.memory_space<vmem_shared>>
        %dma_start3A_65 = arith.constant 0 : i32
        %dma_start3A_66 = tpu.memref_slice %arg2[%mul3A_0, %dma_start3A_65] : memref<10000x128xf32, #tpu.memory_space<hbm>> -> memref<624x128xf32, #tpu.memory_space<hbm>>
        tpu.enqueue_dma source(%dma_start3A_66 : memref<624x128xf32, #tpu.memory_space<hbm>>) target(%dma_start3A_64 : memref<624x128xf32, #tpu.memory_space<vmem_shared>>) target_semaphore(%run_scoped3A : memref<!tpu.dma_semaphore, #tpu.memory_space<semaphore_mem>>)
        %dma_wait3A_67 = arith.constant 0 : i32
        %dma_wait3A_68 = tpu.memref_slice %arg8[%mul3A_0, %dma_wait3A_67] : memref<10000x128xf32, #tpu.memory_space<vmem_shared>> -> memref<624x128xf32, #tpu.memory_space<vmem_shared>>
        %dma_wait3A_69 = arith.constant 0 : i32
        %dma_wait3A_70 = tpu.memref_slice %arg2[%mul3A_0, %dma_wait3A_69] : memref<10000x128xf32, #tpu.memory_space<hbm>> -> memref<624x128xf32, #tpu.memory_space<hbm>>
        tpu.wait_dma2 semaphore(%run_scoped3A : memref<!tpu.dma_semaphore, #tpu.memory_space<semaphore_mem>>) src(%dma_wait3A_70 : memref<624x128xf32, #tpu.memory_space<hbm>>) dst(%dma_wait3A_68 : memref<624x128xf32, #tpu.memory_space<vmem_shared>>)
        tpu.yield
      }) : () -> ()
      %eq3A_58 = arith.constant 0 : i32
      %eq3A_59 = arith.cmpi eq, %arg1, %eq3A_58 : i32
      %convert_element_type3A_60 = arith.extui %eq3A_59 : i1 to i32
      %cond3A_61 = arith.constant 0 : i32
      %cond3A_62 = arith.cmpi ne, %convert_element_type3A_60, %cond3A_61 : i32
      scf.if %cond3A_62 {
        "tpu.region"() ({
          %run_scoped3A = tpu.sem_alloc : memref<!tpu.dma_semaphore, #tpu.memory_space<semaphore_mem>>
          %dma_start3A_63 = arith.constant 9984 : i32
          %dma_start3A_64 = arith.constant 0 : i32
          %dma_start3A_65 = tpu.memref_slice %arg8[%dma_start3A_63, %dma_start3A_64] : memref<10000x128xf32, #tpu.memory_space<vmem_shared>> -> memref<16x128xf32, #tpu.memory_space<vmem_shared>>
          %dma_start3A_66 = arith.constant 9984 : i32
          %dma_start3A_67 = arith.constant 0 : i32
          %dma_start3A_68 = tpu.memref_slice %arg2[%dma_start3A_66, %dma_start3A_67] : memref<10000x128xf32, #tpu.memory_space<hbm>> -> memref<16x128xf32, #tpu.memory_space<hbm>>
          tpu.enqueue_dma source(%dma_start3A_68 : memref<16x128xf32, #tpu.memory_space<hbm>>) target(%dma_start3A_65 : memref<16x128xf32, #tpu.memory_space<vmem_shared>>) target_semaphore(%run_scoped3A : memref<!tpu.dma_semaphore, #tpu.memory_space<semaphore_mem>>)
          %dma_wait3A_69 = arith.constant 9984 : i32
          %dma_wait3A_70 = arith.constant 0 : i32
          %dma_wait3A_71 = tpu.memref_slice %arg8[%dma_wait3A_69, %dma_wait3A_70] : memref<10000x128xf32, #tpu.memory_space<vmem_shared>> -> memref<16x128xf32, #tpu.memory_space<vmem_shared>>
          %dma_wait3A_72 = arith.constant 9984 : i32
          %dma_wait3A_73 = arith.constant 0 : i32
          %dma_wait3A_74 = tpu.memref_slice %arg2[%dma_wait3A_72, %dma_wait3A_73] : memref<10000x128xf32, #tpu.memory_space<hbm>> -> memref<16x128xf32, #tpu.memory_space<hbm>>
          tpu.wait_dma2 semaphore(%run_scoped3A : memref<!tpu.dma_semaphore, #tpu.memory_space<semaphore_mem>>) src(%dma_wait3A_74 : memref<16x128xf32, #tpu.memory_space<hbm>>) dst(%dma_wait3A_71 : memref<16x128xf32, #tpu.memory_space<vmem_shared>>)
          tpu.yield
        }) : () -> ()
      } else {
      }
    } else {
    }
    %eq3A_3 = arith.constant 1 : i32
    %eq3A_4 = arith.cmpi eq, %arg0, %eq3A_3 : i32
    %convert_element_type3A_5 = arith.extui %eq3A_4 : i1 to i32
    %cond3A_6 = arith.constant 0 : i32
    %cond3A_7 = arith.cmpi ne, %convert_element_type3A_5, %cond3A_6 : i32
    scf.if %cond3A_7 {
      "tpu.region"() ({
        %run_scoped3A = tpu.sem_alloc : memref<!tpu.dma_semaphore, #tpu.memory_space<semaphore_mem>>
        %dma_start3A_63 = arith.constant 0 : i32
        %dma_start3A_64 = tpu.memref_slice %arg8[%mul3A_0, %dma_start3A_63] : memref<10000x128xf32, #tpu.memory_space<vmem_shared>> -> memref<624x128xf32, #tpu.memory_space<vmem_shared>>
        %dma_start3A_65 = arith.constant 0 : i32
        %dma_start3A_66 = tpu.memref_slice %arg3[%mul3A_0, %dma_start3A_65] : memref<10000x128xf32, #tpu.memory_space<hbm>> -> memref<624x128xf32, #tpu.memory_space<hbm>>
        tpu.enqueue_dma source(%dma_start3A_66 : memref<624x128xf32, #tpu.memory_space<hbm>>) target(%dma_start3A_64 : memref<624x128xf32, #tpu.memory_space<vmem_shared>>) target_semaphore(%run_scoped3A : memref<!tpu.dma_semaphore, #tpu.memory_space<semaphore_mem>>)
        %dma_wait3A_67 = arith.constant 0 : i32
        %dma_wait3A_68 = tpu.memref_slice %arg8[%mul3A_0, %dma_wait3A_67] : memref<10000x128xf32, #tpu.memory_space<vmem_shared>> -> memref<624x128xf32, #tpu.memory_space<vmem_shared>>
        %dma_wait3A_69 = arith.constant 0 : i32
        %dma_wait3A_70 = tpu.memref_slice %arg3[%mul3A_0, %dma_wait3A_69] : memref<10000x128xf32, #tpu.memory_space<hbm>> -> memref<624x128xf32, #tpu.memory_space<hbm>>
        tpu.wait_dma2 semaphore(%run_scoped3A : memref<!tpu.dma_semaphore, #tpu.memory_space<semaphore_mem>>) src(%dma_wait3A_70 : memref<624x128xf32, #tpu.memory_space<hbm>>) dst(%dma_wait3A_68 : memref<624x128xf32, #tpu.memory_space<vmem_shared>>)
        tpu.yield
      }) : () -> ()
      %eq3A_58 = arith.constant 0 : i32
      %eq3A_59 = arith.cmpi eq, %arg1, %eq3A_58 : i32
      %convert_element_type3A_60 = arith.extui %eq3A_59 : i1 to i32
      %cond3A_61 = arith.constant 0 : i32
      %cond3A_62 = arith.cmpi ne, %convert_element_type3A_60, %cond3A_61 : i32
      scf.if %cond3A_62 {
        "tpu.region"() ({
          %run_scoped3A = tpu.sem_alloc : memref<!tpu.dma_semaphore, #tpu.memory_space<semaphore_mem>>
          %dma_start3A_63 = arith.constant 9984 : i32
          %dma_start3A_64 = arith.constant 0 : i32
          %dma_start3A_65 = tpu.memref_slice %arg8[%dma_start3A_63, %dma_start3A_64] : memref<10000x128xf32, #tpu.memory_space<vmem_shared>> -> memref<16x128xf32, #tpu.memory_space<vmem_shared>>
          %dma_start3A_66 = arith.constant 9984 : i32
          %dma_start3A_67 = arith.constant 0 : i32
          %dma_start3A_68 = tpu.memref_slice %arg3[%dma_start3A_66, %dma_start3A_67] : memref<10000x128xf32, #tpu.memory_space<hbm>> -> memref<16x128xf32, #tpu.memory_space<hbm>>
          tpu.enqueue_dma source(%dma_start3A_68 : memref<16x128xf32, #tpu.memory_space<hbm>>) target(%dma_start3A_65 : memref<16x128xf32, #tpu.memory_space<vmem_shared>>) target_semaphore(%run_scoped3A : memref<!tpu.dma_semaphore, #tpu.memory_space<semaphore_mem>>)
          %dma_wait3A_69 = arith.constant 9984 : i32
          %dma_wait3A_70 = arith.constant 0 : i32
          %dma_wait3A_71 = tpu.memref_slice %arg8[%dma_wait3A_69, %dma_wait3A_70] : memref<10000x128xf32, #tpu.memory_space<vmem_shared>> -> memref<16x128xf32, #tpu.memory_space<vmem_shared>>
          %dma_wait3A_72 = arith.constant 9984 : i32
          %dma_wait3A_73 = arith.constant 0 : i32
          %dma_wait3A_74 = tpu.memref_slice %arg3[%dma_wait3A_72, %dma_wait3A_73] : memref<10000x128xf32, #tpu.memory_space<hbm>> -> memref<16x128xf32, #tpu.memory_space<hbm>>
          tpu.wait_dma2 semaphore(%run_scoped3A : memref<!tpu.dma_semaphore, #tpu.memory_space<semaphore_mem>>) src(%dma_wait3A_74 : memref<16x128xf32, #tpu.memory_space<hbm>>) dst(%dma_wait3A_71 : memref<16x128xf32, #tpu.memory_space<vmem_shared>>)
          tpu.yield
        }) : () -> ()
      } else {
      }
    } else {
    }
    "tpu.region"() ({
      %run_scoped3A = tpu.sem_alloc : memref<!tpu.dma_semaphore, #tpu.memory_space<semaphore_mem>>
      %dma_start3A_58 = arith.constant 0 : i32
      %dma_start3A_59 = tpu.memref_slice %arg4[%arg1, %dma_start3A_58] : memref<16x10000xi32, #tpu.memory_space<hbm>> -> memref<1x10000xi32, #tpu.memory_space<hbm>>
      %dma_start3A_60 = tpu.memref_squeeze %dma_start3A_59 : memref<1x10000xi32, #tpu.memory_space<hbm>> -> memref<10000xi32, #tpu.memory_space<hbm>>
      %dma_start3A_61 = arith.constant 0 : i32
      %dma_start3A_62 = tpu.memref_slice %arg4[%arg1, %dma_start3A_61] : memref<16x10000xi32, #tpu.memory_space<hbm>> -> memref<1x10000xi32, #tpu.memory_space<hbm>>
      %dma_start3A_63 = tpu.memref_squeeze %dma_start3A_62 : memref<1x10000xi32, #tpu.memory_space<hbm>> -> memref<10000xi32, #tpu.memory_space<hbm>>
      tpu.enqueue_dma source(%dma_start3A_63 : memref<10000xi32, #tpu.memory_space<hbm>>) target(%arg9 : memref<10000xi32, #tpu.memory_space<vmem>>) target_semaphore(%run_scoped3A : memref<!tpu.dma_semaphore, #tpu.memory_space<semaphore_mem>>)
      %dma_wait3A_64 = arith.constant 0 : i32
      %dma_wait3A_65 = tpu.memref_slice %arg4[%arg1, %dma_wait3A_64] : memref<16x10000xi32, #tpu.memory_space<hbm>> -> memref<1x10000xi32, #tpu.memory_space<hbm>>
      %dma_wait3A_66 = tpu.memref_squeeze %dma_wait3A_65 : memref<1x10000xi32, #tpu.memory_space<hbm>> -> memref<10000xi32, #tpu.memory_space<hbm>>
      %dma_wait3A_67 = arith.constant 0 : i32
      %dma_wait3A_68 = tpu.memref_slice %arg4[%arg1, %dma_wait3A_67] : memref<16x10000xi32, #tpu.memory_space<hbm>> -> memref<1x10000xi32, #tpu.memory_space<hbm>>
      %dma_wait3A_69 = tpu.memref_squeeze %dma_wait3A_68 : memref<1x10000xi32, #tpu.memory_space<hbm>> -> memref<10000xi32, #tpu.memory_space<hbm>>
      tpu.wait_dma2 semaphore(%run_scoped3A : memref<!tpu.dma_semaphore, #tpu.memory_space<semaphore_mem>>) src(%dma_wait3A_69 : memref<10000xi32, #tpu.memory_space<hbm>>) dst(%arg9 : memref<10000xi32, #tpu.memory_space<vmem>>)
      tpu.yield
    }) : () -> ()
    "tpu.region"() ({
      %run_scoped3A = tpu.sem_alloc : memref<!tpu.dma_semaphore, #tpu.memory_space<semaphore_mem>>
      %dma_start3A_58 = arith.constant 0 : i32
      %dma_start3A_59 = arith.constant 0 : i32
      %dma_start3A_60 = tpu.memref_slice %arg5[%arg1, %dma_start3A_58, %dma_start3A_59] : memref<16x125x80xi32, #tpu.memory_space<hbm>> -> memref<1x125x80xi32, #tpu.memory_space<hbm>>
      %dma_start3A_61 = tpu.memref_squeeze %dma_start3A_60 : memref<1x125x80xi32, #tpu.memory_space<hbm>> -> memref<125x80xi32, #tpu.memory_space<hbm>>
      %dma_start3A_62 = arith.constant 0 : i32
      %dma_start3A_63 = arith.constant 0 : i32
      %dma_start3A_64 = tpu.memref_slice %arg5[%arg1, %dma_start3A_62, %dma_start3A_63] : memref<16x125x80xi32, #tpu.memory_space<hbm>> -> memref<1x125x80xi32, #tpu.memory_space<hbm>>
      %dma_start3A_65 = tpu.memref_squeeze %dma_start3A_64 : memref<1x125x80xi32, #tpu.memory_space<hbm>> -> memref<125x80xi32, #tpu.memory_space<hbm>>
      tpu.enqueue_dma source(%dma_start3A_65 : memref<125x80xi32, #tpu.memory_space<hbm>>) target(%arg10 : memref<125x80xi32, #tpu.memory_space<vmem>>) target_semaphore(%run_scoped3A : memref<!tpu.dma_semaphore, #tpu.memory_space<semaphore_mem>>)
      %dma_wait3A_66 = arith.constant 0 : i32
      %dma_wait3A_67 = arith.constant 0 : i32
      %dma_wait3A_68 = tpu.memref_slice %arg5[%arg1, %dma_wait3A_66, %dma_wait3A_67] : memref<16x125x80xi32, #tpu.memory_space<hbm>> -> memref<1x125x80xi32, #tpu.memory_space<hbm>>
      %dma_wait3A_69 = tpu.memref_squeeze %dma_wait3A_68 : memref<1x125x80xi32, #tpu.memory_space<hbm>> -> memref<125x80xi32, #tpu.memory_space<hbm>>
      %dma_wait3A_70 = arith.constant 0 : i32
      %dma_wait3A_71 = arith.constant 0 : i32
      %dma_wait3A_72 = tpu.memref_slice %arg5[%arg1, %dma_wait3A_70, %dma_wait3A_71] : memref<16x125x80xi32, #tpu.memory_space<hbm>> -> memref<1x125x80xi32, #tpu.memory_space<hbm>>
      %dma_wait3A_73 = tpu.memref_squeeze %dma_wait3A_72 : memref<1x125x80xi32, #tpu.memory_space<hbm>> -> memref<125x80xi32, #tpu.memory_space<hbm>>
      tpu.wait_dma2 semaphore(%run_scoped3A : memref<!tpu.dma_semaphore, #tpu.memory_space<semaphore_mem>>) src(%dma_wait3A_73 : memref<125x80xi32, #tpu.memory_space<hbm>>) dst(%arg10 : memref<125x80xi32, #tpu.memory_space<vmem>>)
      tpu.yield
    }) : () -> ()
    %barrier3A = arith.constant 0 : index
    tpu.barrier barrier_id(%barrier3A)
    %eq3A_8 = arith.constant 0 : i32
    %eq3A_9 = arith.cmpi eq, %arg0, %eq3A_8 : i32
    %convert_element_type3A_10 = arith.extui %eq3A_9 : i1 to i32
    %cond3A_11 = arith.constant 0 : i32
    %cond3A_12 = arith.cmpi ne, %convert_element_type3A_10, %cond3A_11 : i32
    scf.if %cond3A_12 {
      %dma_start3A_58 = arith.constant 0 : i32
      %dma_start3A_59 = tpu.memref_slice %arg9[%dma_start3A_58] : memref<10000xi32, #tpu.memory_space<vmem>> -> memref<80xi32, #tpu.memory_space<vmem>>
      %dma_start3A_60 = arith.constant 0 : i32
      %dma_start3A_61 = arith.constant 0 : i32
      %dma_start3A_62 = tpu.memref_slice %arg2[%dma_start3A_60, %dma_start3A_61] : memref<10000x128xf32, #tpu.memory_space<hbm>> -> memref<10000x128xf32, #tpu.memory_space<hbm>>
      tpu.enqueue_indirect_dma source(%dma_start3A_62 : memref<10000x128xf32, #tpu.memory_space<hbm>>) target(%arg11 : memref<80x128xf32, #tpu.memory_space<vmem>>) offsets(%dma_start3A_59 : memref<80xi32, #tpu.memory_space<vmem>>) semaphore(%arg13 : memref<!tpu.dma_semaphore, #tpu.memory_space<semaphore_mem>>)
    } else {
    }
    %eq3A_13 = arith.constant 1 : i32
    %eq3A_14 = arith.cmpi eq, %arg0, %eq3A_13 : i32
    %convert_element_type3A_15 = arith.extui %eq3A_14 : i1 to i32
    %cond3A_16 = arith.constant 0 : i32
    %cond3A_17 = arith.cmpi ne, %convert_element_type3A_15, %cond3A_16 : i32
    scf.if %cond3A_17 {
      %dma_start3A_58 = arith.constant 0 : i32
      %dma_start3A_59 = tpu.memref_slice %arg9[%dma_start3A_58] : memref<10000xi32, #tpu.memory_space<vmem>> -> memref<80xi32, #tpu.memory_space<vmem>>
      %dma_start3A_60 = arith.constant 0 : i32
      %dma_start3A_61 = arith.constant 0 : i32
      %dma_start3A_62 = tpu.memref_slice %arg3[%dma_start3A_60, %dma_start3A_61] : memref<10000x128xf32, #tpu.memory_space<hbm>> -> memref<10000x128xf32, #tpu.memory_space<hbm>>
      tpu.enqueue_indirect_dma source(%dma_start3A_62 : memref<10000x128xf32, #tpu.memory_space<hbm>>) target(%arg11 : memref<80x128xf32, #tpu.memory_space<vmem>>) offsets(%dma_start3A_59 : memref<80xi32, #tpu.memory_space<vmem>>) semaphore(%arg13 : memref<!tpu.dma_semaphore, #tpu.memory_space<semaphore_mem>>)
    } else {
    }
    %scan3A = arith.constant 0 : i32
    %scan3A_18 = arith.constant 0 : i32
    %scan3A_19 = arith.constant 62 : i32
    %scan3A_20 = arith.addi %scan3A_18, %scan3A_19 : i32
    %scan3A_21 = arith.constant 1 : i32
    scf.for %scan3A_58 = %scan3A_18 to %scan3A_20 step %scan3A_21  : i32 {
      %mul3A_59 = arith.constant 2 : i32
      %mul3A_60 = arith.muli %mul3A_59, %scan3A_58 : i32
      %add3A = arith.constant 0 : i32
      %add3A_61 = arith.addi %mul3A_60, %add3A : i32
      %dma_wait3A_62 = arith.constant 0 : i32
      %dma_wait3A_63 = tpu.memref_slice %arg9[%dma_wait3A_62] : memref<10000xi32, #tpu.memory_space<vmem>> -> memref<80xi32, #tpu.memory_space<vmem>>
      %dma_wait3A_64 = arith.constant 0 : i32
      %dma_wait3A_65 = arith.constant 0 : i32
      %dma_wait3A_66 = tpu.memref_slice %arg2[%dma_wait3A_64, %dma_wait3A_65] : memref<10000x128xf32, #tpu.memory_space<hbm>> -> memref<10000x128xf32, #tpu.memory_space<hbm>>
      tpu.wait_indirect_dma semaphore(%arg13 : memref<!tpu.dma_semaphore, #tpu.memory_space<semaphore_mem>>) src(%dma_wait3A_66 : memref<10000x128xf32, #tpu.memory_space<hbm>>) dst(%arg11 : memref<80x128xf32, #tpu.memory_space<vmem>>)
      %dma_start3A_67 = arith.constant 0 : i32
      %dma_start3A_68 = tpu.memref_slice %arg10[%add3A_61, %dma_start3A_67] : memref<125x80xi32, #tpu.memory_space<vmem>> -> memref<1x80xi32, #tpu.memory_space<vmem>>
      %dma_start3A_69 = tpu.memref_squeeze %dma_start3A_68 : memref<1x80xi32, #tpu.memory_space<vmem>> -> memref<80xi32, #tpu.memory_space<vmem>>
      %dma_start3A_70 = arith.constant 0 : i32
      %dma_start3A_71 = arith.constant 0 : i32
      %dma_start3A_72 = tpu.memref_slice %arg8[%dma_start3A_70, %dma_start3A_71] : memref<10000x128xf32, #tpu.memory_space<vmem_shared>> -> memref<10000x128xf32, #tpu.memory_space<vmem_shared>>
      tpu.enqueue_indirect_dma source(%arg11 : memref<80x128xf32, #tpu.memory_space<vmem>>) target(%dma_start3A_72 : memref<10000x128xf32, #tpu.memory_space<vmem_shared>>) offsets(%dma_start3A_69 : memref<80xi32, #tpu.memory_space<vmem>>) semaphore(%arg15 : memref<!tpu.dma_semaphore, #tpu.memory_space<semaphore_mem>>) {add = true}
      %ge3A = arith.constant 1 : i32
      %ge3A_73 = arith.cmpi sge, %add3A_61, %ge3A : i32
      %convert_element_type3A_74 = arith.extui %ge3A_73 : i1 to i32
      %cond3A_75 = arith.constant 0 : i32
      %cond3A_76 = arith.cmpi ne, %convert_element_type3A_74, %cond3A_75 : i32
      scf.if %cond3A_76 {
        %dma_wait3A_110 = arith.constant 0 : i32
        %dma_wait3A_111 = arith.constant 0 : i32
        %dma_wait3A_112 = tpu.memref_slice %arg10[%dma_wait3A_110, %dma_wait3A_111] : memref<125x80xi32, #tpu.memory_space<vmem>> -> memref<1x80xi32, #tpu.memory_space<vmem>>
        %dma_wait3A_113 = tpu.memref_squeeze %dma_wait3A_112 : memref<1x80xi32, #tpu.memory_space<vmem>> -> memref<80xi32, #tpu.memory_space<vmem>>
        %dma_wait3A_114 = arith.constant 0 : i32
        %dma_wait3A_115 = arith.constant 0 : i32
        %dma_wait3A_116 = tpu.memref_slice %arg8[%dma_wait3A_114, %dma_wait3A_115] : memref<10000x128xf32, #tpu.memory_space<vmem_shared>> -> memref<10000x128xf32, #tpu.memory_space<vmem_shared>>
        tpu.wait_indirect_dma semaphore(%arg16 : memref<!tpu.dma_semaphore, #tpu.memory_space<semaphore_mem>>) src(%arg12 : memref<80x128xf32, #tpu.memory_space<vmem>>) dst(%dma_wait3A_116 : memref<10000x128xf32, #tpu.memory_space<vmem_shared>>)
      } else {
      }
      %add3A_77 = arith.constant 1 : i32
      %add3A_78 = arith.addi %add3A_61, %add3A_77 : i32
      %le3A = arith.constant 124 : i32
      %le3A_79 = arith.cmpi sle, %add3A_78, %le3A : i32
      %convert_element_type3A_80 = arith.extui %le3A_79 : i1 to i32
      %cond3A_81 = arith.constant 0 : i32
      %cond3A_82 = arith.cmpi ne, %convert_element_type3A_80, %cond3A_81 : i32
      scf.if %cond3A_82 {
        %add3A_110 = arith.constant 1 : i32
        %add3A_111 = arith.addi %add3A_61, %add3A_110 : i32
        %eq3A_112 = arith.constant 0 : i32
        %eq3A_113 = arith.cmpi eq, %arg0, %eq3A_112 : i32
        %convert_element_type3A_114 = arith.extui %eq3A_113 : i1 to i32
        %cond3A_115 = arith.constant 0 : i32
        %cond3A_116 = arith.cmpi ne, %convert_element_type3A_114, %cond3A_115 : i32
        scf.if %cond3A_116 {
          %mul3A_122 = arith.constant 80 : i32
          %mul3A_123 = arith.muli %add3A_111, %mul3A_122 : i32
          %dma_start3A_124 = tpu.memref_slice %arg9[%mul3A_123] : memref<10000xi32, #tpu.memory_space<vmem>> -> memref<80xi32, #tpu.memory_space<vmem>>
          %dma_start3A_125 = arith.constant 0 : i32
          %dma_start3A_126 = arith.constant 0 : i32
          %dma_start3A_127 = tpu.memref_slice %arg2[%dma_start3A_125, %dma_start3A_126] : memref<10000x128xf32, #tpu.memory_space<hbm>> -> memref<10000x128xf32, #tpu.memory_space<hbm>>
          tpu.enqueue_indirect_dma source(%dma_start3A_127 : memref<10000x128xf32, #tpu.memory_space<hbm>>) target(%arg12 : memref<80x128xf32, #tpu.memory_space<vmem>>) offsets(%dma_start3A_124 : memref<80xi32, #tpu.memory_space<vmem>>) semaphore(%arg14 : memref<!tpu.dma_semaphore, #tpu.memory_space<semaphore_mem>>)
        } else {
        }
        %eq3A_117 = arith.constant 1 : i32
        %eq3A_118 = arith.cmpi eq, %arg0, %eq3A_117 : i32
        %convert_element_type3A_119 = arith.extui %eq3A_118 : i1 to i32
        %cond3A_120 = arith.constant 0 : i32
        %cond3A_121 = arith.cmpi ne, %convert_element_type3A_119, %cond3A_120 : i32
        scf.if %cond3A_121 {
          %mul3A_122 = arith.constant 80 : i32
          %mul3A_123 = arith.muli %add3A_111, %mul3A_122 : i32
          %dma_start3A_124 = tpu.memref_slice %arg9[%mul3A_123] : memref<10000xi32, #tpu.memory_space<vmem>> -> memref<80xi32, #tpu.memory_space<vmem>>
          %dma_start3A_125 = arith.constant 0 : i32
          %dma_start3A_126 = arith.constant 0 : i32
          %dma_start3A_127 = tpu.memref_slice %arg3[%dma_start3A_125, %dma_start3A_126] : memref<10000x128xf32, #tpu.memory_space<hbm>> -> memref<10000x128xf32, #tpu.memory_space<hbm>>
          tpu.enqueue_indirect_dma source(%dma_start3A_127 : memref<10000x128xf32, #tpu.memory_space<hbm>>) target(%arg12 : memref<80x128xf32, #tpu.memory_space<vmem>>) offsets(%dma_start3A_124 : memref<80xi32, #tpu.memory_space<vmem>>) semaphore(%arg14 : memref<!tpu.dma_semaphore, #tpu.memory_space<semaphore_mem>>)
        } else {
        }
      } else {
      }
      %mul3A_83 = arith.constant 2 : i32
      %mul3A_84 = arith.muli %mul3A_83, %scan3A_58 : i32
      %add3A_85 = arith.constant 1 : i32
      %add3A_86 = arith.addi %mul3A_84, %add3A_85 : i32
      %dma_wait3A_87 = arith.constant 0 : i32
      %dma_wait3A_88 = tpu.memref_slice %arg9[%dma_wait3A_87] : memref<10000xi32, #tpu.memory_space<vmem>> -> memref<80xi32, #tpu.memory_space<vmem>>
      %dma_wait3A_89 = arith.constant 0 : i32
      %dma_wait3A_90 = arith.constant 0 : i32
      %dma_wait3A_91 = tpu.memref_slice %arg2[%dma_wait3A_89, %dma_wait3A_90] : memref<10000x128xf32, #tpu.memory_space<hbm>> -> memref<10000x128xf32, #tpu.memory_space<hbm>>
      tpu.wait_indirect_dma semaphore(%arg14 : memref<!tpu.dma_semaphore, #tpu.memory_space<semaphore_mem>>) src(%dma_wait3A_91 : memref<10000x128xf32, #tpu.memory_space<hbm>>) dst(%arg12 : memref<80x128xf32, #tpu.memory_space<vmem>>)
      %dma_start3A_92 = arith.constant 0 : i32
      %dma_start3A_93 = tpu.memref_slice %arg10[%add3A_86, %dma_start3A_92] : memref<125x80xi32, #tpu.memory_space<vmem>> -> memref<1x80xi32, #tpu.memory_space<vmem>>
      %dma_start3A_94 = tpu.memref_squeeze %dma_start3A_93 : memref<1x80xi32, #tpu.memory_space<vmem>> -> memref<80xi32, #tpu.memory_space<vmem>>
      %dma_start3A_95 = arith.constant 0 : i32
      %dma_start3A_96 = arith.constant 0 : i32
      %dma_start3A_97 = tpu.memref_slice %arg8[%dma_start3A_95, %dma_start3A_96] : memref<10000x128xf32, #tpu.memory_space<vmem_shared>> -> memref<10000x128xf32, #tpu.memory_space<vmem_shared>>
      tpu.enqueue_indirect_dma source(%arg12 : memref<80x128xf32, #tpu.memory_space<vmem>>) target(%dma_start3A_97 : memref<10000x128xf32, #tpu.memory_space<vmem_shared>>) offsets(%dma_start3A_94 : memref<80xi32, #tpu.memory_space<vmem>>) semaphore(%arg16 : memref<!tpu.dma_semaphore, #tpu.memory_space<semaphore_mem>>) {add = true}
      %ge3A_98 = arith.constant 1 : i32
      %ge3A_99 = arith.cmpi sge, %add3A_86, %ge3A_98 : i32
      %convert_element_type3A_100 = arith.extui %ge3A_99 : i1 to i32
      %cond3A_101 = arith.constant 0 : i32
      %cond3A_102 = arith.cmpi ne, %convert_element_type3A_100, %cond3A_101 : i32
      scf.if %cond3A_102 {
        %dma_wait3A_110 = arith.constant 0 : i32
        %dma_wait3A_111 = arith.constant 0 : i32
        %dma_wait3A_112 = tpu.memref_slice %arg10[%dma_wait3A_110, %dma_wait3A_111] : memref<125x80xi32, #tpu.memory_space<vmem>> -> memref<1x80xi32, #tpu.memory_space<vmem>>
        %dma_wait3A_113 = tpu.memref_squeeze %dma_wait3A_112 : memref<1x80xi32, #tpu.memory_space<vmem>> -> memref<80xi32, #tpu.memory_space<vmem>>
        %dma_wait3A_114 = arith.constant 0 : i32
        %dma_wait3A_115 = arith.constant 0 : i32
        %dma_wait3A_116 = tpu.memref_slice %arg8[%dma_wait3A_114, %dma_wait3A_115] : memref<10000x128xf32, #tpu.memory_space<vmem_shared>> -> memref<10000x128xf32, #tpu.memory_space<vmem_shared>>
        tpu.wait_indirect_dma semaphore(%arg15 : memref<!tpu.dma_semaphore, #tpu.memory_space<semaphore_mem>>) src(%arg11 : memref<80x128xf32, #tpu.memory_space<vmem>>) dst(%dma_wait3A_116 : memref<10000x128xf32, #tpu.memory_space<vmem_shared>>)
      } else {
      }
      %add3A_103 = arith.constant 1 : i32
      %add3A_104 = arith.addi %add3A_86, %add3A_103 : i32
      %le3A_105 = arith.constant 124 : i32
      %le3A_106 = arith.cmpi sle, %add3A_104, %le3A_105 : i32
      %convert_element_type3A_107 = arith.extui %le3A_106 : i1 to i32
      %cond3A_108 = arith.constant 0 : i32
      %cond3A_109 = arith.cmpi ne, %convert_element_type3A_107, %cond3A_108 : i32
      scf.if %cond3A_109 {
        %add3A_110 = arith.constant 1 : i32
        %add3A_111 = arith.addi %add3A_86, %add3A_110 : i32
        %eq3A_112 = arith.constant 0 : i32
        %eq3A_113 = arith.cmpi eq, %arg0, %eq3A_112 : i32
        %convert_element_type3A_114 = arith.extui %eq3A_113 : i1 to i32
        %cond3A_115 = arith.constant 0 : i32
        %cond3A_116 = arith.cmpi ne, %convert_element_type3A_114, %cond3A_115 : i32
        scf.if %cond3A_116 {
          %mul3A_122 = arith.constant 80 : i32
          %mul3A_123 = arith.muli %add3A_111, %mul3A_122 : i32
          %dma_start3A_124 = tpu.memref_slice %arg9[%mul3A_123] : memref<10000xi32, #tpu.memory_space<vmem>> -> memref<80xi32, #tpu.memory_space<vmem>>
          %dma_start3A_125 = arith.constant 0 : i32
          %dma_start3A_126 = arith.constant 0 : i32
          %dma_start3A_127 = tpu.memref_slice %arg2[%dma_start3A_125, %dma_start3A_126] : memref<10000x128xf32, #tpu.memory_space<hbm>> -> memref<10000x128xf32, #tpu.memory_space<hbm>>
          tpu.enqueue_indirect_dma source(%dma_start3A_127 : memref<10000x128xf32, #tpu.memory_space<hbm>>) target(%arg11 : memref<80x128xf32, #tpu.memory_space<vmem>>) offsets(%dma_start3A_124 : memref<80xi32, #tpu.memory_space<vmem>>) semaphore(%arg13 : memref<!tpu.dma_semaphore, #tpu.memory_space<semaphore_mem>>)
        } else {
        }
        %eq3A_117 = arith.constant 1 : i32
        %eq3A_118 = arith.cmpi eq, %arg0, %eq3A_117 : i32
        %convert_element_type3A_119 = arith.extui %eq3A_118 : i1 to i32
        %cond3A_120 = arith.constant 0 : i32
        %cond3A_121 = arith.cmpi ne, %convert_element_type3A_119, %cond3A_120 : i32
        scf.if %cond3A_121 {
          %mul3A_122 = arith.constant 80 : i32
          %mul3A_123 = arith.muli %add3A_111, %mul3A_122 : i32
          %dma_start3A_124 = tpu.memref_slice %arg9[%mul3A_123] : memref<10000xi32, #tpu.memory_space<vmem>> -> memref<80xi32, #tpu.memory_space<vmem>>
          %dma_start3A_125 = arith.constant 0 : i32
          %dma_start3A_126 = arith.constant 0 : i32
          %dma_start3A_127 = tpu.memref_slice %arg3[%dma_start3A_125, %dma_start3A_126] : memref<10000x128xf32, #tpu.memory_space<hbm>> -> memref<10000x128xf32, #tpu.memory_space<hbm>>
          tpu.enqueue_indirect_dma source(%dma_start3A_127 : memref<10000x128xf32, #tpu.memory_space<hbm>>) target(%arg11 : memref<80x128xf32, #tpu.memory_space<vmem>>) offsets(%dma_start3A_124 : memref<80xi32, #tpu.memory_space<vmem>>) semaphore(%arg13 : memref<!tpu.dma_semaphore, #tpu.memory_space<semaphore_mem>>)
        } else {
        }
      } else {
      }
    }
    %scan3A_22 = arith.constant 62 : i32
    %dma_wait3A = arith.constant 0 : i32
    %dma_wait3A_23 = tpu.memref_slice %arg9[%dma_wait3A] : memref<10000xi32, #tpu.memory_space<vmem>> -> memref<80xi32, #tpu.memory_space<vmem>>
    %dma_wait3A_24 = arith.constant 0 : i32
    %dma_wait3A_25 = arith.constant 0 : i32
    %dma_wait3A_26 = tpu.memref_slice %arg2[%dma_wait3A_24, %dma_wait3A_25] : memref<10000x128xf32, #tpu.memory_space<hbm>> -> memref<10000x128xf32, #tpu.memory_space<hbm>>
    tpu.wait_indirect_dma semaphore(%arg13 : memref<!tpu.dma_semaphore, #tpu.memory_space<semaphore_mem>>) src(%dma_wait3A_26 : memref<10000x128xf32, #tpu.memory_space<hbm>>) dst(%arg11 : memref<80x128xf32, #tpu.memory_space<vmem>>)
    %dma_start3A = arith.constant 124 : i32
    %dma_start3A_27 = arith.constant 0 : i32
    %dma_start3A_28 = tpu.memref_slice %arg10[%dma_start3A, %dma_start3A_27] : memref<125x80xi32, #tpu.memory_space<vmem>> -> memref<1x80xi32, #tpu.memory_space<vmem>>
    %dma_start3A_29 = tpu.memref_squeeze %dma_start3A_28 : memref<1x80xi32, #tpu.memory_space<vmem>> -> memref<80xi32, #tpu.memory_space<vmem>>
    %dma_start3A_30 = arith.constant 0 : i32
    %dma_start3A_31 = arith.constant 0 : i32
    %dma_start3A_32 = tpu.memref_slice %arg8[%dma_start3A_30, %dma_start3A_31] : memref<10000x128xf32, #tpu.memory_space<vmem_shared>> -> memref<10000x128xf32, #tpu.memory_space<vmem_shared>>
    tpu.enqueue_indirect_dma source(%arg11 : memref<80x128xf32, #tpu.memory_space<vmem>>) target(%dma_start3A_32 : memref<10000x128xf32, #tpu.memory_space<vmem_shared>>) offsets(%dma_start3A_29 : memref<80xi32, #tpu.memory_space<vmem>>) semaphore(%arg15 : memref<!tpu.dma_semaphore, #tpu.memory_space<semaphore_mem>>) {add = true}
    %dma_wait3A_33 = arith.constant 0 : i32
    %dma_wait3A_34 = arith.constant 0 : i32
    %dma_wait3A_35 = tpu.memref_slice %arg10[%dma_wait3A_33, %dma_wait3A_34] : memref<125x80xi32, #tpu.memory_space<vmem>> -> memref<1x80xi32, #tpu.memory_space<vmem>>
    %dma_wait3A_36 = tpu.memref_squeeze %dma_wait3A_35 : memref<1x80xi32, #tpu.memory_space<vmem>> -> memref<80xi32, #tpu.memory_space<vmem>>
    %dma_wait3A_37 = arith.constant 0 : i32
    %dma_wait3A_38 = arith.constant 0 : i32
    %dma_wait3A_39 = tpu.memref_slice %arg8[%dma_wait3A_37, %dma_wait3A_38] : memref<10000x128xf32, #tpu.memory_space<vmem_shared>> -> memref<10000x128xf32, #tpu.memory_space<vmem_shared>>
    tpu.wait_indirect_dma semaphore(%arg16 : memref<!tpu.dma_semaphore, #tpu.memory_space<semaphore_mem>>) src(%arg12 : memref<80x128xf32, #tpu.memory_space<vmem>>) dst(%dma_wait3A_39 : memref<10000x128xf32, #tpu.memory_space<vmem_shared>>)
    %dma_wait3A_40 = arith.constant 0 : i32
    %dma_wait3A_41 = arith.constant 0 : i32
    %dma_wait3A_42 = tpu.memref_slice %arg10[%dma_wait3A_40, %dma_wait3A_41] : memref<125x80xi32, #tpu.memory_space<vmem>> -> memref<1x80xi32, #tpu.memory_space<vmem>>
    %dma_wait3A_43 = tpu.memref_squeeze %dma_wait3A_42 : memref<1x80xi32, #tpu.memory_space<vmem>> -> memref<80xi32, #tpu.memory_space<vmem>>
    %dma_wait3A_44 = arith.constant 0 : i32
    %dma_wait3A_45 = arith.constant 0 : i32
    %dma_wait3A_46 = tpu.memref_slice %arg8[%dma_wait3A_44, %dma_wait3A_45] : memref<10000x128xf32, #tpu.memory_space<vmem_shared>> -> memref<10000x128xf32, #tpu.memory_space<vmem_shared>>
    tpu.wait_indirect_dma semaphore(%arg15 : memref<!tpu.dma_semaphore, #tpu.memory_space<semaphore_mem>>) src(%arg11 : memref<80x128xf32, #tpu.memory_space<vmem>>) dst(%dma_wait3A_46 : memref<10000x128xf32, #tpu.memory_space<vmem_shared>>)
    %barrier3A_47 = arith.constant 0 : index
    tpu.barrier barrier_id(%barrier3A_47)
    %eq3A_48 = arith.constant 0 : i32
    %eq3A_49 = arith.cmpi eq, %arg0, %eq3A_48 : i32
    %convert_element_type3A_50 = arith.extui %eq3A_49 : i1 to i32
    %cond3A_51 = arith.constant 0 : i32
    %cond3A_52 = arith.cmpi ne, %convert_element_type3A_50, %cond3A_51 : i32
    scf.if %cond3A_52 {
      "tpu.region"() ({
        %run_scoped3A = tpu.sem_alloc : memref<!tpu.dma_semaphore, #tpu.memory_space<semaphore_mem>>
        %dma_start3A_63 = arith.constant 0 : i32
        %dma_start3A_64 = tpu.memref_slice %arg6[%mul3A_0, %dma_start3A_63] : memref<10000x128xf32, #tpu.memory_space<hbm>> -> memref<624x128xf32, #tpu.memory_space<hbm>>
        %dma_start3A_65 = arith.constant 0 : i32
        %dma_start3A_66 = tpu.memref_slice %arg8[%mul3A_0, %dma_start3A_65] : memref<10000x128xf32, #tpu.memory_space<vmem_shared>> -> memref<624x128xf32, #tpu.memory_space<vmem_shared>>
        tpu.enqueue_dma source(%dma_start3A_66 : memref<624x128xf32, #tpu.memory_space<vmem_shared>>) target(%dma_start3A_64 : memref<624x128xf32, #tpu.memory_space<hbm>>) target_semaphore(%run_scoped3A : memref<!tpu.dma_semaphore, #tpu.memory_space<semaphore_mem>>)
        %dma_wait3A_67 = arith.constant 0 : i32
        %dma_wait3A_68 = tpu.memref_slice %arg6[%mul3A_0, %dma_wait3A_67] : memref<10000x128xf32, #tpu.memory_space<hbm>> -> memref<624x128xf32, #tpu.memory_space<hbm>>
        %dma_wait3A_69 = arith.constant 0 : i32
        %dma_wait3A_70 = tpu.memref_slice %arg8[%mul3A_0, %dma_wait3A_69] : memref<10000x128xf32, #tpu.memory_space<vmem_shared>> -> memref<624x128xf32, #tpu.memory_space<vmem_shared>>
        tpu.wait_dma2 semaphore(%run_scoped3A : memref<!tpu.dma_semaphore, #tpu.memory_space<semaphore_mem>>) src(%dma_wait3A_70 : memref<624x128xf32, #tpu.memory_space<vmem_shared>>) dst(%dma_wait3A_68 : memref<624x128xf32, #tpu.memory_space<hbm>>)
        tpu.yield
      }) : () -> ()
      %eq3A_58 = arith.constant 0 : i32
      %eq3A_59 = arith.cmpi eq, %arg1, %eq3A_58 : i32
      %convert_element_type3A_60 = arith.extui %eq3A_59 : i1 to i32
      %cond3A_61 = arith.constant 0 : i32
      %cond3A_62 = arith.cmpi ne, %convert_element_type3A_60, %cond3A_61 : i32
      scf.if %cond3A_62 {
        "tpu.region"() ({
          %run_scoped3A = tpu.sem_alloc : memref<!tpu.dma_semaphore, #tpu.memory_space<semaphore_mem>>
          %dma_start3A_63 = arith.constant 9984 : i32
          %dma_start3A_64 = arith.constant 0 : i32
          %dma_start3A_65 = tpu.memref_slice %arg6[%dma_start3A_63, %dma_start3A_64] : memref<10000x128xf32, #tpu.memory_space<hbm>> -> memref<16x128xf32, #tpu.memory_space<hbm>>
          %dma_start3A_66 = arith.constant 9984 : i32
          %dma_start3A_67 = arith.constant 0 : i32
          %dma_start3A_68 = tpu.memref_slice %arg8[%dma_start3A_66, %dma_start3A_67] : memref<10000x128xf32, #tpu.memory_space<vmem_shared>> -> memref<16x128xf32, #tpu.memory_space<vmem_shared>>
          tpu.enqueue_dma source(%dma_start3A_68 : memref<16x128xf32, #tpu.memory_space<vmem_shared>>) target(%dma_start3A_65 : memref<16x128xf32, #tpu.memory_space<hbm>>) target_semaphore(%run_scoped3A : memref<!tpu.dma_semaphore, #tpu.memory_space<semaphore_mem>>)
          %dma_wait3A_69 = arith.constant 9984 : i32
          %dma_wait3A_70 = arith.constant 0 : i32
          %dma_wait3A_71 = tpu.memref_slice %arg6[%dma_wait3A_69, %dma_wait3A_70] : memref<10000x128xf32, #tpu.memory_space<hbm>> -> memref<16x128xf32, #tpu.memory_space<hbm>>
          %dma_wait3A_72 = arith.constant 9984 : i32
          %dma_wait3A_73 = arith.constant 0 : i32
          %dma_wait3A_74 = tpu.memref_slice %arg8[%dma_wait3A_72, %dma_wait3A_73] : memref<10000x128xf32, #tpu.memory_space<vmem_shared>> -> memref<16x128xf32, #tpu.memory_space<vmem_shared>>
          tpu.wait_dma2 semaphore(%run_scoped3A : memref<!tpu.dma_semaphore, #tpu.memory_space<semaphore_mem>>) src(%dma_wait3A_74 : memref<16x128xf32, #tpu.memory_space<vmem_shared>>) dst(%dma_wait3A_71 : memref<16x128xf32, #tpu.memory_space<hbm>>)
          tpu.yield
        }) : () -> ()
      } else {
      }
    } else {
    }
    %eq3A_53 = arith.constant 1 : i32
    %eq3A_54 = arith.cmpi eq, %arg0, %eq3A_53 : i32
    %convert_element_type3A_55 = arith.extui %eq3A_54 : i1 to i32
    %cond3A_56 = arith.constant 0 : i32
    %cond3A_57 = arith.cmpi ne, %convert_element_type3A_55, %cond3A_56 : i32
    scf.if %cond3A_57 {
      "tpu.region"() ({
        %run_scoped3A = tpu.sem_alloc : memref<!tpu.dma_semaphore, #tpu.memory_space<semaphore_mem>>
        %dma_start3A_63 = arith.constant 0 : i32
        %dma_start3A_64 = tpu.memref_slice %arg7[%mul3A_0, %dma_start3A_63] : memref<10000x128xf32, #tpu.memory_space<hbm>> -> memref<624x128xf32, #tpu.memory_space<hbm>>
        %dma_start3A_65 = arith.constant 0 : i32
        %dma_start3A_66 = tpu.memref_slice %arg8[%mul3A_0, %dma_start3A_65] : memref<10000x128xf32, #tpu.memory_space<vmem_shared>> -> memref<624x128xf32, #tpu.memory_space<vmem_shared>>
        tpu.enqueue_dma source(%dma_start3A_66 : memref<624x128xf32, #tpu.memory_space<vmem_shared>>) target(%dma_start3A_64 : memref<624x128xf32, #tpu.memory_space<hbm>>) target_semaphore(%run_scoped3A : memref<!tpu.dma_semaphore, #tpu.memory_space<semaphore_mem>>)
        %dma_wait3A_67 = arith.constant 0 : i32
        %dma_wait3A_68 = tpu.memref_slice %arg7[%mul3A_0, %dma_wait3A_67] : memref<10000x128xf32, #tpu.memory_space<hbm>> -> memref<624x128xf32, #tpu.memory_space<hbm>>
        %dma_wait3A_69 = arith.constant 0 : i32
        %dma_wait3A_70 = tpu.memref_slice %arg8[%mul3A_0, %dma_wait3A_69] : memref<10000x128xf32, #tpu.memory_space<vmem_shared>> -> memref<624x128xf32, #tpu.memory_space<vmem_shared>>
        tpu.wait_dma2 semaphore(%run_scoped3A : memref<!tpu.dma_semaphore, #tpu.memory_space<semaphore_mem>>) src(%dma_wait3A_70 : memref<624x128xf32, #tpu.memory_space<vmem_shared>>) dst(%dma_wait3A_68 : memref<624x128xf32, #tpu.memory_space<hbm>>)
        tpu.yield
      }) : () -> ()
      %eq3A_58 = arith.constant 0 : i32
      %eq3A_59 = arith.cmpi eq, %arg1, %eq3A_58 : i32
      %convert_element_type3A_60 = arith.extui %eq3A_59 : i1 to i32
      %cond3A_61 = arith.constant 0 : i32
      %cond3A_62 = arith.cmpi ne, %convert_element_type3A_60, %cond3A_61 : i32
      scf.if %cond3A_62 {
        "tpu.region"() ({
          %run_scoped3A = tpu.sem_alloc : memref<!tpu.dma_semaphore, #tpu.memory_space<semaphore_mem>>
          %dma_start3A_63 = arith.constant 9984 : i32
          %dma_start3A_64 = arith.constant 0 : i32
          %dma_start3A_65 = tpu.memref_slice %arg7[%dma_start3A_63, %dma_start3A_64] : memref<10000x128xf32, #tpu.memory_space<hbm>> -> memref<16x128xf32, #tpu.memory_space<hbm>>
          %dma_start3A_66 = arith.constant 9984 : i32
          %dma_start3A_67 = arith.constant 0 : i32
          %dma_start3A_68 = tpu.memref_slice %arg8[%dma_start3A_66, %dma_start3A_67] : memref<10000x128xf32, #tpu.memory_space<vmem_shared>> -> memref<16x128xf32, #tpu.memory_space<vmem_shared>>
          tpu.enqueue_dma source(%dma_start3A_68 : memref<16x128xf32, #tpu.memory_space<vmem_shared>>) target(%dma_start3A_65 : memref<16x128xf32, #tpu.memory_space<hbm>>) target_semaphore(%run_scoped3A : memref<!tpu.dma_semaphore, #tpu.memory_space<semaphore_mem>>)
          %dma_wait3A_69 = arith.constant 9984 : i32
          %dma_wait3A_70 = arith.constant 0 : i32
          %dma_wait3A_71 = tpu.memref_slice %arg7[%dma_wait3A_69, %dma_wait3A_70] : memref<10000x128xf32, #tpu.memory_space<hbm>> -> memref<16x128xf32, #tpu.memory_space<hbm>>
          %dma_wait3A_72 = arith.constant 9984 : i32
          %dma_wait3A_73 = arith.constant 0 : i32
          %dma_wait3A_74 = tpu.memref_slice %arg8[%dma_wait3A_72, %dma_wait3A_73] : memref<10000x128xf32, #tpu.memory_space<vmem_shared>> -> memref<16x128xf32, #tpu.memory_space<vmem_shared>>
          tpu.wait_dma2 semaphore(%run_scoped3A : memref<!tpu.dma_semaphore, #tpu.memory_space<semaphore_mem>>) src(%dma_wait3A_74 : memref<16x128xf32, #tpu.memory_space<vmem_shared>>) dst(%dma_wait3A_71 : memref<16x128xf32, #tpu.memory_space<hbm>>)
          tpu.yield
        }) : () -> ()
      } else {
      }
    } else {
    }
    return
  }
}

#map = affine_map<(d0, d1) -> (0, 0)>
#map1 = affine_map<(d0, d1) -> (0, 0, 0)>
module attributes {stable_mosaic.version = 14 : i64} {
  func.func @sc_edge_aggregate(%arg0: i32, %arg1: i32, %arg2: memref<10000x128xf32, #tpu.memory_space<hbm>>, %arg3: memref<10000x128xf32, #tpu.memory_space<hbm>>, %arg4: memref<16x10000xi32, #tpu.memory_space<hbm>>, %arg5: memref<16x125x80xi32, #tpu.memory_space<hbm>>, %arg6: memref<10000x128xf32, #tpu.memory_space<hbm>>, %arg7: memref<10000x128xf32, #tpu.memory_space<hbm>>, %arg8: memref<10000x128xf32, #tpu.memory_space<vmem_shared>>, %arg9: memref<10000xi32, #tpu.memory_space<vmem>>, %arg10: memref<125x80xi32, #tpu.memory_space<vmem>>, %arg11: memref<80x128xf32, #tpu.memory_space<vmem>>, %arg12: memref<80x128xf32, #tpu.memory_space<vmem>>, %arg13: memref<!tpu.dma_semaphore, #tpu.memory_space<semaphore_mem>>, %arg14: memref<!tpu.dma_semaphore, #tpu.memory_space<semaphore_mem>>, %arg15: memref<!tpu.dma_semaphore, #tpu.memory_space<semaphore_mem>>, %arg16: memref<!tpu.dma_semaphore, #tpu.memory_space<semaphore_mem>>) attributes {dimension_semantics = [#tpu.dimension_semantics<core_parallel>, #tpu.dimension_semantics<subcore_parallel>], iteration_bounds = array<i64: 2, 16>, scalar_prefetch = 0 : i64, scratch_operands = 9 : i64, tpu.core_type = #tpu.core_type<sc_vector_subcore>, window_params = [{transform_indices = #map}, {transform_indices = #map}, {transform_indices = #map}, {transform_indices = #map1}, {transform_indices = #map}, {transform_indices = #map}]} {
    %mul3A = arith.constant 624 : i32
    %mul3A_0 = arith.muli %arg1, %mul3A : i32
    %eq3A = arith.constant 0 : i32
    %eq3A_1 = arith.cmpi eq, %arg0, %eq3A : i32
    %convert_element_type3A = arith.extui %eq3A_1 : i1 to i32
    %cond3A = arith.constant 0 : i32
    %cond3A_2 = arith.cmpi ne, %convert_element_type3A, %cond3A : i32
    scf.if %cond3A_2 {
      "tpu.region"() ({
        %run_scoped3A = tpu.sem_alloc : memref<!tpu.dma_semaphore, #tpu.memory_space<semaphore_mem>>
        %dma_start3A_63 = arith.constant 0 : i32
        %dma_start3A_64 = tpu.memref_slice %arg8[%mul3A_0, %dma_start3A_63] : memref<10000x128xf32, #tpu.memory_space<vmem_shared>> -> memref<624x128xf32, #tpu.memory_space<vmem_shared>>
        %dma_start3A_65 = arith.constant 0 : i32
        %dma_start3A_66 = tpu.memref_slice %arg2[%mul3A_0, %dma_start3A_65] : memref<10000x128xf32, #tpu.memory_space<hbm>> -> memref<624x128xf32, #tpu.memory_space<hbm>>
        tpu.enqueue_dma source(%dma_start3A_66 : memref<624x128xf32, #tpu.memory_space<hbm>>) target(%dma_start3A_64 : memref<624x128xf32, #tpu.memory_space<vmem_shared>>) target_semaphore(%run_scoped3A : memref<!tpu.dma_semaphore, #tpu.memory_space<semaphore_mem>>)
        %dma_wait3A_67 = arith.constant 0 : i32
        %dma_wait3A_68 = tpu.memref_slice %arg8[%mul3A_0, %dma_wait3A_67] : memref<10000x128xf32, #tpu.memory_space<vmem_shared>> -> memref<624x128xf32, #tpu.memory_space<vmem_shared>>
        %dma_wait3A_69 = arith.constant 0 : i32
        %dma_wait3A_70 = tpu.memref_slice %arg2[%mul3A_0, %dma_wait3A_69] : memref<10000x128xf32, #tpu.memory_space<hbm>> -> memref<624x128xf32, #tpu.memory_space<hbm>>
        tpu.wait_dma2 semaphore(%run_scoped3A : memref<!tpu.dma_semaphore, #tpu.memory_space<semaphore_mem>>) src(%dma_wait3A_70 : memref<624x128xf32, #tpu.memory_space<hbm>>) dst(%dma_wait3A_68 : memref<624x128xf32, #tpu.memory_space<vmem_shared>>)
        tpu.yield
      }) : () -> ()
      %eq3A_58 = arith.constant 0 : i32
      %eq3A_59 = arith.cmpi eq, %arg1, %eq3A_58 : i32
      %convert_element_type3A_60 = arith.extui %eq3A_59 : i1 to i32
      %cond3A_61 = arith.constant 0 : i32
      %cond3A_62 = arith.cmpi ne, %convert_element_type3A_60, %cond3A_61 : i32
      scf.if %cond3A_62 {
        "tpu.region"() ({
          %run_scoped3A = tpu.sem_alloc : memref<!tpu.dma_semaphore, #tpu.memory_space<semaphore_mem>>
          %dma_start3A_63 = arith.constant 9984 : i32
          %dma_start3A_64 = arith.constant 0 : i32
          %dma_start3A_65 = tpu.memref_slice %arg8[%dma_start3A_63, %dma_start3A_64] : memref<10000x128xf32, #tpu.memory_space<vmem_shared>> -> memref<16x128xf32, #tpu.memory_space<vmem_shared>>
          %dma_start3A_66 = arith.constant 9984 : i32
          %dma_start3A_67 = arith.constant 0 : i32
          %dma_start3A_68 = tpu.memref_slice %arg2[%dma_start3A_66, %dma_start3A_67] : memref<10000x128xf32, #tpu.memory_space<hbm>> -> memref<16x128xf32, #tpu.memory_space<hbm>>
          tpu.enqueue_dma source(%dma_start3A_68 : memref<16x128xf32, #tpu.memory_space<hbm>>) target(%dma_start3A_65 : memref<16x128xf32, #tpu.memory_space<vmem_shared>>) target_semaphore(%run_scoped3A : memref<!tpu.dma_semaphore, #tpu.memory_space<semaphore_mem>>)
          %dma_wait3A_69 = arith.constant 9984 : i32
          %dma_wait3A_70 = arith.constant 0 : i32
          %dma_wait3A_71 = tpu.memref_slice %arg8[%dma_wait3A_69, %dma_wait3A_70] : memref<10000x128xf32, #tpu.memory_space<vmem_shared>> -> memref<16x128xf32, #tpu.memory_space<vmem_shared>>
          %dma_wait3A_72 = arith.constant 9984 : i32
          %dma_wait3A_73 = arith.constant 0 : i32
          %dma_wait3A_74 = tpu.memref_slice %arg2[%dma_wait3A_72, %dma_wait3A_73] : memref<10000x128xf32, #tpu.memory_space<hbm>> -> memref<16x128xf32, #tpu.memory_space<hbm>>
          tpu.wait_dma2 semaphore(%run_scoped3A : memref<!tpu.dma_semaphore, #tpu.memory_space<semaphore_mem>>) src(%dma_wait3A_74 : memref<16x128xf32, #tpu.memory_space<hbm>>) dst(%dma_wait3A_71 : memref<16x128xf32, #tpu.memory_space<vmem_shared>>)
          tpu.yield
        }) : () -> ()
      } else {
      }
    } else {
    }
    %eq3A_3 = arith.constant 1 : i32
    %eq3A_4 = arith.cmpi eq, %arg0, %eq3A_3 : i32
    %convert_element_type3A_5 = arith.extui %eq3A_4 : i1 to i32
    %cond3A_6 = arith.constant 0 : i32
    %cond3A_7 = arith.cmpi ne, %convert_element_type3A_5, %cond3A_6 : i32
    scf.if %cond3A_7 {
      "tpu.region"() ({
        %run_scoped3A = tpu.sem_alloc : memref<!tpu.dma_semaphore, #tpu.memory_space<semaphore_mem>>
        %dma_start3A_63 = arith.constant 0 : i32
        %dma_start3A_64 = tpu.memref_slice %arg8[%mul3A_0, %dma_start3A_63] : memref<10000x128xf32, #tpu.memory_space<vmem_shared>> -> memref<624x128xf32, #tpu.memory_space<vmem_shared>>
        %dma_start3A_65 = arith.constant 0 : i32
        %dma_start3A_66 = tpu.memref_slice %arg3[%mul3A_0, %dma_start3A_65] : memref<10000x128xf32, #tpu.memory_space<hbm>> -> memref<624x128xf32, #tpu.memory_space<hbm>>
        tpu.enqueue_dma source(%dma_start3A_66 : memref<624x128xf32, #tpu.memory_space<hbm>>) target(%dma_start3A_64 : memref<624x128xf32, #tpu.memory_space<vmem_shared>>) target_semaphore(%run_scoped3A : memref<!tpu.dma_semaphore, #tpu.memory_space<semaphore_mem>>)
        %dma_wait3A_67 = arith.constant 0 : i32
        %dma_wait3A_68 = tpu.memref_slice %arg8[%mul3A_0, %dma_wait3A_67] : memref<10000x128xf32, #tpu.memory_space<vmem_shared>> -> memref<624x128xf32, #tpu.memory_space<vmem_shared>>
        %dma_wait3A_69 = arith.constant 0 : i32
        %dma_wait3A_70 = tpu.memref_slice %arg3[%mul3A_0, %dma_wait3A_69] : memref<10000x128xf32, #tpu.memory_space<hbm>> -> memref<624x128xf32, #tpu.memory_space<hbm>>
        tpu.wait_dma2 semaphore(%run_scoped3A : memref<!tpu.dma_semaphore, #tpu.memory_space<semaphore_mem>>) src(%dma_wait3A_70 : memref<624x128xf32, #tpu.memory_space<hbm>>) dst(%dma_wait3A_68 : memref<624x128xf32, #tpu.memory_space<vmem_shared>>)
        tpu.yield
      }) : () -> ()
      %eq3A_58 = arith.constant 0 : i32
      %eq3A_59 = arith.cmpi eq, %arg1, %eq3A_58 : i32
      %convert_element_type3A_60 = arith.extui %eq3A_59 : i1 to i32
      %cond3A_61 = arith.constant 0 : i32
      %cond3A_62 = arith.cmpi ne, %convert_element_type3A_60, %cond3A_61 : i32
      scf.if %cond3A_62 {
        "tpu.region"() ({
          %run_scoped3A = tpu.sem_alloc : memref<!tpu.dma_semaphore, #tpu.memory_space<semaphore_mem>>
          %dma_start3A_63 = arith.constant 9984 : i32
          %dma_start3A_64 = arith.constant 0 : i32
          %dma_start3A_65 = tpu.memref_slice %arg8[%dma_start3A_63, %dma_start3A_64] : memref<10000x128xf32, #tpu.memory_space<vmem_shared>> -> memref<16x128xf32, #tpu.memory_space<vmem_shared>>
          %dma_start3A_66 = arith.constant 9984 : i32
          %dma_start3A_67 = arith.constant 0 : i32
          %dma_start3A_68 = tpu.memref_slice %arg3[%dma_start3A_66, %dma_start3A_67] : memref<10000x128xf32, #tpu.memory_space<hbm>> -> memref<16x128xf32, #tpu.memory_space<hbm>>
          tpu.enqueue_dma source(%dma_start3A_68 : memref<16x128xf32, #tpu.memory_space<hbm>>) target(%dma_start3A_65 : memref<16x128xf32, #tpu.memory_space<vmem_shared>>) target_semaphore(%run_scoped3A : memref<!tpu.dma_semaphore, #tpu.memory_space<semaphore_mem>>)
          %dma_wait3A_69 = arith.constant 9984 : i32
          %dma_wait3A_70 = arith.constant 0 : i32
          %dma_wait3A_71 = tpu.memref_slice %arg8[%dma_wait3A_69, %dma_wait3A_70] : memref<10000x128xf32, #tpu.memory_space<vmem_shared>> -> memref<16x128xf32, #tpu.memory_space<vmem_shared>>
          %dma_wait3A_72 = arith.constant 9984 : i32
          %dma_wait3A_73 = arith.constant 0 : i32
          %dma_wait3A_74 = tpu.memref_slice %arg3[%dma_wait3A_72, %dma_wait3A_73] : memref<10000x128xf32, #tpu.memory_space<hbm>> -> memref<16x128xf32, #tpu.memory_space<hbm>>
          tpu.wait_dma2 semaphore(%run_scoped3A : memref<!tpu.dma_semaphore, #tpu.memory_space<semaphore_mem>>) src(%dma_wait3A_74 : memref<16x128xf32, #tpu.memory_space<hbm>>) dst(%dma_wait3A_71 : memref<16x128xf32, #tpu.memory_space<vmem_shared>>)
          tpu.yield
        }) : () -> ()
      } else {
      }
    } else {
    }
    "tpu.region"() ({
      %run_scoped3A = tpu.sem_alloc : memref<!tpu.dma_semaphore, #tpu.memory_space<semaphore_mem>>
      %dma_start3A_58 = arith.constant 0 : i32
      %dma_start3A_59 = tpu.memref_slice %arg4[%arg1, %dma_start3A_58] : memref<16x10000xi32, #tpu.memory_space<hbm>> -> memref<1x10000xi32, #tpu.memory_space<hbm>>
      %dma_start3A_60 = tpu.memref_squeeze %dma_start3A_59 : memref<1x10000xi32, #tpu.memory_space<hbm>> -> memref<10000xi32, #tpu.memory_space<hbm>>
      %dma_start3A_61 = arith.constant 0 : i32
      %dma_start3A_62 = tpu.memref_slice %arg4[%arg1, %dma_start3A_61] : memref<16x10000xi32, #tpu.memory_space<hbm>> -> memref<1x10000xi32, #tpu.memory_space<hbm>>
      %dma_start3A_63 = tpu.memref_squeeze %dma_start3A_62 : memref<1x10000xi32, #tpu.memory_space<hbm>> -> memref<10000xi32, #tpu.memory_space<hbm>>
      tpu.enqueue_dma source(%dma_start3A_63 : memref<10000xi32, #tpu.memory_space<hbm>>) target(%arg9 : memref<10000xi32, #tpu.memory_space<vmem>>) target_semaphore(%run_scoped3A : memref<!tpu.dma_semaphore, #tpu.memory_space<semaphore_mem>>)
      %dma_wait3A_64 = arith.constant 0 : i32
      %dma_wait3A_65 = tpu.memref_slice %arg4[%arg1, %dma_wait3A_64] : memref<16x10000xi32, #tpu.memory_space<hbm>> -> memref<1x10000xi32, #tpu.memory_space<hbm>>
      %dma_wait3A_66 = tpu.memref_squeeze %dma_wait3A_65 : memref<1x10000xi32, #tpu.memory_space<hbm>> -> memref<10000xi32, #tpu.memory_space<hbm>>
      %dma_wait3A_67 = arith.constant 0 : i32
      %dma_wait3A_68 = tpu.memref_slice %arg4[%arg1, %dma_wait3A_67] : memref<16x10000xi32, #tpu.memory_space<hbm>> -> memref<1x10000xi32, #tpu.memory_space<hbm>>
      %dma_wait3A_69 = tpu.memref_squeeze %dma_wait3A_68 : memref<1x10000xi32, #tpu.memory_space<hbm>> -> memref<10000xi32, #tpu.memory_space<hbm>>
      tpu.wait_dma2 semaphore(%run_scoped3A : memref<!tpu.dma_semaphore, #tpu.memory_space<semaphore_mem>>) src(%dma_wait3A_69 : memref<10000xi32, #tpu.memory_space<hbm>>) dst(%arg9 : memref<10000xi32, #tpu.memory_space<vmem>>)
      tpu.yield
    }) : () -> ()
    "tpu.region"() ({
      %run_scoped3A = tpu.sem_alloc : memref<!tpu.dma_semaphore, #tpu.memory_space<semaphore_mem>>
      %dma_start3A_58 = arith.constant 0 : i32
      %dma_start3A_59 = arith.constant 0 : i32
      %dma_start3A_60 = tpu.memref_slice %arg5[%arg1, %dma_start3A_58, %dma_start3A_59] : memref<16x125x80xi32, #tpu.memory_space<hbm>> -> memref<1x125x80xi32, #tpu.memory_space<hbm>>
      %dma_start3A_61 = tpu.memref_squeeze %dma_start3A_60 : memref<1x125x80xi32, #tpu.memory_space<hbm>> -> memref<125x80xi32, #tpu.memory_space<hbm>>
      %dma_start3A_62 = arith.constant 0 : i32
      %dma_start3A_63 = arith.constant 0 : i32
      %dma_start3A_64 = tpu.memref_slice %arg5[%arg1, %dma_start3A_62, %dma_start3A_63] : memref<16x125x80xi32, #tpu.memory_space<hbm>> -> memref<1x125x80xi32, #tpu.memory_space<hbm>>
      %dma_start3A_65 = tpu.memref_squeeze %dma_start3A_64 : memref<1x125x80xi32, #tpu.memory_space<hbm>> -> memref<125x80xi32, #tpu.memory_space<hbm>>
      tpu.enqueue_dma source(%dma_start3A_65 : memref<125x80xi32, #tpu.memory_space<hbm>>) target(%arg10 : memref<125x80xi32, #tpu.memory_space<vmem>>) target_semaphore(%run_scoped3A : memref<!tpu.dma_semaphore, #tpu.memory_space<semaphore_mem>>)
      %dma_wait3A_66 = arith.constant 0 : i32
      %dma_wait3A_67 = arith.constant 0 : i32
      %dma_wait3A_68 = tpu.memref_slice %arg5[%arg1, %dma_wait3A_66, %dma_wait3A_67] : memref<16x125x80xi32, #tpu.memory_space<hbm>> -> memref<1x125x80xi32, #tpu.memory_space<hbm>>
      %dma_wait3A_69 = tpu.memref_squeeze %dma_wait3A_68 : memref<1x125x80xi32, #tpu.memory_space<hbm>> -> memref<125x80xi32, #tpu.memory_space<hbm>>
      %dma_wait3A_70 = arith.constant 0 : i32
      %dma_wait3A_71 = arith.constant 0 : i32
      %dma_wait3A_72 = tpu.memref_slice %arg5[%arg1, %dma_wait3A_70, %dma_wait3A_71] : memref<16x125x80xi32, #tpu.memory_space<hbm>> -> memref<1x125x80xi32, #tpu.memory_space<hbm>>
      %dma_wait3A_73 = tpu.memref_squeeze %dma_wait3A_72 : memref<1x125x80xi32, #tpu.memory_space<hbm>> -> memref<125x80xi32, #tpu.memory_space<hbm>>
      tpu.wait_dma2 semaphore(%run_scoped3A : memref<!tpu.dma_semaphore, #tpu.memory_space<semaphore_mem>>) src(%dma_wait3A_73 : memref<125x80xi32, #tpu.memory_space<hbm>>) dst(%arg10 : memref<125x80xi32, #tpu.memory_space<vmem>>)
      tpu.yield
    }) : () -> ()
    %barrier3A = arith.constant 0 : index
    tpu.barrier barrier_id(%barrier3A)
    %eq3A_8 = arith.constant 0 : i32
    %eq3A_9 = arith.cmpi eq, %arg0, %eq3A_8 : i32
    %convert_element_type3A_10 = arith.extui %eq3A_9 : i1 to i32
    %cond3A_11 = arith.constant 0 : i32
    %cond3A_12 = arith.cmpi ne, %convert_element_type3A_10, %cond3A_11 : i32
    scf.if %cond3A_12 {
      %dma_start3A_58 = arith.constant 0 : i32
      %dma_start3A_59 = tpu.memref_slice %arg9[%dma_start3A_58] : memref<10000xi32, #tpu.memory_space<vmem>> -> memref<80xi32, #tpu.memory_space<vmem>>
      %dma_start3A_60 = arith.constant 0 : i32
      %dma_start3A_61 = arith.constant 0 : i32
      %dma_start3A_62 = tpu.memref_slice %arg2[%dma_start3A_60, %dma_start3A_61] : memref<10000x128xf32, #tpu.memory_space<hbm>> -> memref<10000x128xf32, #tpu.memory_space<hbm>>
      tpu.enqueue_indirect_dma source(%dma_start3A_62 : memref<10000x128xf32, #tpu.memory_space<hbm>>) target(%arg11 : memref<80x128xf32, #tpu.memory_space<vmem>>) offsets(%dma_start3A_59 : memref<80xi32, #tpu.memory_space<vmem>>) semaphore(%arg13 : memref<!tpu.dma_semaphore, #tpu.memory_space<semaphore_mem>>)
    } else {
    }
    %eq3A_13 = arith.constant 1 : i32
    %eq3A_14 = arith.cmpi eq, %arg0, %eq3A_13 : i32
    %convert_element_type3A_15 = arith.extui %eq3A_14 : i1 to i32
    %cond3A_16 = arith.constant 0 : i32
    %cond3A_17 = arith.cmpi ne, %convert_element_type3A_15, %cond3A_16 : i32
    scf.if %cond3A_17 {
      %dma_start3A_58 = arith.constant 0 : i32
      %dma_start3A_59 = tpu.memref_slice %arg9[%dma_start3A_58] : memref<10000xi32, #tpu.memory_space<vmem>> -> memref<80xi32, #tpu.memory_space<vmem>>
      %dma_start3A_60 = arith.constant 0 : i32
      %dma_start3A_61 = arith.constant 0 : i32
      %dma_start3A_62 = tpu.memref_slice %arg3[%dma_start3A_60, %dma_start3A_61] : memref<10000x128xf32, #tpu.memory_space<hbm>> -> memref<10000x128xf32, #tpu.memory_space<hbm>>
      tpu.enqueue_indirect_dma source(%dma_start3A_62 : memref<10000x128xf32, #tpu.memory_space<hbm>>) target(%arg11 : memref<80x128xf32, #tpu.memory_space<vmem>>) offsets(%dma_start3A_59 : memref<80xi32, #tpu.memory_space<vmem>>) semaphore(%arg13 : memref<!tpu.dma_semaphore, #tpu.memory_space<semaphore_mem>>)
    } else {
    }
    %scan3A = arith.constant 0 : i32
    %scan3A_18 = arith.constant 0 : i32
    %scan3A_19 = arith.constant 62 : i32
    %scan3A_20 = arith.addi %scan3A_18, %scan3A_19 : i32
    %scan3A_21 = arith.constant 1 : i32
    scf.for %scan3A_58 = %scan3A_18 to %scan3A_20 step %scan3A_21  : i32 {
      %mul3A_59 = arith.constant 2 : i32
      %mul3A_60 = arith.muli %mul3A_59, %scan3A_58 : i32
      %add3A = arith.constant 0 : i32
      %add3A_61 = arith.addi %mul3A_60, %add3A : i32
      %dma_wait3A_62 = arith.constant 0 : i32
      %dma_wait3A_63 = tpu.memref_slice %arg9[%dma_wait3A_62] : memref<10000xi32, #tpu.memory_space<vmem>> -> memref<80xi32, #tpu.memory_space<vmem>>
      %dma_wait3A_64 = arith.constant 0 : i32
      %dma_wait3A_65 = arith.constant 0 : i32
      %dma_wait3A_66 = tpu.memref_slice %arg2[%dma_wait3A_64, %dma_wait3A_65] : memref<10000x128xf32, #tpu.memory_space<hbm>> -> memref<10000x128xf32, #tpu.memory_space<hbm>>
      tpu.wait_indirect_dma semaphore(%arg13 : memref<!tpu.dma_semaphore, #tpu.memory_space<semaphore_mem>>) src(%dma_wait3A_66 : memref<10000x128xf32, #tpu.memory_space<hbm>>) dst(%arg11 : memref<80x128xf32, #tpu.memory_space<vmem>>)
      %dma_start3A_67 = arith.constant 0 : i32
      %dma_start3A_68 = tpu.memref_slice %arg10[%add3A_61, %dma_start3A_67] : memref<125x80xi32, #tpu.memory_space<vmem>> -> memref<1x80xi32, #tpu.memory_space<vmem>>
      %dma_start3A_69 = tpu.memref_squeeze %dma_start3A_68 : memref<1x80xi32, #tpu.memory_space<vmem>> -> memref<80xi32, #tpu.memory_space<vmem>>
      %dma_start3A_70 = arith.constant 0 : i32
      %dma_start3A_71 = arith.constant 0 : i32
      %dma_start3A_72 = tpu.memref_slice %arg8[%dma_start3A_70, %dma_start3A_71] : memref<10000x128xf32, #tpu.memory_space<vmem_shared>> -> memref<10000x128xf32, #tpu.memory_space<vmem_shared>>
      tpu.enqueue_indirect_dma source(%arg11 : memref<80x128xf32, #tpu.memory_space<vmem>>) target(%dma_start3A_72 : memref<10000x128xf32, #tpu.memory_space<vmem_shared>>) offsets(%dma_start3A_69 : memref<80xi32, #tpu.memory_space<vmem>>) semaphore(%arg15 : memref<!tpu.dma_semaphore, #tpu.memory_space<semaphore_mem>>) {add = true}
      %ge3A = arith.constant 1 : i32
      %ge3A_73 = arith.cmpi sge, %add3A_61, %ge3A : i32
      %convert_element_type3A_74 = arith.extui %ge3A_73 : i1 to i32
      %cond3A_75 = arith.constant 0 : i32
      %cond3A_76 = arith.cmpi ne, %convert_element_type3A_74, %cond3A_75 : i32
      scf.if %cond3A_76 {
        %dma_wait3A_110 = arith.constant 0 : i32
        %dma_wait3A_111 = arith.constant 0 : i32
        %dma_wait3A_112 = tpu.memref_slice %arg10[%dma_wait3A_110, %dma_wait3A_111] : memref<125x80xi32, #tpu.memory_space<vmem>> -> memref<1x80xi32, #tpu.memory_space<vmem>>
        %dma_wait3A_113 = tpu.memref_squeeze %dma_wait3A_112 : memref<1x80xi32, #tpu.memory_space<vmem>> -> memref<80xi32, #tpu.memory_space<vmem>>
        %dma_wait3A_114 = arith.constant 0 : i32
        %dma_wait3A_115 = arith.constant 0 : i32
        %dma_wait3A_116 = tpu.memref_slice %arg8[%dma_wait3A_114, %dma_wait3A_115] : memref<10000x128xf32, #tpu.memory_space<vmem_shared>> -> memref<10000x128xf32, #tpu.memory_space<vmem_shared>>
        tpu.wait_indirect_dma semaphore(%arg16 : memref<!tpu.dma_semaphore, #tpu.memory_space<semaphore_mem>>) src(%arg12 : memref<80x128xf32, #tpu.memory_space<vmem>>) dst(%dma_wait3A_116 : memref<10000x128xf32, #tpu.memory_space<vmem_shared>>)
      } else {
      }
      %add3A_77 = arith.constant 1 : i32
      %add3A_78 = arith.addi %add3A_61, %add3A_77 : i32
      %le3A = arith.constant 124 : i32
      %le3A_79 = arith.cmpi sle, %add3A_78, %le3A : i32
      %convert_element_type3A_80 = arith.extui %le3A_79 : i1 to i32
      %cond3A_81 = arith.constant 0 : i32
      %cond3A_82 = arith.cmpi ne, %convert_element_type3A_80, %cond3A_81 : i32
      scf.if %cond3A_82 {
        %add3A_110 = arith.constant 1 : i32
        %add3A_111 = arith.addi %add3A_61, %add3A_110 : i32
        %eq3A_112 = arith.constant 0 : i32
        %eq3A_113 = arith.cmpi eq, %arg0, %eq3A_112 : i32
        %convert_element_type3A_114 = arith.extui %eq3A_113 : i1 to i32
        %cond3A_115 = arith.constant 0 : i32
        %cond3A_116 = arith.cmpi ne, %convert_element_type3A_114, %cond3A_115 : i32
        scf.if %cond3A_116 {
          %mul3A_122 = arith.constant 80 : i32
          %mul3A_123 = arith.muli %add3A_111, %mul3A_122 : i32
          %dma_start3A_124 = tpu.memref_slice %arg9[%mul3A_123] : memref<10000xi32, #tpu.memory_space<vmem>> -> memref<80xi32, #tpu.memory_space<vmem>>
          %dma_start3A_125 = arith.constant 0 : i32
          %dma_start3A_126 = arith.constant 0 : i32
          %dma_start3A_127 = tpu.memref_slice %arg2[%dma_start3A_125, %dma_start3A_126] : memref<10000x128xf32, #tpu.memory_space<hbm>> -> memref<10000x128xf32, #tpu.memory_space<hbm>>
          tpu.enqueue_indirect_dma source(%dma_start3A_127 : memref<10000x128xf32, #tpu.memory_space<hbm>>) target(%arg12 : memref<80x128xf32, #tpu.memory_space<vmem>>) offsets(%dma_start3A_124 : memref<80xi32, #tpu.memory_space<vmem>>) semaphore(%arg14 : memref<!tpu.dma_semaphore, #tpu.memory_space<semaphore_mem>>)
        } else {
        }
        %eq3A_117 = arith.constant 1 : i32
        %eq3A_118 = arith.cmpi eq, %arg0, %eq3A_117 : i32
        %convert_element_type3A_119 = arith.extui %eq3A_118 : i1 to i32
        %cond3A_120 = arith.constant 0 : i32
        %cond3A_121 = arith.cmpi ne, %convert_element_type3A_119, %cond3A_120 : i32
        scf.if %cond3A_121 {
          %mul3A_122 = arith.constant 80 : i32
          %mul3A_123 = arith.muli %add3A_111, %mul3A_122 : i32
          %dma_start3A_124 = tpu.memref_slice %arg9[%mul3A_123] : memref<10000xi32, #tpu.memory_space<vmem>> -> memref<80xi32, #tpu.memory_space<vmem>>
          %dma_start3A_125 = arith.constant 0 : i32
          %dma_start3A_126 = arith.constant 0 : i32
          %dma_start3A_127 = tpu.memref_slice %arg3[%dma_start3A_125, %dma_start3A_126] : memref<10000x128xf32, #tpu.memory_space<hbm>> -> memref<10000x128xf32, #tpu.memory_space<hbm>>
          tpu.enqueue_indirect_dma source(%dma_start3A_127 : memref<10000x128xf32, #tpu.memory_space<hbm>>) target(%arg12 : memref<80x128xf32, #tpu.memory_space<vmem>>) offsets(%dma_start3A_124 : memref<80xi32, #tpu.memory_space<vmem>>) semaphore(%arg14 : memref<!tpu.dma_semaphore, #tpu.memory_space<semaphore_mem>>)
        } else {
        }
      } else {
      }
      %mul3A_83 = arith.constant 2 : i32
      %mul3A_84 = arith.muli %mul3A_83, %scan3A_58 : i32
      %add3A_85 = arith.constant 1 : i32
      %add3A_86 = arith.addi %mul3A_84, %add3A_85 : i32
      %dma_wait3A_87 = arith.constant 0 : i32
      %dma_wait3A_88 = tpu.memref_slice %arg9[%dma_wait3A_87] : memref<10000xi32, #tpu.memory_space<vmem>> -> memref<80xi32, #tpu.memory_space<vmem>>
      %dma_wait3A_89 = arith.constant 0 : i32
      %dma_wait3A_90 = arith.constant 0 : i32
      %dma_wait3A_91 = tpu.memref_slice %arg2[%dma_wait3A_89, %dma_wait3A_90] : memref<10000x128xf32, #tpu.memory_space<hbm>> -> memref<10000x128xf32, #tpu.memory_space<hbm>>
      tpu.wait_indirect_dma semaphore(%arg14 : memref<!tpu.dma_semaphore, #tpu.memory_space<semaphore_mem>>) src(%dma_wait3A_91 : memref<10000x128xf32, #tpu.memory_space<hbm>>) dst(%arg12 : memref<80x128xf32, #tpu.memory_space<vmem>>)
      %dma_start3A_92 = arith.constant 0 : i32
      %dma_start3A_93 = tpu.memref_slice %arg10[%add3A_86, %dma_start3A_92] : memref<125x80xi32, #tpu.memory_space<vmem>> -> memref<1x80xi32, #tpu.memory_space<vmem>>
      %dma_start3A_94 = tpu.memref_squeeze %dma_start3A_93 : memref<1x80xi32, #tpu.memory_space<vmem>> -> memref<80xi32, #tpu.memory_space<vmem>>
      %dma_start3A_95 = arith.constant 0 : i32
      %dma_start3A_96 = arith.constant 0 : i32
      %dma_start3A_97 = tpu.memref_slice %arg8[%dma_start3A_95, %dma_start3A_96] : memref<10000x128xf32, #tpu.memory_space<vmem_shared>> -> memref<10000x128xf32, #tpu.memory_space<vmem_shared>>
      tpu.enqueue_indirect_dma source(%arg12 : memref<80x128xf32, #tpu.memory_space<vmem>>) target(%dma_start3A_97 : memref<10000x128xf32, #tpu.memory_space<vmem_shared>>) offsets(%dma_start3A_94 : memref<80xi32, #tpu.memory_space<vmem>>) semaphore(%arg16 : memref<!tpu.dma_semaphore, #tpu.memory_space<semaphore_mem>>) {add = true}
      %ge3A_98 = arith.constant 1 : i32
      %ge3A_99 = arith.cmpi sge, %add3A_86, %ge3A_98 : i32
      %convert_element_type3A_100 = arith.extui %ge3A_99 : i1 to i32
      %cond3A_101 = arith.constant 0 : i32
      %cond3A_102 = arith.cmpi ne, %convert_element_type3A_100, %cond3A_101 : i32
      scf.if %cond3A_102 {
        %dma_wait3A_110 = arith.constant 0 : i32
        %dma_wait3A_111 = arith.constant 0 : i32
        %dma_wait3A_112 = tpu.memref_slice %arg10[%dma_wait3A_110, %dma_wait3A_111] : memref<125x80xi32, #tpu.memory_space<vmem>> -> memref<1x80xi32, #tpu.memory_space<vmem>>
        %dma_wait3A_113 = tpu.memref_squeeze %dma_wait3A_112 : memref<1x80xi32, #tpu.memory_space<vmem>> -> memref<80xi32, #tpu.memory_space<vmem>>
        %dma_wait3A_114 = arith.constant 0 : i32
        %dma_wait3A_115 = arith.constant 0 : i32
        %dma_wait3A_116 = tpu.memref_slice %arg8[%dma_wait3A_114, %dma_wait3A_115] : memref<10000x128xf32, #tpu.memory_space<vmem_shared>> -> memref<10000x128xf32, #tpu.memory_space<vmem_shared>>
        tpu.wait_indirect_dma semaphore(%arg15 : memref<!tpu.dma_semaphore, #tpu.memory_space<semaphore_mem>>) src(%arg11 : memref<80x128xf32, #tpu.memory_space<vmem>>) dst(%dma_wait3A_116 : memref<10000x128xf32, #tpu.memory_space<vmem_shared>>)
      } else {
      }
      %add3A_103 = arith.constant 1 : i32
      %add3A_104 = arith.addi %add3A_86, %add3A_103 : i32
      %le3A_105 = arith.constant 124 : i32
      %le3A_106 = arith.cmpi sle, %add3A_104, %le3A_105 : i32
      %convert_element_type3A_107 = arith.extui %le3A_106 : i1 to i32
      %cond3A_108 = arith.constant 0 : i32
      %cond3A_109 = arith.cmpi ne, %convert_element_type3A_107, %cond3A_108 : i32
      scf.if %cond3A_109 {
        %add3A_110 = arith.constant 1 : i32
        %add3A_111 = arith.addi %add3A_86, %add3A_110 : i32
        %eq3A_112 = arith.constant 0 : i32
        %eq3A_113 = arith.cmpi eq, %arg0, %eq3A_112 : i32
        %convert_element_type3A_114 = arith.extui %eq3A_113 : i1 to i32
        %cond3A_115 = arith.constant 0 : i32
        %cond3A_116 = arith.cmpi ne, %convert_element_type3A_114, %cond3A_115 : i32
        scf.if %cond3A_116 {
          %mul3A_122 = arith.constant 80 : i32
          %mul3A_123 = arith.muli %add3A_111, %mul3A_122 : i32
          %dma_start3A_124 = tpu.memref_slice %arg9[%mul3A_123] : memref<10000xi32, #tpu.memory_space<vmem>> -> memref<80xi32, #tpu.memory_space<vmem>>
          %dma_start3A_125 = arith.constant 0 : i32
          %dma_start3A_126 = arith.constant 0 : i32
          %dma_start3A_127 = tpu.memref_slice %arg2[%dma_start3A_125, %dma_start3A_126] : memref<10000x128xf32, #tpu.memory_space<hbm>> -> memref<10000x128xf32, #tpu.memory_space<hbm>>
          tpu.enqueue_indirect_dma source(%dma_start3A_127 : memref<10000x128xf32, #tpu.memory_space<hbm>>) target(%arg11 : memref<80x128xf32, #tpu.memory_space<vmem>>) offsets(%dma_start3A_124 : memref<80xi32, #tpu.memory_space<vmem>>) semaphore(%arg13 : memref<!tpu.dma_semaphore, #tpu.memory_space<semaphore_mem>>)
        } else {
        }
        %eq3A_117 = arith.constant 1 : i32
        %eq3A_118 = arith.cmpi eq, %arg0, %eq3A_117 : i32
        %convert_element_type3A_119 = arith.extui %eq3A_118 : i1 to i32
        %cond3A_120 = arith.constant 0 : i32
        %cond3A_121 = arith.cmpi ne, %convert_element_type3A_119, %cond3A_120 : i32
        scf.if %cond3A_121 {
          %mul3A_122 = arith.constant 80 : i32
          %mul3A_123 = arith.muli %add3A_111, %mul3A_122 : i32
          %dma_start3A_124 = tpu.memref_slice %arg9[%mul3A_123] : memref<10000xi32, #tpu.memory_space<vmem>> -> memref<80xi32, #tpu.memory_space<vmem>>
          %dma_start3A_125 = arith.constant 0 : i32
          %dma_start3A_126 = arith.constant 0 : i32
          %dma_start3A_127 = tpu.memref_slice %arg3[%dma_start3A_125, %dma_start3A_126] : memref<10000x128xf32, #tpu.memory_space<hbm>> -> memref<10000x128xf32, #tpu.memory_space<hbm>>
          tpu.enqueue_indirect_dma source(%dma_start3A_127 : memref<10000x128xf32, #tpu.memory_space<hbm>>) target(%arg11 : memref<80x128xf32, #tpu.memory_space<vmem>>) offsets(%dma_start3A_124 : memref<80xi32, #tpu.memory_space<vmem>>) semaphore(%arg13 : memref<!tpu.dma_semaphore, #tpu.memory_space<semaphore_mem>>)
        } else {
        }
      } else {
      }
    }
    %scan3A_22 = arith.constant 62 : i32
    %dma_wait3A = arith.constant 0 : i32
    %dma_wait3A_23 = tpu.memref_slice %arg9[%dma_wait3A] : memref<10000xi32, #tpu.memory_space<vmem>> -> memref<80xi32, #tpu.memory_space<vmem>>
    %dma_wait3A_24 = arith.constant 0 : i32
    %dma_wait3A_25 = arith.constant 0 : i32
    %dma_wait3A_26 = tpu.memref_slice %arg2[%dma_wait3A_24, %dma_wait3A_25] : memref<10000x128xf32, #tpu.memory_space<hbm>> -> memref<10000x128xf32, #tpu.memory_space<hbm>>
    tpu.wait_indirect_dma semaphore(%arg13 : memref<!tpu.dma_semaphore, #tpu.memory_space<semaphore_mem>>) src(%dma_wait3A_26 : memref<10000x128xf32, #tpu.memory_space<hbm>>) dst(%arg11 : memref<80x128xf32, #tpu.memory_space<vmem>>)
    %dma_start3A = arith.constant 124 : i32
    %dma_start3A_27 = arith.constant 0 : i32
    %dma_start3A_28 = tpu.memref_slice %arg10[%dma_start3A, %dma_start3A_27] : memref<125x80xi32, #tpu.memory_space<vmem>> -> memref<1x80xi32, #tpu.memory_space<vmem>>
    %dma_start3A_29 = tpu.memref_squeeze %dma_start3A_28 : memref<1x80xi32, #tpu.memory_space<vmem>> -> memref<80xi32, #tpu.memory_space<vmem>>
    %dma_start3A_30 = arith.constant 0 : i32
    %dma_start3A_31 = arith.constant 0 : i32
    %dma_start3A_32 = tpu.memref_slice %arg8[%dma_start3A_30, %dma_start3A_31] : memref<10000x128xf32, #tpu.memory_space<vmem_shared>> -> memref<10000x128xf32, #tpu.memory_space<vmem_shared>>
    tpu.enqueue_indirect_dma source(%arg11 : memref<80x128xf32, #tpu.memory_space<vmem>>) target(%dma_start3A_32 : memref<10000x128xf32, #tpu.memory_space<vmem_shared>>) offsets(%dma_start3A_29 : memref<80xi32, #tpu.memory_space<vmem>>) semaphore(%arg15 : memref<!tpu.dma_semaphore, #tpu.memory_space<semaphore_mem>>) {add = true}
    %dma_wait3A_33 = arith.constant 0 : i32
    %dma_wait3A_34 = arith.constant 0 : i32
    %dma_wait3A_35 = tpu.memref_slice %arg10[%dma_wait3A_33, %dma_wait3A_34] : memref<125x80xi32, #tpu.memory_space<vmem>> -> memref<1x80xi32, #tpu.memory_space<vmem>>
    %dma_wait3A_36 = tpu.memref_squeeze %dma_wait3A_35 : memref<1x80xi32, #tpu.memory_space<vmem>> -> memref<80xi32, #tpu.memory_space<vmem>>
    %dma_wait3A_37 = arith.constant 0 : i32
    %dma_wait3A_38 = arith.constant 0 : i32
    %dma_wait3A_39 = tpu.memref_slice %arg8[%dma_wait3A_37, %dma_wait3A_38] : memref<10000x128xf32, #tpu.memory_space<vmem_shared>> -> memref<10000x128xf32, #tpu.memory_space<vmem_shared>>
    tpu.wait_indirect_dma semaphore(%arg16 : memref<!tpu.dma_semaphore, #tpu.memory_space<semaphore_mem>>) src(%arg12 : memref<80x128xf32, #tpu.memory_space<vmem>>) dst(%dma_wait3A_39 : memref<10000x128xf32, #tpu.memory_space<vmem_shared>>)
    %dma_wait3A_40 = arith.constant 0 : i32
    %dma_wait3A_41 = arith.constant 0 : i32
    %dma_wait3A_42 = tpu.memref_slice %arg10[%dma_wait3A_40, %dma_wait3A_41] : memref<125x80xi32, #tpu.memory_space<vmem>> -> memref<1x80xi32, #tpu.memory_space<vmem>>
    %dma_wait3A_43 = tpu.memref_squeeze %dma_wait3A_42 : memref<1x80xi32, #tpu.memory_space<vmem>> -> memref<80xi32, #tpu.memory_space<vmem>>
    %dma_wait3A_44 = arith.constant 0 : i32
    %dma_wait3A_45 = arith.constant 0 : i32
    %dma_wait3A_46 = tpu.memref_slice %arg8[%dma_wait3A_44, %dma_wait3A_45] : memref<10000x128xf32, #tpu.memory_space<vmem_shared>> -> memref<10000x128xf32, #tpu.memory_space<vmem_shared>>
    tpu.wait_indirect_dma semaphore(%arg15 : memref<!tpu.dma_semaphore, #tpu.memory_space<semaphore_mem>>) src(%arg11 : memref<80x128xf32, #tpu.memory_space<vmem>>) dst(%dma_wait3A_46 : memref<10000x128xf32, #tpu.memory_space<vmem_shared>>)
    %barrier3A_47 = arith.constant 0 : index
    tpu.barrier barrier_id(%barrier3A_47)
    %eq3A_48 = arith.constant 0 : i32
    %eq3A_49 = arith.cmpi eq, %arg0, %eq3A_48 : i32
    %convert_element_type3A_50 = arith.extui %eq3A_49 : i1 to i32
    %cond3A_51 = arith.constant 0 : i32
    %cond3A_52 = arith.cmpi ne, %convert_element_type3A_50, %cond3A_51 : i32
    scf.if %cond3A_52 {
      "tpu.region"() ({
        %run_scoped3A = tpu.sem_alloc : memref<!tpu.dma_semaphore, #tpu.memory_space<semaphore_mem>>
        %dma_start3A_63 = arith.constant 0 : i32
        %dma_start3A_64 = tpu.memref_slice %arg6[%mul3A_0, %dma_start3A_63] : memref<10000x128xf32, #tpu.memory_space<hbm>> -> memref<624x128xf32, #tpu.memory_space<hbm>>
        %dma_start3A_65 = arith.constant 0 : i32
        %dma_start3A_66 = tpu.memref_slice %arg8[%mul3A_0, %dma_start3A_65] : memref<10000x128xf32, #tpu.memory_space<vmem_shared>> -> memref<624x128xf32, #tpu.memory_space<vmem_shared>>
        tpu.enqueue_dma source(%dma_start3A_66 : memref<624x128xf32, #tpu.memory_space<vmem_shared>>) target(%dma_start3A_64 : memref<624x128xf32, #tpu.memory_space<hbm>>) target_semaphore(%run_scoped3A : memref<!tpu.dma_semaphore, #tpu.memory_space<semaphore_mem>>)
        %dma_wait3A_67 = arith.constant 0 : i32
        %dma_wait3A_68 = tpu.memref_slice %arg6[%mul3A_0, %dma_wait3A_67] : memref<10000x128xf32, #tpu.memory_space<hbm>> -> memref<624x128xf32, #tpu.memory_space<hbm>>
        %dma_wait3A_69 = arith.constant 0 : i32
        %dma_wait3A_70 = tpu.memref_slice %arg8[%mul3A_0, %dma_wait3A_69] : memref<10000x128xf32, #tpu.memory_space<vmem_shared>> -> memref<624x128xf32, #tpu.memory_space<vmem_shared>>
        tpu.wait_dma2 semaphore(%run_scoped3A : memref<!tpu.dma_semaphore, #tpu.memory_space<semaphore_mem>>) src(%dma_wait3A_70 : memref<624x128xf32, #tpu.memory_space<vmem_shared>>) dst(%dma_wait3A_68 : memref<624x128xf32, #tpu.memory_space<hbm>>)
        tpu.yield
      }) : () -> ()
      %eq3A_58 = arith.constant 0 : i32
      %eq3A_59 = arith.cmpi eq, %arg1, %eq3A_58 : i32
      %convert_element_type3A_60 = arith.extui %eq3A_59 : i1 to i32
      %cond3A_61 = arith.constant 0 : i32
      %cond3A_62 = arith.cmpi ne, %convert_element_type3A_60, %cond3A_61 : i32
      scf.if %cond3A_62 {
        "tpu.region"() ({
          %run_scoped3A = tpu.sem_alloc : memref<!tpu.dma_semaphore, #tpu.memory_space<semaphore_mem>>
          %dma_start3A_63 = arith.constant 9984 : i32
          %dma_start3A_64 = arith.constant 0 : i32
          %dma_start3A_65 = tpu.memref_slice %arg6[%dma_start3A_63, %dma_start3A_64] : memref<10000x128xf32, #tpu.memory_space<hbm>> -> memref<16x128xf32, #tpu.memory_space<hbm>>
          %dma_start3A_66 = arith.constant 9984 : i32
          %dma_start3A_67 = arith.constant 0 : i32
          %dma_start3A_68 = tpu.memref_slice %arg8[%dma_start3A_66, %dma_start3A_67] : memref<10000x128xf32, #tpu.memory_space<vmem_shared>> -> memref<16x128xf32, #tpu.memory_space<vmem_shared>>
          tpu.enqueue_dma source(%dma_start3A_68 : memref<16x128xf32, #tpu.memory_space<vmem_shared>>) target(%dma_start3A_65 : memref<16x128xf32, #tpu.memory_space<hbm>>) target_semaphore(%run_scoped3A : memref<!tpu.dma_semaphore, #tpu.memory_space<semaphore_mem>>)
          %dma_wait3A_69 = arith.constant 9984 : i32
          %dma_wait3A_70 = arith.constant 0 : i32
          %dma_wait3A_71 = tpu.memref_slice %arg6[%dma_wait3A_69, %dma_wait3A_70] : memref<10000x128xf32, #tpu.memory_space<hbm>> -> memref<16x128xf32, #tpu.memory_space<hbm>>
          %dma_wait3A_72 = arith.constant 9984 : i32
          %dma_wait3A_73 = arith.constant 0 : i32
          %dma_wait3A_74 = tpu.memref_slice %arg8[%dma_wait3A_72, %dma_wait3A_73] : memref<10000x128xf32, #tpu.memory_space<vmem_shared>> -> memref<16x128xf32, #tpu.memory_space<vmem_shared>>
          tpu.wait_dma2 semaphore(%run_scoped3A : memref<!tpu.dma_semaphore, #tpu.memory_space<semaphore_mem>>) src(%dma_wait3A_74 : memref<16x128xf32, #tpu.memory_space<vmem_shared>>) dst(%dma_wait3A_71 : memref<16x128xf32, #tpu.memory_space<hbm>>)
          tpu.yield
        }) : () -> ()
      } else {
      }
    } else {
    }
    %eq3A_53 = arith.constant 1 : i32
    %eq3A_54 = arith.cmpi eq, %arg0, %eq3A_53 : i32
    %convert_element_type3A_55 = arith.extui %eq3A_54 : i1 to i32
    %cond3A_56 = arith.constant 0 : i32
    %cond3A_57 = arith.cmpi ne, %convert_element_type3A_55, %cond3A_56 : i32
    scf.if %cond3A_57 {
      "tpu.region"() ({
        %run_scoped3A = tpu.sem_alloc : memref<!tpu.dma_semaphore, #tpu.memory_space<semaphore_mem>>
        %dma_start3A_63 = arith.constant 0 : i32
        %dma_start3A_64 = tpu.memref_slice %arg7[%mul3A_0, %dma_start3A_63] : memref<10000x128xf32, #tpu.memory_space<hbm>> -> memref<624x128xf32, #tpu.memory_space<hbm>>
        %dma_start3A_65 = arith.constant 0 : i32
        %dma_start3A_66 = tpu.memref_slice %arg8[%mul3A_0, %dma_start3A_65] : memref<10000x128xf32, #tpu.memory_space<vmem_shared>> -> memref<624x128xf32, #tpu.memory_space<vmem_shared>>
        tpu.enqueue_dma source(%dma_start3A_66 : memref<624x128xf32, #tpu.memory_space<vmem_shared>>) target(%dma_start3A_64 : memref<624x128xf32, #tpu.memory_space<hbm>>) target_semaphore(%run_scoped3A : memref<!tpu.dma_semaphore, #tpu.memory_space<semaphore_mem>>)
        %dma_wait3A_67 = arith.constant 0 : i32
        %dma_wait3A_68 = tpu.memref_slice %arg7[%mul3A_0, %dma_wait3A_67] : memref<10000x128xf32, #tpu.memory_space<hbm>> -> memref<624x128xf32, #tpu.memory_space<hbm>>
        %dma_wait3A_69 = arith.constant 0 : i32
        %dma_wait3A_70 = tpu.memref_slice %arg8[%mul3A_0, %dma_wait3A_69] : memref<10000x128xf32, #tpu.memory_space<vmem_shared>> -> memref<624x128xf32, #tpu.memory_space<vmem_shared>>
        tpu.wait_dma2 semaphore(%run_scoped3A : memref<!tpu.dma_semaphore, #tpu.memory_space<semaphore_mem>>) src(%dma_wait3A_70 : memref<624x128xf32, #tpu.memory_space<vmem_shared>>) dst(%dma_wait3A_68 : memref<624x128xf32, #tpu.memory_space<hbm>>)
        tpu.yield
      }) : () -> ()
      %eq3A_58 = arith.constant 0 : i32
      %eq3A_59 = arith.cmpi eq, %arg1, %eq3A_58 : i32
      %convert_element_type3A_60 = arith.extui %eq3A_59 : i1 to i32
      %cond3A_61 = arith.constant 0 : i32
      %cond3A_62 = arith.cmpi ne, %convert_element_type3A_60, %cond3A_61 : i32
      scf.if %cond3A_62 {
        "tpu.region"() ({
          %run_scoped3A = tpu.sem_alloc : memref<!tpu.dma_semaphore, #tpu.memory_space<semaphore_mem>>
          %dma_start3A_63 = arith.constant 9984 : i32
          %dma_start3A_64 = arith.constant 0 : i32
          %dma_start3A_65 = tpu.memref_slice %arg7[%dma_start3A_63, %dma_start3A_64] : memref<10000x128xf32, #tpu.memory_space<hbm>> -> memref<16x128xf32, #tpu.memory_space<hbm>>
          %dma_start3A_66 = arith.constant 9984 : i32
          %dma_start3A_67 = arith.constant 0 : i32
          %dma_start3A_68 = tpu.memref_slice %arg8[%dma_start3A_66, %dma_start3A_67] : memref<10000x128xf32, #tpu.memory_space<vmem_shared>> -> memref<16x128xf32, #tpu.memory_space<vmem_shared>>
          tpu.enqueue_dma source(%dma_start3A_68 : memref<16x128xf32, #tpu.memory_space<vmem_shared>>) target(%dma_start3A_65 : memref<16x128xf32, #tpu.memory_space<hbm>>) target_semaphore(%run_scoped3A : memref<!tpu.dma_semaphore, #tpu.memory_space<semaphore_mem>>)
          %dma_wait3A_69 = arith.constant 9984 : i32
          %dma_wait3A_70 = arith.constant 0 : i32
          %dma_wait3A_71 = tpu.memref_slice %arg7[%dma_wait3A_69, %dma_wait3A_70] : memref<10000x128xf32, #tpu.memory_space<hbm>> -> memref<16x128xf32, #tpu.memory_space<hbm>>
          %dma_wait3A_72 = arith.constant 9984 : i32
          %dma_wait3A_73 = arith.constant 0 : i32
          %dma_wait3A_74 = tpu.memref_slice %arg8[%dma_wait3A_72, %dma_wait3A_73] : memref<10000x128xf32, #tpu.memory_space<vmem_shared>> -> memref<16x128xf32, #tpu.memory_space<vmem_shared>>
          tpu.wait_dma2 semaphore(%run_scoped3A : memref<!tpu.dma_semaphore, #tpu.memory_space<semaphore_mem>>) src(%dma_wait3A_74 : memref<16x128xf32, #tpu.memory_space<vmem_shared>>) dst(%dma_wait3A_71 : memref<16x128xf32, #tpu.memory_space<hbm>>)
          tpu.yield
        }) : () -> ()
      } else {
      }
    } else {
    }
    return
  }
}

module attributes {stable_mosaic.version = 14 : i64} {
  func.func @tc_level_dense(%arg0: i32, %arg1: memref<1x1x1000xi32, #tpu.memory_space<vmem>>, %arg2: memref<1000x128xf32, #tpu.memory_space<vmem>>, %arg3: memref<1000x128xf32, #tpu.memory_space<vmem>>, %arg4: memref<256x256xf32, #tpu.memory_space<vmem>>, %arg5: memref<1x256xf32, #tpu.memory_space<vmem>>, %arg6: memref<256x256xf32, #tpu.memory_space<vmem>>, %arg7: memref<1x256xf32, #tpu.memory_space<vmem>>, %arg8: memref<1000x128xf32, #tpu.memory_space<vmem>>, %arg9: memref<1000x128xf32, #tpu.memory_space<vmem>>, %arg10: memref<64x256xf32, #tpu.memory_space<vmem>>) attributes {dimension_semantics = [#tpu.dimension_semantics<arbitrary>], iteration_bounds = array<i64: 10>, scalar_prefetch = 0 : i64, scratch_operands = 0 : i64, tpu.core_type = #tpu.core_type<tc>, window_params = [{transform_indices = @transform_0, window_bounds = array<i64: 1, 1, 1000>}, {transform_indices = @transform_1, window_bounds = array<i64: 1000, 128>}, {transform_indices = @transform_2, window_bounds = array<i64: 1000, 128>}, {pipeline_mode = #tpu.pipeline_mode<synchronous>, transform_indices = @transform_3, window_bounds = array<i64: 256, 256>}, {pipeline_mode = #tpu.pipeline_mode<synchronous>, transform_indices = @transform_4, window_bounds = array<i64: 1, 256>}, {pipeline_mode = #tpu.pipeline_mode<synchronous>, transform_indices = @transform_5, window_bounds = array<i64: 256, 256>}, {pipeline_mode = #tpu.pipeline_mode<synchronous>, transform_indices = @transform_6, window_bounds = array<i64: 1, 256>}, {transform_indices = @transform_7, window_bounds = array<i64: 1000, 128>}, {transform_indices = @transform_8, window_bounds = array<i64: 1000, 128>}, {pipeline_mode = #tpu.pipeline_mode<synchronous>, transform_indices = @transform_9, window_bounds = array<i64: 64, 256>}]} {
    %get3A = arith.constant 0 : index
    %get3A_0 = arith.constant 0 : index
    %get3A_1 = vector.load %arg2[%get3A, %get3A_0] : memref<1000x128xf32, #tpu.memory_space<vmem>>, vector<1000x128xf32>
    %get3A_2 = arith.constant 0 : index
    %get3A_3 = arith.constant 0 : index
    %get3A_4 = vector.load %arg3[%get3A_2, %get3A_3] : memref<1000x128xf32, #tpu.memory_space<vmem>>, vector<1000x128xf32>
    %concatenate3A = tpu.concatenate %get3A_1, %get3A_4 in 1 : vector<1000x128xf32>, vector<1000x128xf32> -> vector<1000x256xf32>
    %get3A_5 = arith.constant 0 : index
    %get3A_6 = arith.constant 0 : index
    %get3A_7 = vector.load %arg4[%get3A_5, %get3A_6] : memref<256x256xf32, #tpu.memory_space<vmem>>, vector<256x256xf32>
    %dot_general3A = arith.constant dense<0.000000e+00> : vector<1000x256xf32>
    %dot_general3A_8 = tpu.matmul %concatenate3A, %get3A_7, %dot_general3A {dimension_numbers = #tpu.dot_dimension_numbers<[1], [1], [0], [0], [0, 0, 1, 0], [], []>, transpose_lhs_hint = false} : vector<1000x256xf32>, vector<256x256xf32>, vector<1000x256xf32> -> vector<1000x256xf32>
    %get3A_9 = arith.constant 0 : index
    %get3A_10 = arith.constant 0 : index
    %get3A_11 = vector.load %arg5[%get3A_9, %get3A_10] : memref<1x256xf32, #tpu.memory_space<vmem>>, vector<1x256xf32>
    %add3A = vector.broadcast %get3A_11 : vector<1x256xf32> to vector<1000x256xf32>
    %add3A_12 = arith.addf %dot_general3A_8, %add3A : vector<1000x256xf32>
    %max3A = arith.constant 0.000000e+00 : f32
    %max3A_13 = vector.broadcast %max3A : f32 to vector<1000x256xf32>
    %max3A_14 = arith.maximumf %add3A_12, %max3A_13 : vector<1000x256xf32>
    %get3A_15 = arith.constant 0 : index
    %get3A_16 = arith.constant 0 : index
    %get3A_17 = vector.load %arg6[%get3A_15, %get3A_16] : memref<256x256xf32, #tpu.memory_space<vmem>>, vector<256x256xf32>
    %dot_general3A_18 = arith.constant dense<0.000000e+00> : vector<1000x256xf32>
    %dot_general3A_19 = tpu.matmul %max3A_14, %get3A_17, %dot_general3A_18 {dimension_numbers = #tpu.dot_dimension_numbers<[1], [1], [0], [0], [0, 0, 1, 0], [], []>, transpose_lhs_hint = false} : vector<1000x256xf32>, vector<256x256xf32>, vector<1000x256xf32> -> vector<1000x256xf32>
    %get3A_20 = arith.constant 0 : index
    %get3A_21 = arith.constant 0 : index
    %get3A_22 = vector.load %arg7[%get3A_20, %get3A_21] : memref<1x256xf32, #tpu.memory_space<vmem>>, vector<1x256xf32>
    %add3A_23 = vector.broadcast %get3A_22 : vector<1x256xf32> to vector<1000x256xf32>
    %add3A_24 = arith.addf %dot_general3A_19, %add3A_23 : vector<1000x256xf32>
    %reduce_max3A = arith.constant dense<0xFF800000> : vector<1000xf32>
    %reduce_max3A_25 = vector.multi_reduction <maximumf>, %add3A_24, %reduce_max3A [1] : vector<1000x256xf32> to vector<1000xf32>
    %broadcast_in_dim3A = vector.shape_cast %reduce_max3A_25 : vector<1000xf32> to vector<1000x1xf32>
    %sub3A = vector.broadcast %broadcast_in_dim3A : vector<1000x1xf32> to vector<1000x256xf32>
    %sub3A_26 = arith.subf %add3A_24, %sub3A : vector<1000x256xf32>
    %exp3A = math.exp %sub3A_26 : vector<1000x256xf32>
    %reduce_sum3A = arith.constant dense<0.000000e+00> : vector<1000xf32>
    %reduce_sum3A_27 = vector.multi_reduction <add>, %exp3A, %reduce_sum3A [1] : vector<1000x256xf32> to vector<1000xf32>
    %broadcast_in_dim3A_28 = vector.shape_cast %reduce_sum3A_27 : vector<1000xf32> to vector<1000x1xf32>
    %div3A = vector.broadcast %broadcast_in_dim3A_28 : vector<1000x1xf32> to vector<1000x256xf32>
    %div3A_29 = arith.divf %exp3A, %div3A : vector<1000x256xf32>
    %slice3A = vector.extract_strided_slice %max3A_14 {offsets = [0, 0], sizes = [1000, 128], strides = [1, 1]} : vector<1000x256xf32> to vector<1000x128xf32>
    %swap3A = arith.constant 0 : index
    %swap3A_30 = arith.constant 0 : index
    %swap3A_31 = vector.load %arg8[%swap3A, %swap3A_30] : memref<1000x128xf32, #tpu.memory_space<vmem>>, vector<1000x128xf32>
    tpu.vector_store %arg8[%swap3A, %swap3A_30], %slice3A {strides = array<i32>} : memref<1000x128xf32, #tpu.memory_space<vmem>>, vector<1000x128xf32>,
    %slice3A_32 = vector.extract_strided_slice %max3A_14 {offsets = [0, 128], sizes = [1000, 128], strides = [1, 1]} : vector<1000x256xf32> to vector<1000x128xf32>
    %swap3A_33 = arith.constant 0 : index
    %swap3A_34 = arith.constant 0 : index
    %swap3A_35 = vector.load %arg9[%swap3A_33, %swap3A_34] : memref<1000x128xf32, #tpu.memory_space<vmem>>, vector<1000x128xf32>
    tpu.vector_store %arg9[%swap3A_33, %swap3A_34], %slice3A_32 {strides = array<i32>} : memref<1000x128xf32, #tpu.memory_space<vmem>>, vector<1000x128xf32>,
    %get3A_36 = arith.constant 0 : index
    %get3A_37 = arith.constant 0 : index
    %get3A_38 = arith.constant 0 : index
    %get3A_39 = vector.load %arg1[%get3A_36, %get3A_37, %get3A_38] : memref<1x1x1000xi32, #tpu.memory_space<vmem>>, vector<1x1x1000xi32>
    %reshape3A = vector.shape_cast %get3A_39 : vector<1x1x1000xi32> to vector<1000x1xi32>
    %iota3A = tpu.iota {dimensions = array<i32: 1>} : vector<1000x64xi32>
    %eq3A = vector.broadcast %reshape3A : vector<1000x1xi32> to vector<1000x64xi32>
    %eq3A_40 = arith.cmpi eq, %eq3A, %iota3A : vector<1000x64xi32>
    %convert_element_type3A = arith.extui %eq3A_40 : vector<1000x64xi1> to vector<1000x64xi32>
    %convert_element_type3A_41 = arith.sitofp %convert_element_type3A : vector<1000x64xi32> to vector<1000x64xf32>
    %dot_general3A_42 = arith.constant dense<0.000000e+00> : vector<64x256xf32>
    %dot_general3A_43 = tpu.matmul %convert_element_type3A_41, %div3A_29, %dot_general3A_42 {dimension_numbers = #tpu.dot_dimension_numbers<[0], [0], [1], [1], [0, 1, 1, 1], [], []>, precision = #tpu.contract_precision<fp32>, transpose_lhs_hint = false} : vector<1000x64xf32>, vector<1000x256xf32>, vector<64x256xf32> -> vector<64x256xf32>
    %eq3A_44 = arith.constant 0 : i32
    %eq3A_45 = arith.cmpi eq, %arg0, %eq3A_44 : i32
    %convert_element_type3A_46 = arith.extui %eq3A_45 : i1 to i32
    %cond3A = arith.constant 0 : i32
    %cond3A_47 = arith.cmpi ne, %convert_element_type3A_46, %cond3A : i32
    scf.if %cond3A_47 {
      %swap3A_52 = arith.constant 0 : index
      %swap3A_53 = arith.constant 0 : index
      %swap3A_54 = vector.load %arg10[%swap3A_52, %swap3A_53] : memref<64x256xf32, #tpu.memory_space<vmem>>, vector<64x256xf32>
      tpu.vector_store %arg10[%swap3A_52, %swap3A_53], %dot_general3A_43 {strides = array<i32>} : memref<64x256xf32, #tpu.memory_space<vmem>>, vector<64x256xf32>,
    } else {
    }
    %ne3A = arith.constant 0 : i32
    %ne3A_48 = arith.cmpi ne, %arg0, %ne3A : i32
    %convert_element_type3A_49 = arith.extui %ne3A_48 : i1 to i32
    %cond3A_50 = arith.constant 0 : i32
    %cond3A_51 = arith.cmpi ne, %convert_element_type3A_49, %cond3A_50 : i32
    scf.if %cond3A_51 {
      %get3A_52 = arith.constant 0 : index
      %get3A_53 = arith.constant 0 : index
      %get3A_54 = vector.load %arg10[%get3A_52, %get3A_53] : memref<64x256xf32, #tpu.memory_space<vmem>>, vector<64x256xf32>
      %add3A_55 = arith.addf %get3A_54, %dot_general3A_43 : vector<64x256xf32>
      %swap3A_56 = arith.constant 0 : index
      %swap3A_57 = arith.constant 0 : index
      %swap3A_58 = vector.load %arg10[%swap3A_56, %swap3A_57] : memref<64x256xf32, #tpu.memory_space<vmem>>, vector<64x256xf32>
      tpu.vector_store %arg10[%swap3A_56, %swap3A_57], %add3A_55 {strides = array<i32>} : memref<64x256xf32, #tpu.memory_space<vmem>>, vector<64x256xf32>,
    } else {
    }
    return
  }
  func.func @transform_0(%arg0: i32) -> (i32, i32, i32) {
    %c0_i32 = arith.constant 0 : i32
    %c0_i32_0 = arith.constant 0 : i32
    %c0_i32_1 = arith.constant 0 : i32
    return %arg0, %c0_i32, %c0_i32_0 : i32, i32, i32
  }
  func.func @transform_1(%arg0: i32) -> (i32, i32) {
    %c0_i32 = arith.constant 0 : i32
    %c0_i32_0 = arith.constant 0 : i32
    return %arg0, %c0_i32 : i32, i32
  }
  func.func @transform_2(%arg0: i32) -> (i32, i32) {
    %c0_i32 = arith.constant 0 : i32
    %c0_i32_0 = arith.constant 0 : i32
    return %arg0, %c0_i32 : i32, i32
  }
  func.func @transform_3(%arg0: i32) -> (i32, i32) {
    %c0_i32 = arith.constant 0 : i32
    %c0_i32_0 = arith.constant 0 : i32
    %c0_i32_1 = arith.constant 0 : i32
    return %c0_i32, %c0_i32_0 : i32, i32
  }
  func.func @transform_4(%arg0: i32) -> (i32, i32) {
    %c0_i32 = arith.constant 0 : i32
    %c0_i32_0 = arith.constant 0 : i32
    %c0_i32_1 = arith.constant 0 : i32
    return %c0_i32, %c0_i32_0 : i32, i32
  }
  func.func @transform_5(%arg0: i32) -> (i32, i32) {
    %c0_i32 = arith.constant 0 : i32
    %c0_i32_0 = arith.constant 0 : i32
    %c0_i32_1 = arith.constant 0 : i32
    return %c0_i32, %c0_i32_0 : i32, i32
  }
  func.func @transform_6(%arg0: i32) -> (i32, i32) {
    %c0_i32 = arith.constant 0 : i32
    %c0_i32_0 = arith.constant 0 : i32
    %c0_i32_1 = arith.constant 0 : i32
    return %c0_i32, %c0_i32_0 : i32, i32
  }
  func.func @transform_7(%arg0: i32) -> (i32, i32) {
    %c0_i32 = arith.constant 0 : i32
    %c0_i32_0 = arith.constant 0 : i32
    return %arg0, %c0_i32 : i32, i32
  }
  func.func @transform_8(%arg0: i32) -> (i32, i32) {
    %c0_i32 = arith.constant 0 : i32
    %c0_i32_0 = arith.constant 0 : i32
    return %arg0, %c0_i32 : i32, i32
  }
  func.func @transform_9(%arg0: i32) -> (i32, i32) {
    %c0_i32 = arith.constant 0 : i32
    %c0_i32_0 = arith.constant 0 : i32
    %c0_i32_1 = arith.constant 0 : i32
    return %c0_i32, %c0_i32_0 : i32, i32
  }
}

module attributes {stable_mosaic.version = 14 : i64} {
  func.func @tc_level_dense(%arg0: i32, %arg1: memref<1x1x1000xi32, #tpu.memory_space<vmem>>, %arg2: memref<1000x128xf32, #tpu.memory_space<vmem>>, %arg3: memref<1000x128xf32, #tpu.memory_space<vmem>>, %arg4: memref<256x256xf32, #tpu.memory_space<vmem>>, %arg5: memref<1x256xf32, #tpu.memory_space<vmem>>, %arg6: memref<256x256xf32, #tpu.memory_space<vmem>>, %arg7: memref<1x256xf32, #tpu.memory_space<vmem>>, %arg8: memref<1000x128xf32, #tpu.memory_space<vmem>>, %arg9: memref<1000x128xf32, #tpu.memory_space<vmem>>, %arg10: memref<64x256xf32, #tpu.memory_space<vmem>>) attributes {dimension_semantics = [#tpu.dimension_semantics<arbitrary>], iteration_bounds = array<i64: 10>, scalar_prefetch = 0 : i64, scratch_operands = 0 : i64, tpu.core_type = #tpu.core_type<tc>, window_params = [{transform_indices = @transform_0, window_bounds = array<i64: 1, 1, 1000>}, {transform_indices = @transform_1, window_bounds = array<i64: 1000, 128>}, {transform_indices = @transform_2, window_bounds = array<i64: 1000, 128>}, {pipeline_mode = #tpu.pipeline_mode<synchronous>, transform_indices = @transform_3, window_bounds = array<i64: 256, 256>}, {pipeline_mode = #tpu.pipeline_mode<synchronous>, transform_indices = @transform_4, window_bounds = array<i64: 1, 256>}, {pipeline_mode = #tpu.pipeline_mode<synchronous>, transform_indices = @transform_5, window_bounds = array<i64: 256, 256>}, {pipeline_mode = #tpu.pipeline_mode<synchronous>, transform_indices = @transform_6, window_bounds = array<i64: 1, 256>}, {transform_indices = @transform_7, window_bounds = array<i64: 1000, 128>}, {transform_indices = @transform_8, window_bounds = array<i64: 1000, 128>}, {pipeline_mode = #tpu.pipeline_mode<synchronous>, transform_indices = @transform_9, window_bounds = array<i64: 64, 256>}]} {
    %get3A = arith.constant 0 : index
    %get3A_0 = arith.constant 0 : index
    %get3A_1 = vector.load %arg2[%get3A, %get3A_0] : memref<1000x128xf32, #tpu.memory_space<vmem>>, vector<1000x128xf32>
    %get3A_2 = arith.constant 0 : index
    %get3A_3 = arith.constant 0 : index
    %get3A_4 = vector.load %arg3[%get3A_2, %get3A_3] : memref<1000x128xf32, #tpu.memory_space<vmem>>, vector<1000x128xf32>
    %concatenate3A = tpu.concatenate %get3A_1, %get3A_4 in 1 : vector<1000x128xf32>, vector<1000x128xf32> -> vector<1000x256xf32>
    %get3A_5 = arith.constant 0 : index
    %get3A_6 = arith.constant 0 : index
    %get3A_7 = vector.load %arg4[%get3A_5, %get3A_6] : memref<256x256xf32, #tpu.memory_space<vmem>>, vector<256x256xf32>
    %dot_general3A = arith.constant dense<0.000000e+00> : vector<1000x256xf32>
    %dot_general3A_8 = tpu.matmul %concatenate3A, %get3A_7, %dot_general3A {dimension_numbers = #tpu.dot_dimension_numbers<[1], [1], [0], [0], [0, 0, 1, 0], [], []>, transpose_lhs_hint = false} : vector<1000x256xf32>, vector<256x256xf32>, vector<1000x256xf32> -> vector<1000x256xf32>
    %get3A_9 = arith.constant 0 : index
    %get3A_10 = arith.constant 0 : index
    %get3A_11 = vector.load %arg5[%get3A_9, %get3A_10] : memref<1x256xf32, #tpu.memory_space<vmem>>, vector<1x256xf32>
    %add3A = vector.broadcast %get3A_11 : vector<1x256xf32> to vector<1000x256xf32>
    %add3A_12 = arith.addf %dot_general3A_8, %add3A : vector<1000x256xf32>
    %max3A = arith.constant 0.000000e+00 : f32
    %max3A_13 = vector.broadcast %max3A : f32 to vector<1000x256xf32>
    %max3A_14 = arith.maximumf %add3A_12, %max3A_13 : vector<1000x256xf32>
    %get3A_15 = arith.constant 0 : index
    %get3A_16 = arith.constant 0 : index
    %get3A_17 = vector.load %arg6[%get3A_15, %get3A_16] : memref<256x256xf32, #tpu.memory_space<vmem>>, vector<256x256xf32>
    %dot_general3A_18 = arith.constant dense<0.000000e+00> : vector<1000x256xf32>
    %dot_general3A_19 = tpu.matmul %max3A_14, %get3A_17, %dot_general3A_18 {dimension_numbers = #tpu.dot_dimension_numbers<[1], [1], [0], [0], [0, 0, 1, 0], [], []>, transpose_lhs_hint = false} : vector<1000x256xf32>, vector<256x256xf32>, vector<1000x256xf32> -> vector<1000x256xf32>
    %get3A_20 = arith.constant 0 : index
    %get3A_21 = arith.constant 0 : index
    %get3A_22 = vector.load %arg7[%get3A_20, %get3A_21] : memref<1x256xf32, #tpu.memory_space<vmem>>, vector<1x256xf32>
    %add3A_23 = vector.broadcast %get3A_22 : vector<1x256xf32> to vector<1000x256xf32>
    %add3A_24 = arith.addf %dot_general3A_19, %add3A_23 : vector<1000x256xf32>
    %reduce_max3A = arith.constant dense<0xFF800000> : vector<1000xf32>
    %reduce_max3A_25 = vector.multi_reduction <maximumf>, %add3A_24, %reduce_max3A [1] : vector<1000x256xf32> to vector<1000xf32>
    %broadcast_in_dim3A = vector.shape_cast %reduce_max3A_25 : vector<1000xf32> to vector<1000x1xf32>
    %sub3A = vector.broadcast %broadcast_in_dim3A : vector<1000x1xf32> to vector<1000x256xf32>
    %sub3A_26 = arith.subf %add3A_24, %sub3A : vector<1000x256xf32>
    %exp3A = math.exp %sub3A_26 : vector<1000x256xf32>
    %reduce_sum3A = arith.constant dense<0.000000e+00> : vector<1000xf32>
    %reduce_sum3A_27 = vector.multi_reduction <add>, %exp3A, %reduce_sum3A [1] : vector<1000x256xf32> to vector<1000xf32>
    %broadcast_in_dim3A_28 = vector.shape_cast %reduce_sum3A_27 : vector<1000xf32> to vector<1000x1xf32>
    %div3A = vector.broadcast %broadcast_in_dim3A_28 : vector<1000x1xf32> to vector<1000x256xf32>
    %div3A_29 = arith.divf %exp3A, %div3A : vector<1000x256xf32>
    %slice3A = vector.extract_strided_slice %max3A_14 {offsets = [0, 0], sizes = [1000, 128], strides = [1, 1]} : vector<1000x256xf32> to vector<1000x128xf32>
    %swap3A = arith.constant 0 : index
    %swap3A_30 = arith.constant 0 : index
    %swap3A_31 = vector.load %arg8[%swap3A, %swap3A_30] : memref<1000x128xf32, #tpu.memory_space<vmem>>, vector<1000x128xf32>
    tpu.vector_store %arg8[%swap3A, %swap3A_30], %slice3A {strides = array<i32>} : memref<1000x128xf32, #tpu.memory_space<vmem>>, vector<1000x128xf32>,
    %slice3A_32 = vector.extract_strided_slice %max3A_14 {offsets = [0, 128], sizes = [1000, 128], strides = [1, 1]} : vector<1000x256xf32> to vector<1000x128xf32>
    %swap3A_33 = arith.constant 0 : index
    %swap3A_34 = arith.constant 0 : index
    %swap3A_35 = vector.load %arg9[%swap3A_33, %swap3A_34] : memref<1000x128xf32, #tpu.memory_space<vmem>>, vector<1000x128xf32>
    tpu.vector_store %arg9[%swap3A_33, %swap3A_34], %slice3A_32 {strides = array<i32>} : memref<1000x128xf32, #tpu.memory_space<vmem>>, vector<1000x128xf32>,
    %get3A_36 = arith.constant 0 : index
    %get3A_37 = arith.constant 0 : index
    %get3A_38 = arith.constant 0 : index
    %get3A_39 = vector.load %arg1[%get3A_36, %get3A_37, %get3A_38] : memref<1x1x1000xi32, #tpu.memory_space<vmem>>, vector<1x1x1000xi32>
    %reshape3A = vector.shape_cast %get3A_39 : vector<1x1x1000xi32> to vector<1000x1xi32>
    %iota3A = tpu.iota {dimensions = array<i32: 1>} : vector<1000x64xi32>
    %eq3A = vector.broadcast %reshape3A : vector<1000x1xi32> to vector<1000x64xi32>
    %eq3A_40 = arith.cmpi eq, %eq3A, %iota3A : vector<1000x64xi32>
    %convert_element_type3A = arith.extui %eq3A_40 : vector<1000x64xi1> to vector<1000x64xi32>
    %convert_element_type3A_41 = arith.sitofp %convert_element_type3A : vector<1000x64xi32> to vector<1000x64xf32>
    %dot_general3A_42 = arith.constant dense<0.000000e+00> : vector<64x256xf32>
    %dot_general3A_43 = tpu.matmul %convert_element_type3A_41, %div3A_29, %dot_general3A_42 {dimension_numbers = #tpu.dot_dimension_numbers<[0], [0], [1], [1], [0, 1, 1, 1], [], []>, precision = #tpu.contract_precision<fp32>, transpose_lhs_hint = false} : vector<1000x64xf32>, vector<1000x256xf32>, vector<64x256xf32> -> vector<64x256xf32>
    %eq3A_44 = arith.constant 0 : i32
    %eq3A_45 = arith.cmpi eq, %arg0, %eq3A_44 : i32
    %convert_element_type3A_46 = arith.extui %eq3A_45 : i1 to i32
    %cond3A = arith.constant 0 : i32
    %cond3A_47 = arith.cmpi ne, %convert_element_type3A_46, %cond3A : i32
    scf.if %cond3A_47 {
      %swap3A_52 = arith.constant 0 : index
      %swap3A_53 = arith.constant 0 : index
      %swap3A_54 = vector.load %arg10[%swap3A_52, %swap3A_53] : memref<64x256xf32, #tpu.memory_space<vmem>>, vector<64x256xf32>
      tpu.vector_store %arg10[%swap3A_52, %swap3A_53], %dot_general3A_43 {strides = array<i32>} : memref<64x256xf32, #tpu.memory_space<vmem>>, vector<64x256xf32>,
    } else {
    }
    %ne3A = arith.constant 0 : i32
    %ne3A_48 = arith.cmpi ne, %arg0, %ne3A : i32
    %convert_element_type3A_49 = arith.extui %ne3A_48 : i1 to i32
    %cond3A_50 = arith.constant 0 : i32
    %cond3A_51 = arith.cmpi ne, %convert_element_type3A_49, %cond3A_50 : i32
    scf.if %cond3A_51 {
      %get3A_52 = arith.constant 0 : index
      %get3A_53 = arith.constant 0 : index
      %get3A_54 = vector.load %arg10[%get3A_52, %get3A_53] : memref<64x256xf32, #tpu.memory_space<vmem>>, vector<64x256xf32>
      %add3A_55 = arith.addf %get3A_54, %dot_general3A_43 : vector<64x256xf32>
      %swap3A_56 = arith.constant 0 : index
      %swap3A_57 = arith.constant 0 : index
      %swap3A_58 = vector.load %arg10[%swap3A_56, %swap3A_57] : memref<64x256xf32, #tpu.memory_space<vmem>>, vector<64x256xf32>
      tpu.vector_store %arg10[%swap3A_56, %swap3A_57], %add3A_55 {strides = array<i32>} : memref<64x256xf32, #tpu.memory_space<vmem>>, vector<64x256xf32>,
    } else {
    }
    return
  }
  func.func @transform_0(%arg0: i32) -> (i32, i32, i32) {
    %c0_i32 = arith.constant 0 : i32
    %c0_i32_0 = arith.constant 0 : i32
    %c0_i32_1 = arith.constant 0 : i32
    return %arg0, %c0_i32, %c0_i32_0 : i32, i32, i32
  }
  func.func @transform_1(%arg0: i32) -> (i32, i32) {
    %c0_i32 = arith.constant 0 : i32
    %c0_i32_0 = arith.constant 0 : i32
    return %arg0, %c0_i32 : i32, i32
  }
  func.func @transform_2(%arg0: i32) -> (i32, i32) {
    %c0_i32 = arith.constant 0 : i32
    %c0_i32_0 = arith.constant 0 : i32
    return %arg0, %c0_i32 : i32, i32
  }
  func.func @transform_3(%arg0: i32) -> (i32, i32) {
    %c0_i32 = arith.constant 0 : i32
    %c0_i32_0 = arith.constant 0 : i32
    %c0_i32_1 = arith.constant 0 : i32
    return %c0_i32, %c0_i32_0 : i32, i32
  }
  func.func @transform_4(%arg0: i32) -> (i32, i32) {
    %c0_i32 = arith.constant 0 : i32
    %c0_i32_0 = arith.constant 0 : i32
    %c0_i32_1 = arith.constant 0 : i32
    return %c0_i32, %c0_i32_0 : i32, i32
  }
  func.func @transform_5(%arg0: i32) -> (i32, i32) {
    %c0_i32 = arith.constant 0 : i32
    %c0_i32_0 = arith.constant 0 : i32
    %c0_i32_1 = arith.constant 0 : i32
    return %c0_i32, %c0_i32_0 : i32, i32
  }
  func.func @transform_6(%arg0: i32) -> (i32, i32) {
    %c0_i32 = arith.constant 0 : i32
    %c0_i32_0 = arith.constant 0 : i32
    %c0_i32_1 = arith.constant 0 : i32
    return %c0_i32, %c0_i32_0 : i32, i32
  }
  func.func @transform_7(%arg0: i32) -> (i32, i32) {
    %c0_i32 = arith.constant 0 : i32
    %c0_i32_0 = arith.constant 0 : i32
    return %arg0, %c0_i32 : i32, i32
  }
  func.func @transform_8(%arg0: i32) -> (i32, i32) {
    %c0_i32 = arith.constant 0 : i32
    %c0_i32_0 = arith.constant 0 : i32
    return %arg0, %c0_i32 : i32, i32
  }
  func.func @transform_9(%arg0: i32) -> (i32, i32) {
    %c0_i32 = arith.constant 0 : i32
    %c0_i32_0 = arith.constant 0 : i32
    %c0_i32_1 = arith.constant 0 : i32
    return %c0_i32, %c0_i32_0 : i32, i32
  }
}

module attributes {stable_mosaic.version = 14 : i64} {
  func.func @tc_fc_out(%arg0: memref<64x256xf32, #tpu.memory_space<vmem>>, %arg1: memref<64x256xf32, #tpu.memory_space<vmem>>, %arg2: memref<64x256xf32, #tpu.memory_space<vmem>>, %arg3: memref<1x256xf32, #tpu.memory_space<vmem>>, %arg4: memref<64x1xf32, #tpu.memory_space<vmem>>, %arg5: memref<64x1xf32, #tpu.memory_space<vmem>>) attributes {dimension_semantics = [], scalar_prefetch = 0 : i64, scratch_operands = 0 : i64, tpu.core_type = #tpu.core_type<tc>} {
    %get3A = arith.constant 0 : index
    %get3A_0 = arith.constant 0 : index
    %get3A_1 = vector.load %arg0[%get3A, %get3A_0] : memref<64x256xf32, #tpu.memory_space<vmem>>, vector<64x256xf32>
    %get3A_2 = arith.constant 0 : index
    %get3A_3 = arith.constant 0 : index
    %get3A_4 = vector.load %arg1[%get3A_2, %get3A_3] : memref<64x256xf32, #tpu.memory_space<vmem>>, vector<64x256xf32>
    %add3A = arith.addf %get3A_1, %get3A_4 : vector<64x256xf32>
    %get3A_5 = arith.constant 0 : index
    %get3A_6 = arith.constant 0 : index
    %get3A_7 = vector.load %arg2[%get3A_5, %get3A_6] : memref<64x256xf32, #tpu.memory_space<vmem>>, vector<64x256xf32>
    %add3A_8 = arith.addf %add3A, %get3A_7 : vector<64x256xf32>
    %convert_element_type3A = arith.truncf %add3A_8 : vector<64x256xf32> to vector<64x256xbf16>
    %convert_element_type3A_9 = arith.extf %convert_element_type3A : vector<64x256xbf16> to vector<64x256xf32>
    %get3A_10 = arith.constant 0 : index
    %get3A_11 = arith.constant 0 : index
    %get3A_12 = vector.load %arg3[%get3A_10, %get3A_11] : memref<1x256xf32, #tpu.memory_space<vmem>>, vector<1x256xf32>
    %convert_element_type3A_13 = arith.truncf %get3A_12 : vector<1x256xf32> to vector<1x256xbf16>
    %convert_element_type3A_14 = arith.extf %convert_element_type3A_13 : vector<1x256xbf16> to vector<1x256xf32>
    %mul3A = vector.broadcast %convert_element_type3A_14 : vector<1x256xf32> to vector<64x256xf32>
    %mul3A_15 = arith.mulf %convert_element_type3A_9, %mul3A : vector<64x256xf32>
    %reduce_sum3A = arith.constant dense<0.000000e+00> : vector<64xf32>
    %reduce_sum3A_16 = vector.multi_reduction <add>, %mul3A_15, %reduce_sum3A [1] : vector<64x256xf32> to vector<64xf32>
    %broadcast_in_dim3A = vector.shape_cast %reduce_sum3A_16 : vector<64xf32> to vector<64x1xf32>
    %get3A_17 = arith.constant 0 : index
    %get3A_18 = arith.constant 0 : index
    %get3A_19 = vector.load %arg4[%get3A_17, %get3A_18] : memref<64x1xf32, #tpu.memory_space<vmem>>, vector<64x1xf32>
    %add3A_20 = arith.addf %broadcast_in_dim3A, %get3A_19 : vector<64x1xf32>
    %swap3A = arith.constant 0 : index
    %swap3A_21 = arith.constant 0 : index
    %swap3A_22 = vector.load %arg5[%swap3A, %swap3A_21] : memref<64x1xf32, #tpu.memory_space<vmem>>, vector<64x1xf32>
    tpu.vector_store %arg5[%swap3A, %swap3A_21], %add3A_20 {strides = array<i32>} : memref<64x1xf32, #tpu.memory_space<vmem>>, vector<64x1xf32>,
    return
  }
}

</mosaic_0001>

<sc_bundles>
// kernel: sc_edge_aggregate.11.cloned.1.call-start
scs
__scs_entry_jumppad:
0x0: {  	(pc) =	sbr.rel $0x88, $3  }
0x1: {  	(tag) =	ssettag $0x0;
	lr =	simm.s32 $0x1  }
0x2: {  	[smem:$0x3F90] =	sst lr;
	_ =	strace $0xD0000000  }
0x3: {  	_ = 	snop  }
0x4: {  	_ = 	snop  }
0x5: {  	_ = 	snop  }
0x6: {  	_ = 	snop  }
0x7: {  	_ = 	snop  }
__scs_overlays_trampoline_lowered:
0x8: {  	[smem:$0x3F9F] =	sst s0  }
0x9: {  	[smem:$0x3FA0] =	sst s1  }
0xa: {  	[smem:$0x3FA1] =	sst s2  }
0xb: {  	[smem:$0x3FA2] =	sst s3  }
0xc: {  	[smem:$0x3FA3] =	sst s4  }
0xd: {  	[smem:$0x3FA4] =	sst s5  }
0xe: {  	[smem:$0x3FA5] =	sst s6  }
0xf: {  	[smem:$0x3FA6] =	sst s7  }
0x10: {  	[smem:$0x3FA7] =	sst s8  }
0x11: {  	[smem:$0x3FA8] =	sst s9;
	s0 =	simm.s32 @!p0 $0x0  }
0x12: {  	s1 =	sld [smem:$0x3F8E];
	s0 =	simm.s32 @p0 $0x1  }
0x13: {  	[smem:$0x3FA9] =	sst s0;
	s0 =	simm.s32 @!p1 $0x0  }
0x14: {  	s2 =	sld [smem:$0x3F8D];
	s0 =	simm.s32 @p1 $0x1  }
0x15: {  	[smem:$0x3FAA] =	sst s0;
	s0 =	simm.s32 @!p2 $0x0  }
0x16: {  	s3 =	sld [smem:$0x3FDB];
	s0 =	simm.s32 @p2 $0x1  }
0x17: {  	s4 =	simm.s32 $0x1BF5;
	[smem:$0x3FAC] =	sst s0  }
0x18: {  	s0 =	sld [smem:$0x3F8F];
	_ =	swait.ge [sflag:s4], $0x0  }
0x19: {  	s7 =	sld [smem:$0x3F90]  }
0x1a: {  	s8 =	sadd.s32 $0xFFFFE003, lr  }
0x1b: {  	s9 =	sadd.s32 $0xFFFFFEF7, lr;
	s5 =	simm.s32 $0xFFFFFFFF;
	p2 =	slt.u32 s8, $0xFFFFF086  }
0x1c: {  	p1 =	slt.u32 s9, $0xF7A;
	s5 =	simm.s32 @!p2 $0x0  }
0x1d: {  	s5 =	simm.s32 @p1 $0x1;
	p0 =	seq.s32 s7, s2  }
0x1e: {  	s7 =	smul.u32 @!p0 $0xF7A, s2;
	p2 =	seq.s32 @!p0 s5, $0x0  }
0x1f: {  	s9 =	smul.u32 $0xF7A, s1;
	s8 =	simm.s32 @!p0 $0x1BF5;
	p2 =	por !p2, p0  }
0x20: {  	[sflag:s8] =	ssyncset.s32 @!p0 $0xFFFFF086;
	s6 =	sadd.s32 @!p0 s3, s7;
	s7 =	simm.s32 @!p0 $0x108  }
0x21: {  	s3 =	sadd.s32 s3, s9;
	s6 =	sadd.s32 @!p0 $0x88, s6;
	s7 =	simm.s32 @p2 $0x1082  }
0x22: {  	[simem:s7], [sflag:s8] =	dma.local @!p0 [hbm:s6], $0xF7A  }
0x23: {  	s9 =	sor.u32 $0xD0000000, s2;
	s6 =	simm.s32 $0x108;
	_ =	swait.ge @!p0 [sflag:s8], $0x0  }
0x24: {  	s3 =	sadd.s32 $0x88, s3;
	s6 =	simm.s32 @!p1 $0x1082;
	[sflag:s4] =	ssyncset.s32 $0xFFFFF086  }
0x25: {  	[simem:s6], [sflag:s4] =	dma.local [hbm:s3], $0xF7A  }
0x26: {  	[smem:$0x3F90] =	sst s1;
	(tag) =	ssettag s2;
	_ =	strace s9  }
0x27: {  	s1 =	sld [smem:$0x3FA0]  }
0x28: {  	s2 =	sld [smem:$0x3FA1]  }
0x29: {  	s4 =	sld [smem:$0x3FA3]  }
0x2a: {  	p0 =	seq.s32 s5, $0x0;
	s5 =	sld [smem:$0x3FA4]  }
0x2b: {  	s6 =	sld [smem:$0x3FA5]  }
0x2c: {  	s7 =	sld [smem:$0x3FA6]  }
0x2d: {  	s3 =	simm.s32 $0x108;
	s8 =	sld [smem:$0x3FA7]  }
0x2e: {  	s3 =	simm.s32 @!p0 $0x1082;
	s9 =	sld [smem:$0x3FA8]  }
0x2f: {  	lr =	sadd.s32 s0, s3;
	s0 =	sld [smem:$0x3F9F]  }
0x30: {  	s3 =	sld [smem:$0x3FA2]  }
0x31: {  	[smem:$0x3FAB] =	sst s10  }
0x32: {  	s10 =	sld [smem:$0x3FA9];
	_ =	sdelay $0x3  }
0x33: {  	p0 =	seq.s32 s10, $0x1;
	s10 =	sld [smem:$0x3FAB];
	_ =	sdelay $0x3  }
0x34: {  	[smem:$0x3FAB] =	sst s10  }
0x35: {  	s10 =	sld [smem:$0x3FAA];
	_ =	sdelay $0x3  }
0x36: {  	p1 =	seq.s32 s10, $0x1;
	s10 =	sld [smem:$0x3FAB];
	_ =	sdelay $0x3  }
0x37: {  	[smem:$0x3FAB] =	sst s10  }
0x38: {  	s10 =	sld [smem:$0x3FAC]  }
0x39: {  	_ = 	snop;
	(pc) =	sbr.ind lr, $3  }
0x3a: {  	_ = 	snop  }
0x3b: {  	_ = 	snop  }
0x3c: {  	p2 =	seq.s32 s10, $0x1;
	s10 =	sld [smem:$0x3FAB]  }
0x3d: {  	_ =	shalt  }
0x3e: {  	_ =	shalt  }
0x3f: {  	_ =	shalt  }
0x40: {  	_ =	shalt  }
0x41: {  	_ =	shalt  }
0x42: {  	_ =	shalt  }
0x43: {  	_ =	shalt  }
0x44: {  	_ =	shalt  }
0x45: {  	_ =	shalt  }
0x46: {  	_ =	shalt  }
0x47: {  	_ =	shalt  }
0x48: {  	_ =	shalt  }
0x49: {  	_ =	shalt  }
0x4a: {  	_ =	shalt  }
0x4b: {  	_ =	shalt  }
0x4c: {  	_ =	shalt  }
0x4d: {  	_ =	shalt  }
0x4e: {  	_ =	shalt  }
0x4f: {  	_ =	shalt  }
0x50: {  	_ =	shalt  }
0x51: {  	_ =	shalt  }
0x52: {  	_ =	shalt  }
0x53: {  	_ =	shalt  }
0x54: {  	_ =	shalt  }
0x55: {  	_ =	shalt  }
0x56: {  	_ =	shalt  }
0x57: {  	_ =	shalt  }
0x58: {  	_ =	shalt  }
0x59: {  	_ =	shalt  }
0x5a: {  	_ =	shalt  }
0x5b: {  	_ =	shalt  }
0x5c: {  	_ =	shalt  }
0x5d: {  	_ =	shalt  }
0x5e: {  	_ =	shalt  }
0x5f: {  	_ =	shalt  }
0x60: {  	_ =	shalt  }
0x61: {  	_ =	shalt  }
0x62: {  	_ =	shalt  }
0x63: {  	_ =	shalt  }
0x64: {  	_ =	shalt  }
0x65: {  	_ =	shalt  }
0x66: {  	_ =	shalt  }
0x67: {  	_ =	shalt  }
0x68: {  	_ =	shalt  }
0x69: {  	_ =	shalt  }
0x6a: {  	_ =	shalt  }
0x6b: {  	_ =	shalt  }
0x6c: {  	_ =	shalt  }
0x6d: {  	_ =	shalt  }
0x6e: {  	_ =	shalt  }
0x6f: {  	_ =	shalt  }
0x70: {  	_ =	shalt  }
0x71: {  	_ =	shalt  }
0x72: {  	_ =	shalt  }
0x73: {  	_ =	shalt  }
0x74: {  	_ =	shalt  }
0x75: {  	_ =	shalt  }
0x76: {  	_ =	shalt  }
0x77: {  	_ =	shalt  }
0x78: {  	_ =	shalt  }
0x79: {  	_ =	shalt  }
0x7a: {  	_ =	shalt  }
0x7b: {  	_ =	shalt  }
0x7c: {  	_ =	shalt  }
0x7d: {  	_ =	shalt  }
0x7e: {  	_ =	shalt  }
0x7f: {  	_ =	shalt  }
0x80: {  	_ =	shalt  }
0x81: {  	_ =	shalt  }
0x82: {  	_ =	shalt  }
0x83: {  	_ =	shalt  }
0x84: {  	_ =	shalt  }
0x85: {  	_ =	shalt  }
0x86: {  	_ =	shalt  }
0x87: {  	_ =	shalt  }
.Lfunc_end0:
.L_simem_size_0:
called_computation.2_lowered:
.L_overlay_start_0:
0x88: {  	s2 =	sld [smem:$0x3FD9]  }
0x89: {  	s3 =	sld [smem:$0x3FFE];
	_ =	sdelay $0x1  }
0x8a: {  	s1 =	srdreg.scid  }
0x8b: {  	s0 =	sand.u32 $0x1, s1  }
0x8c: {  	s16 =	sshll.u32 s0, $0xA;
	s2 =	sadd.s32 s3, s2  }
0x8d: {  	s2 =	sadd.s32 s2, s16  }
0x8e: {  	[smem:$0x3FB7] =	sst s2  }
0x8f: {  	_ = 	snop  }
0x90: {  	(tm) =	ssettm $0x1  }
0x91: {  	s17 =	sld [smem:$0x3FFB];
	_ =	sdelay $0x3  }
0x92: {  	_ =	strace s17  }
0x93: {  	s2 =	sld [smem:$0x3FFC];
	_ =	sdelay $0x3  }
0x94: {  	_ =	strace s2  }
0x95: {  	s2 =	sld [smem:$0x3FFD];
	_ =	sdelay $0x3  }
0x96: {  	_ =	strace s2  }
0x97: {  	_ =	strace $0x8FFFFFFF  }
0x98: {  	s18 =	sld [smem:$0x3FDB];
	_ =	sdelay $0x1  }
0x99: {  	s19 =	simm.s32 $_scs_section_size  }
0x9a: {  	s4 =	simm.s32 $_size__tile_overlayer_lowered;
	s5 =	simm.s32 $_tile_overlayer_lowered  }
0x9b: {  	s22 =	simm.s32 $0x1BFF;
	s21 =	sshll.u32 s5, $0x1;
	s2 =	sadd.s32 s19, s18  }
0x9c: {  	s6 =	simm.s32 $0x0;
	s20 =	sshll.u32 s4, $0x1;
	s4 =	sadd.s32 s21, s2  }
0x9d: {  	[timem:s6], [sflag:s22] =	dma.local [hbm:s4], s20  }
0x9e: {  	_ =	swait.ge [sflag:s22], s20  }
0x9f: {  	s3 =	ssub.s32 $0x0, s20;
	[sflag:s22] =	ssyncset.done $0x0  }
0xa0: {  	[sflag:s22] =	ssyncadd.s32 s3;
	_ =	sdelay $0x1  }
0xa1: {  	s23 =	simm.s32 $0x1B8B  }
0xa2: {  	_ =	swait.ge [sflag:s23], $0x1  }
0xa3: {  	[sflag:s23] =	ssyncset.done $0x0  }
0xa4: {  	s25 =	simm.s32 $0x1B8E;
	s24 =	sld [smem:$0x3FFE];
	[sflag:s23] =	ssyncadd.s32 $0xFFFFFFFF  }
0xa5: {  	s26 =	simm.s32 $execute0_lowered;
	[smem:$0x3FD2] =	sst s25  }
0xa6: {  	s4 =	sshll.u32 s26, $0x1;
	_ =	strace $0x8000004C;
	[dreg:$0x1] =	wrdreg $0xFFFFFFFF  }
0xa7: {  	s28 =	simm.s32 $_size_execute0_lowered;
	s2 =	sadd.s32 s2, s4;
	[dreg:$0x0] =	wrdreg $0x0  }
0xa8: {  	s4 =	sshll.u32 s28, $0x1;
	[dreg:$0x2] =	wrdreg s2  }
0xa9: {  	[dreg:$0x3] =	wrdreg s4  }
0xaa: {  	[dreg:$0x4] =	wrdreg $0xC0  }
0xab: {  	_ =	task [dreg:s6], $0x5FFFF  }
0xac: {  	[dreg:$0x1] =	wrdreg $0xFFFFFFFF  }
0xad: {  	[dreg:$0x0] =	wrdreg $0x60  }
0xae: {  	[dreg:$0x2] =	wrdreg s24  }
0xaf: {  	[dreg:$0x3] =	wrdreg $0x0  }
0xb0: {  	[dreg:$0x4] =	wrdreg $0x9  }
0xb1: {  	_ =	task.clear_ibuf [dreg:s6], $0x5FFFF;
	_ =	strace $0x9000004C  }
0xb2: {  	s29 =	simm.s32 $0x9;
	_ =	strace $0x8000004E  }
0xb3: {  	_ =	swait.ge [sflag:s29], $0x1  }
0xb4: {  	[sflag:s29] =	ssyncadd.s32 $0xFFFFFFFF  }
0xb5: {  	_ =	strace $0x9000004E  }
0xb6: {  	_ =	sfence  }
0xb7: {  	s30 =	sld [smem:$0x0];
	_ =	sdelay $0x2  }
0xb8: {  	s31 =	sshll.u32 s1, $0xD;
	s1 =	sshrl.u32 s1, $0x2  }
0xb9: {  	s3 =	sand.u32 $0x4000, s31;
	s1 =	sadd.s32 s1, s30  }
0xba: {  	s0 =	sor.u32 s3, s0;
	s1 =	sshll.u32 s1, $0x11  }
0xbb: {  	s0 =	sor.u32 s1, s0  }
0xbc: {  	s0 =	sadd.s32 $0x8F2B, s0  }
0xbd: {  	[sflag:s0] =	ssyncadd.remote.s32 $0x1  }
0xbe: {  	_ =	sfence.sel $0xFFFF  }
0xbf: {  	[dreg:$0x0] =	wrdreg $0xFFFFFFFF;
	(pc) =	sbr.abs _section_cstart, $3  }
0xc0: {  	[dreg:$0x1] =	wrdreg $0xFFFFFFFF  }
0xc1: {  	_ =	task.clear_ibuf [dreg:s6], $0x2FFFF;
	_ =	strace $0x9FFFFFFF  }
0xc2: {  	(tm) =	ssettm $0x7FFFFFFF  }
0xc3: {  	_ =	shalt  }
tec
execute0_lowered:
.L_overlay_start_1:
0x0: {  	(tag) =	ssettag $0x1  }
0x1: {  	s0 =	rddreg [dreg:$0x0]  }
0x2: {  	s1 =	rddreg [dreg:$0x1]  }
0x3: {  	s2 =	stileid.u32;
	s5 =	simm.s32 $0x0;
	s6 =	srdreg.scid  }
0x4: {  	s28 =	simm.s32 $0x2;
	s29 =	simm.s32 $0x16080;
	s30 =	simm.s32 $0x1C800  }
0x5: {  	s31 =	simm.s32 $0x3;
	s3 =	sshrl.u32 s2, $0x3;
	s17 =	sshll.u32 s2, $0x7  }
0x6: {  	[smem:$0x7FF] =	sst s5;
	s19 =	sshll.u32 s2, $0xB;
	s11 =	smul.u32 $0x4E000, s2  }
0x7: {  	s8 =	sand.u32 $0x1, s6;
	s20 =	sadd.s32 $0x5FE00, s0;
	s13 =	smul.u32 $0x2700, s2  }
0x8: {  	s21 =	sadd.s32 $0x87000, s0;
	s25 =	sadd.s32 $0x138000, s1;
	s15 =	sshll.u32 s2, $0x6  }
0x9: {  	p2 =	seq.s32 s2, $0x0;
	p3 =	sne.s32 s2, $0x0;
	s2 =	simm.s32 $0x19E00  }
0xa: {  	s4 =	smul.u32 $0x13C00, s3;
	s18 =	sand.u32 $0x380, s17;
	_ =	strace $0x8000004D  }
0xb: {  	s3 =	sadd.s32 $0x4A00, s0;
	s10 =	sadd.s32 s19, s0;
	[dreg:$0x4] =	wrdreg s21  }
0xc: {  	s9 =	ssub.s32 $0x2, s8;
	p0 =	seq.s32 s8, $0x0;
	[dreg:$0x3] =	wrdreg s20  }
0xd: {  	p1 =	sne.s32 s8, $0x0;
	s16 =	sor.u32 $0x1C05, s15;
	s19 =	sshrl.u32 s25, $0x3  }
0xe: {  	s25 =	simm.s32 $0x1A000;
	s12 =	sshrl.u32 s9, $0x1;
	s23 =	sshrl.u32 s11, $0x2  }
0xf: {  	s26 =	sadd.s32 s3, s13;
	s10 =	sadd.s32 $0x57E00, s10;
	s6 =	sadd.s32 s21, s13  }
0x10: {  	s21 =	simm.s32 $0x400;
	s5 =	sor.u32 s18, s4;
	s4 =	sadd.s32 $0x2BC00, s0  }
0x11: {  	s22 =	ssub.s32 s9, s12;
	s11 =	sadd.s32 s23, s1;
	[dreg:$0x6] =	wrdreg s26  }
0x12: {  	[dreg:$0x7] =	wrdreg s6;
	s18 =	simm.s32 $0x5;
	s23 =	simm.s32 $0x16000  }
0x13: {  	s26 =	simm.s32 $0x1;
	s5 =	sshrl.u32 s5, $0x3;
	s24 =	sadd.s32 s4, s13  }
.Ltmp0:
0x14: {  	s14 =	smax.u32 s22, $0x1;
	s17 =	sshrl.u32 s11, $0x3;
	(pc) =	sbr.rel .LBB2_1-.Ltmp0, $4  }
0x15: {  	s22 =	simm.s32 $0x13880;
	s7 =	sadd.s32 s5, s0;
	[dreg:$0x5] =	wrdreg s24  }
0x16: {  	s5 =	sadd.s32 s20, s13;
	s13 =	smov.u32 s4;
	s20 =	simm.s32 $0x80  }
0x17: {  	s24 =	simm.s32 $0x50;
	s0 =	simm.s32 $0x4;
	s9 =	sadd.s32 $0x52E00, s7  }
0x18: {  	[dreg:$0x8] =	wrdreg s5;
	s13 =	smov.u32 @p0 s3;
	s7 =	simm.s32 $0x0  }
.LBB2_10:
0x19: {  	s5 =	sadd.s32 $0x27000, s11  }
0x1a: {  	[hbm:s5], [sflag:s8] =	dma.local [spmem:s19], $0x100  }
0x1b: {  	_ =	swait.ge [sflag:s18], $0x100  }
0x1c: {  	[sflag:s18] =	ssyncset.done $0x0  }
0x1d: {  	[sflag:s18] =	ssyncadd.s32 $0xFFFFFF00  }
.LBB2_11:
0x1e: {  	s7 =	sadd.s32 $0x1, s7  }
0x1f: {  	p4 =	sne.s32 s7, s14  }
.Ltmp1:
0x20: {  	_ = 	snop;
	(pc) =	sbr.rel @!p4 .LBB2_12-.Ltmp1, $1  }
0x21: {  	_ =	sdelay $0x3  }
.LBB2_1:
.Ltmp2:
0x22: {  	(pc) =	sbr.rel @p1 .LBB2_3-.Ltmp2, $1  }
0x23: {  	_ =	sdelay $0x3  }
0x24: {  	s5 =	rddreg [dreg:$0x6]  }
0x25: {  	[spmem:s17], [sflag:s16] =	dma.local [hbm:s5], $0x2700  }
.Ltmp3:
0x26: {  	_ = 	snop;
	(pc) =	sbr.rel @!p2 .LBB2_5-.Ltmp3, $4  }
.Ltmp4:
0x27: {  	_ = 	snop;
	(pc) =	sbr.rel @p2 .LBB2_4-.Ltmp4, $4  }
0x28: {  	_ =	swait.ge [sflag:s18], $0x2700  }
0x29: {  	[sflag:s18] =	ssyncset.done $0x0  }
0x2a: {  	s11 =	smov.u32 s3;
	s8 =	smov.u32 s16;
	[sflag:s18] =	ssyncadd.s32 $0xFFFFD900  }
0x2b: {  	_ = 	snop  }
.LBB2_3:
.Ltmp5:
0x2c: {  	s8 =	sor.u32 $0x1C05, s15;
	s5 =	rddreg [dreg:$0x5];
	(pc) =	sbr.rel @p3 .LBB2_5-.Ltmp5, $4  }
0x2d: {  	[spmem:s17], [sflag:s8] =	dma.local [hbm:s5], $0x2700  }
0x2e: {  	_ =	swait.ge [sflag:s18], $0x2700  }
0x2f: {  	[sflag:s18] =	ssyncset.done $0x0  }
0x30: {  	s11 =	smov.u32 s4;
	[sflag:s18] =	ssyncadd.s32 $0xFFFFD900  }
.LBB2_4:
0x31: {  	s11 =	sadd.s32 $0x27000, s11  }
0x32: {  	[spmem:s19], [sflag:s8] =	dma.local [hbm:s11], $0x100  }
0x33: {  	_ =	swait.ge [sflag:s18], $0x100  }
0x34: {  	[sflag:s18] =	ssyncset.done $0x0  }
0x35: {  	[sflag:s18] =	ssyncadd.s32 $0xFFFFFF00  }
.LBB2_5:
0x36: {  	[tilespmem:s22], [sflag:$0x5] =	stream.strided.gather [hbm4b:s9+s20], $0x2780, s21, s20, $0x38;
	[tilespmem:$0x1F000] =	vst v63  }
0x37: {  	_ =	swait.ge [sflag:s18], $0x2780  }
0x38: {  	[sflag:s18] =	ssyncset.done $0x0  }
0x39: {  	s5 =	simm.s32 $0x0;
	[sflag:s18] =	ssyncadd.s32 $0xFFFFD880  }
0x3a: {  	[tilespmem:s23], [sflag:$0x5] =	stream.linear.gather [hbm4b:s10+s5], $0x3E80, $0x38;
	[tilespmem:$0x1F000] =	vst v63  }
0x3b: {  	_ =	swait.ge [sflag:s18], $0x3E80  }
0x3c: {  	[sflag:s18] =	ssyncset.done $0x0  }
0x3d: {  	[sflag:s18] =	ssyncadd.s32 $0xFFFFC180  }
0x3e: {  	[bflag:$0x0] =	sbarrier.arrive $0xFFFF  }
0x3f: {  	[tilespmem:s25], [sflag:$0x1] =	stream.indirect.gather [hbm4b:s13+s24], $0x80, s22, s24, $0xb8;
	[tilespmem:$0x1F000] =	vst v63  }
0x40: {  	_ =	swait.ge [sflag:s26], $0x2800  }
0x41: {  	[sflag:s26] =	ssyncset.done $0x0  }
0x42: {  	[sflag:s26] =	ssyncadd.s32 $0xFFFFD800  }
0x43: {  	[spmem:s1] =	stream.indirect.scatter.add.f32 [tilespmem:s25], [sflag:$0x3], $0x80, s23, s24, $0xb8;
	[tilespmem:$0x1F000] =	vst v63  }
0x44: {  	s8 =	simm.s32 @p0 $0x50;
	s11 =	simm.s32 @p0 $0x138D0;
	s12 =	simm.s32 @p0 $0x1C800  }
0x45: {  	[tilespmem:s12], [sflag:$0x2] =	stream.indirect.gather @p0 [hbm4b:s3+s8], $0x80, s11, s8, $0xb8;
	[tilespmem:$0x1F000] =	vst v63  }
0x46: {  	s5 =	simm.s32 @!p0 $0x1C800;
	s11 =	simm.s32 @!p0 $0x50;
	s12 =	simm.s32 @!p0 $0x138D0  }
0x47: {  	[tilespmem:s5], [sflag:$0x2] =	stream.indirect.gather @!p0 [hbm4b:s4+s11], $0x80, s12, s11, $0xb8;
	[tilespmem:$0x1F000] =	vst v63  }
0x48: {  	_ =	swait.ge [sflag:s28], $0x2800  }
0x49: {  	[sflag:s28] =	ssyncset.done $0x0  }
0x4a: {  	[sflag:s28] =	ssyncadd.s32 $0xFFFFD800  }
0x4b: {  	[spmem:s1] =	stream.indirect.scatter.add.f32 [tilespmem:s30], [sflag:$0x4], $0x80, s29, s24, $0xb8;
	[tilespmem:$0x1F000] =	vst v63  }
0x4c: {  	_ =	swait.ge [sflag:s31], $0x2800  }
0x4d: {  	[sflag:s31] =	ssyncset.done $0x0  }
0x4e: {  	s5 =	simm.s32 @p0 $0x13920;
	s12 =	simm.s32 @p0 $0x1A000;
	[sflag:s31] =	ssyncadd.s32 $0xFFFFD800  }
0x4f: {  	[tilespmem:s12], [sflag:$0x1] =	stream.indirect.gather @p0 [hbm4b:s3+s8], $0x80, s5, s8, $0xb8;
	[tilespmem:$0x1F000] =	vst v63  }
0x50: {  	s5 =	simm.s32 @!p0 $0x13920;
	s8 =	simm.s32 @!p0 $0x1A000  }
0x51: {  	[tilespmem:s8], [sflag:$0x1] =	stream.indirect.gather @!p0 [hbm4b:s4+s11], $0x80, s5, s11, $0xb8;
	[tilespmem:$0x1F000] =	vst v63  }
0x52: {  	_ =	swait.ge [sflag:s26], $0x2800  }
0x53: {  	[sflag:s26] =	ssyncset.done $0x0  }
0x54: {  	s8 =	simm.s32 $0x16100;
	[sflag:s26] =	ssyncadd.s32 $0xFFFFD800  }
0x55: {  	[spmem:s1] =	stream.indirect.scatter.add.f32 [tilespmem:s25], [sflag:$0x3], $0x80, s8, s24, $0xb8;
	[tilespmem:$0x1F000] =	vst v63  }
0x56: {  	_ =	swait.ge [sflag:s0], $0x2800  }
0x57: {  	[sflag:s0] =	ssyncset.done $0x0  }
0x58: {  	s11 =	simm.s32 $0x13970;
	[sflag:s0] =	ssyncadd.s32 $0xFFFFD800  }
0x59: {  	[tilespmem:s30], [sflag:$0x2] =	stream.indirect.gather [hbm4b:s13+s24], $0x80, s11, s24, $0xb8;
	[tilespmem:$0x1F000] =	vst v63  }
0x5a: {  	_ =	swait.ge [sflag:s28], $0x2800  }
0x5b: {  	[sflag:s28] =	ssyncset.done $0x0  }
0x5c: {  	s12 =	simm.s32 $0x16180;
	[sflag:s28] =	ssyncadd.s32 $0xFFFFD800  }
0x5d: {  	[spmem:s1] =	stream.indirect.scatter.add.f32 [tilespmem:s30], [sflag:$0x4], $0x80, s12, s24, $0xb8;
	[tilespmem:$0x1F000] =	vst v63  }
0x5e: {  	_ =	swait.ge [sflag:s31], $0x2800  }
0x5f: {  	s8 =	simm.s32 $0x139C0;
	[sflag:s31] =	ssyncset.done $0x0  }
0x60: {  	s11 =	simm.s32 $0xFFFF1000;
	s12 =	simm.s32 $0x13A60;
	[sflag:s31] =	ssyncadd.s32 $0xFFFFD800  }
.LBB2_6:
0x61: {  	[tilespmem:s25], [sflag:$0x1] =	stream.indirect.gather [hbm4b:s13+s24], $0x80, s8, s24, $0xb8;
	[tilespmem:$0x1F000] =	vst v63  }
0x62: {  	s5 =	smov.u32 s11;
	s8 =	smov.u32 s12  }
0x63: {  	p4 =	sne.s32 s11, $0xFFFFFC00;
	s11 =	sadd.s32 $0x400, s11;
	_ =	swait.ge [sflag:s26], $0x2800  }
0x64: {  	s5 =	sshra.s32 s5, $0x2;
	[sflag:s26] =	ssyncset.done $0x0  }
0x65: {  	s6 =	sadd.s32 $0x19E00, s5;
	[sflag:s26] =	ssyncadd.s32 $0xFFFFD800  }
0x66: {  	[spmem:s1] =	stream.indirect.scatter.add.f32 [tilespmem:s25], [sflag:$0x3], $0x80, s6, s24, $0xb8;
	[tilespmem:$0x1F000] =	vst v63  }
0x67: {  	_ =	swait.ge [sflag:s0], $0x2800  }
0x68: {  	[sflag:s0] =	ssyncset.done $0x0  }
0x69: {  	s6 =	sadd.s32 $0xFFFFFFB0, s12;
	[sflag:s0] =	ssyncadd.s32 $0xFFFFD800  }
0x6a: {  	[tilespmem:s30], [sflag:$0x2] =	stream.indirect.gather [hbm4b:s13+s24], $0x80, s6, s24, $0xb8;
	[tilespmem:$0x1F000] =	vst v63  }
0x6b: {  	_ =	swait.ge [sflag:s28], $0x2800  }
0x6c: {  	[sflag:s28] =	ssyncset.done $0x0  }
.Ltmp6:
0x6d: {  	s5 =	sadd.s32 $0x19E80, s5;
	[sflag:s28] =	ssyncadd.s32 $0xFFFFD800;
	(pc) =	sbr.rel @p4 .LBB2_6-.Ltmp6, $4  }
0x6e: {  	[spmem:s1] =	stream.indirect.scatter.add.f32 [tilespmem:s30], [sflag:$0x4], $0x80, s5, s24, $0xb8;
	[tilespmem:$0x1F000] =	vst v63  }
0x6f: {  	_ =	swait.ge [sflag:s31], $0x2800  }
0x70: {  	[sflag:s31] =	ssyncset.done $0x0  }
0x71: {  	s12 =	sadd.s32 $0xA0, s12;
	[sflag:s31] =	ssyncadd.s32 $0xFFFFD800  }
0x72: {  	[tilespmem:s25], [sflag:$0x1] =	stream.indirect.gather [hbm4b:s13+s24], $0x80, s8, s24, $0xb8;
	[tilespmem:$0x1F000] =	vst v63  }
0x73: {  	_ =	swait.ge [sflag:s26], $0x2800  }
0x74: {  	[sflag:s26] =	ssyncset.done $0x0  }
0x75: {  	[sflag:s26] =	ssyncadd.s32 $0xFFFFD800  }
0x76: {  	[spmem:s1] =	stream.indirect.scatter.add.f32 [tilespmem:s25], [sflag:$0x3], $0x80, s2, s24, $0xb8;
	[tilespmem:$0x1F000] =	vst v63  }
0x77: {  	_ =	swait.ge [sflag:s0], $0x2800  }
0x78: {  	[sflag:s0] =	ssyncset.done $0x0  }
0x79: {  	[sflag:s0] =	ssyncadd.s32 $0xFFFFD800  }
.Ltmp7:
0x7a: {  	_ =	swait.ge [sflag:s31], $0x2800;
	(pc) =	sbr.rel @p1 .LBB2_9-.Ltmp7, $4  }
0x7b: {  	[sflag:s31] =	ssyncset.done $0x0  }
0x7c: {  	[sflag:s31] =	ssyncadd.s32 $0xFFFFD800  }
0x7d: {  	[bflag:$0x0] =	sbarrier.arrive $0xFFFF  }
0x7e: {  	s8 =	sor.u32 $0x1C05, s15  }
0x7f: {  	s5 =	rddreg [dreg:$0x8]  }
0x80: {  	[hbm:s5], [sflag:s8] =	dma.local [spmem:s17], $0x2700  }
.Ltmp8:
0x81: {  	_ = 	snop;
	(pc) =	sbr.rel @!p2 .LBB2_11-.Ltmp8, $4  }
.Ltmp9:
0x82: {  	_ = 	snop;
	(pc) =	sbr.rel @p2 .LBB2_10-.Ltmp9, $4  }
0x83: {  	_ =	swait.ge [sflag:s18], $0x2700  }
0x84: {  	[sflag:s18] =	ssyncset.done $0x0  }
0x85: {  	s11 =	rddreg [dreg:$0x3];
	[sflag:s18] =	ssyncadd.s32 $0xFFFFD900  }
0x86: {  	_ = 	snop  }
.LBB2_9:
0x87: {  	s5 =	rddreg [dreg:$0x7]  }
0x88: {  	[hbm:s5], [sflag:s8] =	dma.local [spmem:s17], $0x2700  }
.Ltmp10:
0x89: {  	_ = 	snop;
	(pc) =	sbr.rel @p3 .LBB2_11-.Ltmp10, $4  }
.Ltmp11:
0x8a: {  	_ = 	snop;
	(pc) =	sbr.rel @!p3 .LBB2_10-.Ltmp11, $4  }
0x8b: {  	_ =	swait.ge [sflag:s18], $0x2700  }
0x8c: {  	[sflag:s18] =	ssyncset.done $0x0  }
0x8d: {  	s11 =	rddreg [dreg:$0x4];
	[sflag:s18] =	ssyncadd.s32 $0xFFFFD900  }
0x8e: {  	_ = 	snop  }
.LBB2_12:
0x8f: {  	_ =	sfence.sel $0x180000  }
0x90: {  	[bflag:$0x0] =	sbarrier.arrive $0xFFFF  }
0x91: {  	_ =	strace $0x9000004D  }
0x92: {  	[bflag:$0x2] =	sbarrier.arrive $0xFFFF  }
0x93: {  	s0 =	rddreg [dreg:$0x2]  }
0x94: {  	s0 =	sadd.s32 @!p3 $0x100000, s0  }
0x95: {  	[sflag:s0] =	ssyncadd.tile.s32 @!p3 $0x1;
	_ =	shalt  }
.Lfunc_end2:
_tile_overlayer_lowered:
.L_overlay_start_2:
0x96: {  	(tag) =	ssettag $0x2  }
0x97: {  	s0 =	rddreg [dreg:$0x0];
	s2 =	stileid.u32  }
0x98: {  	s1 =	rddreg [dreg:$0x1];
	p0 =	sne.s32 s2, $0x0  }
0x99: {  	s3 =	rddreg [dreg:$0x2];
	[bflag:$0x3] =	sbarrier.arrive $0xFFFF;
	s2 =	simm.s32 @!p0 $0x1C05  }
0x9a: {  	[timem:s3], [sflag:s2] =	dma.local @!p0 [hbm:s0], s1  }
0x9b: {  	s0 =	simm.s32 @!p0 $0x5  }
0x9c: {  	_ =	swait.ge @!p0 [sflag:s0], s1  }
0x9d: {  	s1 =	ssub.s32 @!p0 $0x0, s1;
	[sflag:s0] =	ssyncset.done @!p0 $0x0  }
0x9e: {  	[sflag:s0] =	ssyncadd.s32 @!p0 s1  }
0x9f: {  	[bflag:$0x3] =	sbarrier.arrive $0xFFFF  }
0xa0: {  	_ =	shalt  }

// kernel: sc_edge_aggregate.5.cloned.1.call-start
scs
__scs_entry_jumppad:
0x0: {  	(pc) =	sbr.rel $0x88, $3  }
0x1: {  	(tag) =	ssettag $0x0;
	lr =	simm.s32 $0x1  }
0x2: {  	[smem:$0x3F90] =	sst lr;
	_ =	strace $0xD0000000  }
0x3: {  	_ = 	snop  }
0x4: {  	_ = 	snop  }
0x5: {  	_ = 	snop  }
0x6: {  	_ = 	snop  }
0x7: {  	_ = 	snop  }
__scs_overlays_trampoline_lowered:
0x8: {  	[smem:$0x3F9F] =	sst s0  }
0x9: {  	[smem:$0x3FA0] =	sst s1  }
0xa: {  	[smem:$0x3FA1] =	sst s2  }
0xb: {  	[smem:$0x3FA2] =	sst s3  }
0xc: {  	[smem:$0x3FA3] =	sst s4  }
0xd: {  	[smem:$0x3FA4] =	sst s5  }
0xe: {  	[smem:$0x3FA5] =	sst s6  }
0xf: {  	[smem:$0x3FA6] =	sst s7  }
0x10: {  	[smem:$0x3FA7] =	sst s8  }
0x11: {  	[smem:$0x3FA8] =	sst s9;
	s0 =	simm.s32 @!p0 $0x0  }
0x12: {  	s1 =	sld [smem:$0x3F8E];
	s0 =	simm.s32 @p0 $0x1  }
0x13: {  	[smem:$0x3FA9] =	sst s0;
	s0 =	simm.s32 @!p1 $0x0  }
0x14: {  	s2 =	sld [smem:$0x3F8D];
	s0 =	simm.s32 @p1 $0x1  }
0x15: {  	[smem:$0x3FAA] =	sst s0;
	s0 =	simm.s32 @!p2 $0x0  }
0x16: {  	s3 =	sld [smem:$0x3FDB];
	s0 =	simm.s32 @p2 $0x1  }
0x17: {  	s4 =	simm.s32 $0x1BF5;
	[smem:$0x3FAC] =	sst s0  }
0x18: {  	s0 =	sld [smem:$0x3F8F];
	_ =	swait.ge [sflag:s4], $0x0  }
0x19: {  	s7 =	sld [smem:$0x3F90]  }
0x1a: {  	s8 =	sadd.s32 $0xFFFFE003, lr  }
0x1b: {  	s9 =	sadd.s32 $0xFFFFFEF7, lr;
	s5 =	simm.s32 $0xFFFFFFFF;
	p2 =	slt.u32 s8, $0xFFFFF086  }
0x1c: {  	p1 =	slt.u32 s9, $0xF7A;
	s5 =	simm.s32 @!p2 $0x0  }
0x1d: {  	s5 =	simm.s32 @p1 $0x1;
	p0 =	seq.s32 s7, s2  }
0x1e: {  	s7 =	smul.u32 @!p0 $0xF7A, s2;
	p2 =	seq.s32 @!p0 s5, $0x0  }
0x1f: {  	s9 =	smul.u32 $0xF7A, s1;
	s8 =	simm.s32 @!p0 $0x1BF5;
	p2 =	por !p2, p0  }
0x20: {  	[sflag:s8] =	ssyncset.s32 @!p0 $0xFFFFF086;
	s6 =	sadd.s32 @!p0 s3, s7;
	s7 =	simm.s32 @!p0 $0x108  }
0x21: {  	s3 =	sadd.s32 s3, s9;
	s6 =	sadd.s32 @!p0 $0x88, s6;
	s7 =	simm.s32 @p2 $0x1082  }
0x22: {  	[simem:s7], [sflag:s8] =	dma.local @!p0 [hbm:s6], $0xF7A  }
0x23: {  	s9 =	sor.u32 $0xD0000000, s2;
	s6 =	simm.s32 $0x108;
	_ =	swait.ge @!p0 [sflag:s8], $0x0  }
0x24: {  	s3 =	sadd.s32 $0x88, s3;
	s6 =	simm.s32 @!p1 $0x1082;
	[sflag:s4] =	ssyncset.s32 $0xFFFFF086  }
0x25: {  	[simem:s6], [sflag:s4] =	dma.local [hbm:s3], $0xF7A  }
0x26: {  	[smem:$0x3F90] =	sst s1;
	(tag) =	ssettag s2;
	_ =	strace s9  }
0x27: {  	s1 =	sld [smem:$0x3FA0]  }
0x28: {  	s2 =	sld [smem:$0x3FA1]  }
0x29: {  	s4 =	sld [smem:$0x3FA3]  }
0x2a: {  	p0 =	seq.s32 s5, $0x0;
	s5 =	sld [smem:$0x3FA4]  }
0x2b: {  	s6 =	sld [smem:$0x3FA5]  }
0x2c: {  	s7 =	sld [smem:$0x3FA6]  }
0x2d: {  	s3 =	simm.s32 $0x108;
	s8 =	sld [smem:$0x3FA7]  }
0x2e: {  	s3 =	simm.s32 @!p0 $0x1082;
	s9 =	sld [smem:$0x3FA8]  }
0x2f: {  	lr =	sadd.s32 s0, s3;
	s0 =	sld [smem:$0x3F9F]  }
0x30: {  	s3 =	sld [smem:$0x3FA2]  }
0x31: {  	[smem:$0x3FAB] =	sst s10  }
0x32: {  	s10 =	sld [smem:$0x3FA9];
	_ =	sdelay $0x3  }
0x33: {  	p0 =	seq.s32 s10, $0x1;
	s10 =	sld [smem:$0x3FAB];
	_ =	sdelay $0x3  }
0x34: {  	[smem:$0x3FAB] =	sst s10  }
0x35: {  	s10 =	sld [smem:$0x3FAA];
	_ =	sdelay $0x3  }
0x36: {  	p1 =	seq.s32 s10, $0x1;
	s10 =	sld [smem:$0x3FAB];
	_ =	sdelay $0x3  }
0x37: {  	[smem:$0x3FAB] =	sst s10  }
0x38: {  	s10 =	sld [smem:$0x3FAC]  }
0x39: {  	_ = 	snop;
	(pc) =	sbr.ind lr, $3  }
0x3a: {  	_ = 	snop  }
0x3b: {  	_ = 	snop  }
0x3c: {  	p2 =	seq.s32 s10, $0x1;
	s10 =	sld [smem:$0x3FAB]  }
0x3d: {  	_ =	shalt  }
0x3e: {  	_ =	shalt  }
0x3f: {  	_ =	shalt  }
0x40: {  	_ =	shalt  }
0x41: {  	_ =	shalt  }
0x42: {  	_ =	shalt  }
0x43: {  	_ =	shalt  }
0x44: {  	_ =	shalt  }
0x45: {  	_ =	shalt  }
0x46: {  	_ =	shalt  }
0x47: {  	_ =	shalt  }
0x48: {  	_ =	shalt  }
0x49: {  	_ =	shalt  }
0x4a: {  	_ =	shalt  }
0x4b: {  	_ =	shalt  }
0x4c: {  	_ =	shalt  }
0x4d: {  	_ =	shalt  }
0x4e: {  	_ =	shalt  }
0x4f: {  	_ =	shalt  }
0x50: {  	_ =	shalt  }
0x51: {  	_ =	shalt  }
0x52: {  	_ =	shalt  }
0x53: {  	_ =	shalt  }
0x54: {  	_ =	shalt  }
0x55: {  	_ =	shalt  }
0x56: {  	_ =	shalt  }
0x57: {  	_ =	shalt  }
0x58: {  	_ =	shalt  }
0x59: {  	_ =	shalt  }
0x5a: {  	_ =	shalt  }
0x5b: {  	_ =	shalt  }
0x5c: {  	_ =	shalt  }
0x5d: {  	_ =	shalt  }
0x5e: {  	_ =	shalt  }
0x5f: {  	_ =	shalt  }
0x60: {  	_ =	shalt  }
0x61: {  	_ =	shalt  }
0x62: {  	_ =	shalt  }
0x63: {  	_ =	shalt  }
0x64: {  	_ =	shalt  }
0x65: {  	_ =	shalt  }
0x66: {  	_ =	shalt  }
0x67: {  	_ =	shalt  }
0x68: {  	_ =	shalt  }
0x69: {  	_ =	shalt  }
0x6a: {  	_ =	shalt  }
0x6b: {  	_ =	shalt  }
0x6c: {  	_ =	shalt  }
0x6d: {  	_ =	shalt  }
0x6e: {  	_ =	shalt  }
0x6f: {  	_ =	shalt  }
0x70: {  	_ =	shalt  }
0x71: {  	_ =	shalt  }
0x72: {  	_ =	shalt  }
0x73: {  	_ =	shalt  }
0x74: {  	_ =	shalt  }
0x75: {  	_ =	shalt  }
0x76: {  	_ =	shalt  }
0x77: {  	_ =	shalt  }
0x78: {  	_ =	shalt  }
0x79: {  	_ =	shalt  }
0x7a: {  	_ =	shalt  }
0x7b: {  	_ =	shalt  }
0x7c: {  	_ =	shalt  }
0x7d: {  	_ =	shalt  }
0x7e: {  	_ =	shalt  }
0x7f: {  	_ =	shalt  }
0x80: {  	_ =	shalt  }
0x81: {  	_ =	shalt  }
0x82: {  	_ =	shalt  }
0x83: {  	_ =	shalt  }
0x84: {  	_ =	shalt  }
0x85: {  	_ =	shalt  }
0x86: {  	_ =	shalt  }
0x87: {  	_ =	shalt  }
.Lfunc_end0:
.L_simem_size_0:
called_computation_lowered:
.L_overlay_start_0:
0x88: {  	s2 =	sld [smem:$0x3FD9]  }
0x89: {  	s3 =	sld [smem:$0x3FFE];
	_ =	sdelay $0x1  }
0x8a: {  	s1 =	srdreg.scid  }
0x8b: {  	s0 =	sand.u32 $0x1, s1  }
0x8c: {  	s16 =	sshll.u32 s0, $0xA;
	s2 =	sadd.s32 s3, s2  }
0x8d: {  	s2 =	sadd.s32 s2, s16  }
0x8e: {  	[smem:$0x3FB7] =	sst s2  }
0x8f: {  	_ = 	snop  }
0x90: {  	(tm) =	ssettm $0x1  }
0x91: {  	s17 =	sld [smem:$0x3FFB];
	_ =	sdelay $0x3  }
0x92: {  	_ =	strace s17  }
0x93: {  	s2 =	sld [smem:$0x3FFC];
	_ =	sdelay $0x3  }
0x94: {  	_ =	strace s2  }
0x95: {  	s2 =	sld [smem:$0x3FFD];
	_ =	sdelay $0x3  }
0x96: {  	_ =	strace s2  }
0x97: {  	_ =	strace $0x8FFFFFFF  }
0x98: {  	s18 =	sld [smem:$0x3FDB];
	_ =	sdelay $0x1  }
0x99: {  	s19 =	simm.s32 $_scs_section_size  }
0x9a: {  	s4 =	simm.s32 $_size__tile_overlayer_lowered;
	s5 =	simm.s32 $_tile_overlayer_lowered  }
0x9b: {  	s22 =	simm.s32 $0x1BFF;
	s21 =	sshll.u32 s5, $0x1;
	s2 =	sadd.s32 s19, s18  }
0x9c: {  	s6 =	simm.s32 $0x0;
	s20 =	sshll.u32 s4, $0x1;
	s4 =	sadd.s32 s21, s2  }
0x9d: {  	[timem:s6], [sflag:s22] =	dma.local [hbm:s4], s20  }
0x9e: {  	_ =	swait.ge [sflag:s22], s20  }
0x9f: {  	s3 =	ssub.s32 $0x0, s20;
	[sflag:s22] =	ssyncset.done $0x0  }
0xa0: {  	[sflag:s22] =	ssyncadd.s32 s3;
	_ =	sdelay $0x1  }
0xa1: {  	s23 =	simm.s32 $0x1B8B  }
0xa2: {  	_ =	swait.ge [sflag:s23], $0x1  }
0xa3: {  	[sflag:s23] =	ssyncset.done $0x0  }
0xa4: {  	s25 =	simm.s32 $0x1B8E;
	s24 =	sld [smem:$0x3FFE];
	[sflag:s23] =	ssyncadd.s32 $0xFFFFFFFF  }
0xa5: {  	s26 =	simm.s32 $execute0_lowered;
	[smem:$0x3FD2] =	sst s25  }
0xa6: {  	s4 =	sshll.u32 s26, $0x1;
	_ =	strace $0x80000046;
	[dreg:$0x1] =	wrdreg $0xFFFFFFFF  }
0xa7: {  	s28 =	simm.s32 $_size_execute0_lowered;
	s2 =	sadd.s32 s2, s4;
	[dreg:$0x0] =	wrdreg $0x0  }
0xa8: {  	s4 =	sshll.u32 s28, $0x1;
	[dreg:$0x2] =	wrdreg s2  }
0xa9: {  	[dreg:$0x3] =	wrdreg s4  }
0xaa: {  	[dreg:$0x4] =	wrdreg $0xC0  }
0xab: {  	_ =	task [dreg:s6], $0x5FFFF  }
0xac: {  	[dreg:$0x1] =	wrdreg $0xFFFFFFFF  }
0xad: {  	[dreg:$0x0] =	wrdreg $0x60  }
0xae: {  	[dreg:$0x2] =	wrdreg s24  }
0xaf: {  	[dreg:$0x3] =	wrdreg $0x0  }
0xb0: {  	[dreg:$0x4] =	wrdreg $0x9  }
0xb1: {  	_ =	task.clear_ibuf [dreg:s6], $0x5FFFF;
	_ =	strace $0x90000046  }
0xb2: {  	s29 =	simm.s32 $0x9;
	_ =	strace $0x80000048  }
0xb3: {  	_ =	swait.ge [sflag:s29], $0x1  }
0xb4: {  	[sflag:s29] =	ssyncadd.s32 $0xFFFFFFFF  }
0xb5: {  	_ =	strace $0x90000048  }
0xb6: {  	_ =	sfence  }
0xb7: {  	s30 =	sld [smem:$0x0];
	_ =	sdelay $0x2  }
0xb8: {  	s31 =	sshll.u32 s1, $0xD;
	s1 =	sshrl.u32 s1, $0x2  }
0xb9: {  	s3 =	sand.u32 $0x4000, s31;
	s1 =	sadd.s32 s1, s30  }
0xba: {  	s0 =	sor.u32 s3, s0;
	s1 =	sshll.u32 s1, $0x11  }
0xbb: {  	s0 =	sor.u32 s1, s0  }
0xbc: {  	s0 =	sadd.s32 $0x8F2B, s0  }
0xbd: {  	[sflag:s0] =	ssyncadd.remote.s32 $0x1  }
0xbe: {  	_ =	sfence.sel $0xFFFF  }
0xbf: {  	[dreg:$0x0] =	wrdreg $0xFFFFFFFF;
	(pc) =	sbr.abs _section_cstart, $3  }
0xc0: {  	[dreg:$0x1] =	wrdreg $0xFFFFFFFF  }
0xc1: {  	_ =	task.clear_ibuf [dreg:s6], $0x2FFFF;
	_ =	strace $0x9FFFFFFF  }
0xc2: {  	(tm) =	ssettm $0x7FFFFFFF  }
0xc3: {  	_ =	shalt  }
tec
execute0_lowered:
.L_overlay_start_1:
0x0: {  	(tag) =	ssettag $0x1  }
0x1: {  	s0 =	rddreg [dreg:$0x0]  }
0x2: {  	s1 =	rddreg [dreg:$0x1]  }
0x3: {  	s2 =	stileid.u32;
	s5 =	simm.s32 $0x0;
	s6 =	srdreg.scid  }
0x4: {  	s28 =	simm.s32 $0x2;
	s29 =	simm.s32 $0x16080;
	s30 =	simm.s32 $0x1C800  }
0x5: {  	s31 =	simm.s32 $0x3;
	s3 =	sshrl.u32 s2, $0x3;
	s17 =	sshll.u32 s2, $0x7  }
0x6: {  	[smem:$0x7FF] =	sst s5;
	s19 =	sshll.u32 s2, $0xB;
	s11 =	smul.u32 $0x4E000, s2  }
0x7: {  	s8 =	sand.u32 $0x1, s6;
	s20 =	sadd.s32 $0x5FE00, s0;
	s13 =	smul.u32 $0x2700, s2  }
0x8: {  	s21 =	sadd.s32 $0x87000, s0;
	s25 =	sadd.s32 $0x138000, s1;
	s15 =	sshll.u32 s2, $0x6  }
0x9: {  	p2 =	seq.s32 s2, $0x0;
	p3 =	sne.s32 s2, $0x0;
	s2 =	simm.s32 $0x19E00  }
0xa: {  	s4 =	smul.u32 $0x13C00, s3;
	s18 =	sand.u32 $0x380, s17;
	_ =	strace $0x80000047  }
0xb: {  	s3 =	sadd.s32 $0x2BC00, s0;
	s10 =	sadd.s32 s19, s0;
	[dreg:$0x4] =	wrdreg s21  }
0xc: {  	s9 =	ssub.s32 $0x2, s8;
	p0 =	seq.s32 s8, $0x0;
	[dreg:$0x3] =	wrdreg s20  }
0xd: {  	p1 =	sne.s32 s8, $0x0;
	s16 =	sor.u32 $0x1C05, s15;
	s19 =	sshrl.u32 s25, $0x3  }
0xe: {  	s25 =	simm.s32 $0x1A000;
	s12 =	sshrl.u32 s9, $0x1;
	s23 =	sshrl.u32 s11, $0x2  }
0xf: {  	s26 =	sadd.s32 s3, s13;
	s10 =	sadd.s32 $0x57E00, s10;
	s6 =	sadd.s32 s21, s13  }
0x10: {  	s21 =	simm.s32 $0x400;
	s5 =	sor.u32 s18, s4;
	s4 =	sadd.s32 $0x4A00, s0  }
0x11: {  	s22 =	ssub.s32 s9, s12;
	s11 =	sadd.s32 s23, s1;
	[dreg:$0x6] =	wrdreg s26  }
0x12: {  	[dreg:$0x7] =	wrdreg s6;
	s18 =	simm.s32 $0x5;
	s23 =	simm.s32 $0x16000  }
0x13: {  	s26 =	simm.s32 $0x1;
	s5 =	sshrl.u32 s5, $0x3;
	s24 =	sadd.s32 s4, s13  }
.Ltmp0:
0x14: {  	s14 =	smax.u32 s22, $0x1;
	s17 =	sshrl.u32 s11, $0x3;
	(pc) =	sbr.rel .LBB2_1-.Ltmp0, $4  }
0x15: {  	s22 =	simm.s32 $0x13880;
	s7 =	sadd.s32 s5, s0;
	[dreg:$0x5] =	wrdreg s24  }
0x16: {  	s5 =	sadd.s32 s20, s13;
	s13 =	smov.u32 s4;
	s20 =	simm.s32 $0x80  }
0x17: {  	s24 =	simm.s32 $0x50;
	s0 =	simm.s32 $0x4;
	s9 =	sadd.s32 $0x52E00, s7  }
0x18: {  	[dreg:$0x8] =	wrdreg s5;
	s13 =	smov.u32 @p0 s3;
	s7 =	simm.s32 $0x0  }
.LBB2_10:
0x19: {  	s5 =	sadd.s32 $0x27000, s11  }
0x1a: {  	[hbm:s5], [sflag:s8] =	dma.local [spmem:s19], $0x100  }
0x1b: {  	_ =	swait.ge [sflag:s18], $0x100  }
0x1c: {  	[sflag:s18] =	ssyncset.done $0x0  }
0x1d: {  	[sflag:s18] =	ssyncadd.s32 $0xFFFFFF00  }
.LBB2_11:
0x1e: {  	s7 =	sadd.s32 $0x1, s7  }
0x1f: {  	p4 =	sne.s32 s7, s14  }
.Ltmp1:
0x20: {  	_ = 	snop;
	(pc) =	sbr.rel @!p4 .LBB2_12-.Ltmp1, $1  }
0x21: {  	_ =	sdelay $0x3  }
.LBB2_1:
.Ltmp2:
0x22: {  	(pc) =	sbr.rel @p1 .LBB2_3-.Ltmp2, $1  }
0x23: {  	_ =	sdelay $0x3  }
0x24: {  	s5 =	rddreg [dreg:$0x6]  }
0x25: {  	[spmem:s17], [sflag:s16] =	dma.local [hbm:s5], $0x2700  }
.Ltmp3:
0x26: {  	_ = 	snop;
	(pc) =	sbr.rel @!p2 .LBB2_5-.Ltmp3, $4  }
.Ltmp4:
0x27: {  	_ = 	snop;
	(pc) =	sbr.rel @p2 .LBB2_4-.Ltmp4, $4  }
0x28: {  	_ =	swait.ge [sflag:s18], $0x2700  }
0x29: {  	[sflag:s18] =	ssyncset.done $0x0  }
0x2a: {  	s11 =	smov.u32 s3;
	s8 =	smov.u32 s16;
	[sflag:s18] =	ssyncadd.s32 $0xFFFFD900  }
0x2b: {  	_ = 	snop  }
.LBB2_3:
.Ltmp5:
0x2c: {  	s8 =	sor.u32 $0x1C05, s15;
	s5 =	rddreg [dreg:$0x5];
	(pc) =	sbr.rel @p3 .LBB2_5-.Ltmp5, $4  }
0x2d: {  	[spmem:s17], [sflag:s8] =	dma.local [hbm:s5], $0x2700  }
0x2e: {  	_ =	swait.ge [sflag:s18], $0x2700  }
0x2f: {  	[sflag:s18] =	ssyncset.done $0x0  }
0x30: {  	s11 =	smov.u32 s4;
	[sflag:s18] =	ssyncadd.s32 $0xFFFFD900  }
.LBB2_4:
0x31: {  	s11 =	sadd.s32 $0x27000, s11  }
0x32: {  	[spmem:s19], [sflag:s8] =	dma.local [hbm:s11], $0x100  }
0x33: {  	_ =	swait.ge [sflag:s18], $0x100  }
0x34: {  	[sflag:s18] =	ssyncset.done $0x0  }
0x35: {  	[sflag:s18] =	ssyncadd.s32 $0xFFFFFF00  }
.LBB2_5:
0x36: {  	[tilespmem:s22], [sflag:$0x5] =	stream.strided.gather [hbm4b:s9+s20], $0x2780, s21, s20, $0x38;
	[tilespmem:$0x1F000] =	vst v63  }
0x37: {  	_ =	swait.ge [sflag:s18], $0x2780  }
0x38: {  	[sflag:s18] =	ssyncset.done $0x0  }
0x39: {  	s5 =	simm.s32 $0x0;
	[sflag:s18] =	ssyncadd.s32 $0xFFFFD880  }
0x3a: {  	[tilespmem:s23], [sflag:$0x5] =	stream.linear.gather [hbm4b:s10+s5], $0x3E80, $0x38;
	[tilespmem:$0x1F000] =	vst v63  }
0x3b: {  	_ =	swait.ge [sflag:s18], $0x3E80  }
0x3c: {  	[sflag:s18] =	ssyncset.done $0x0  }
0x3d: {  	[sflag:s18] =	ssyncadd.s32 $0xFFFFC180  }
0x3e: {  	[bflag:$0x0] =	sbarrier.arrive $0xFFFF  }
0x3f: {  	[tilespmem:s25], [sflag:$0x1] =	stream.indirect.gather [hbm4b:s13+s24], $0x80, s22, s24, $0xb8;
	[tilespmem:$0x1F000] =	vst v63  }
0x40: {  	_ =	swait.ge [sflag:s26], $0x2800  }
0x41: {  	[sflag:s26] =	ssyncset.done $0x0  }
0x42: {  	[sflag:s26] =	ssyncadd.s32 $0xFFFFD800  }
0x43: {  	[spmem:s1] =	stream.indirect.scatter.add.f32 [tilespmem:s25], [sflag:$0x3], $0x80, s23, s24, $0xb8;
	[tilespmem:$0x1F000] =	vst v63  }
0x44: {  	s8 =	simm.s32 @p0 $0x50;
	s11 =	simm.s32 @p0 $0x138D0;
	s12 =	simm.s32 @p0 $0x1C800  }
0x45: {  	[tilespmem:s12], [sflag:$0x2] =	stream.indirect.gather @p0 [hbm4b:s3+s8], $0x80, s11, s8, $0xb8;
	[tilespmem:$0x1F000] =	vst v63  }
0x46: {  	s5 =	simm.s32 @!p0 $0x1C800;
	s11 =	simm.s32 @!p0 $0x50;
	s12 =	simm.s32 @!p0 $0x138D0  }
0x47: {  	[tilespmem:s5], [sflag:$0x2] =	stream.indirect.gather @!p0 [hbm4b:s4+s11], $0x80, s12, s11, $0xb8;
	[tilespmem:$0x1F000] =	vst v63  }
0x48: {  	_ =	swait.ge [sflag:s28], $0x2800  }
0x49: {  	[sflag:s28] =	ssyncset.done $0x0  }
0x4a: {  	[sflag:s28] =	ssyncadd.s32 $0xFFFFD800  }
0x4b: {  	[spmem:s1] =	stream.indirect.scatter.add.f32 [tilespmem:s30], [sflag:$0x4], $0x80, s29, s24, $0xb8;
	[tilespmem:$0x1F000] =	vst v63  }
0x4c: {  	_ =	swait.ge [sflag:s31], $0x2800  }
0x4d: {  	[sflag:s31] =	ssyncset.done $0x0  }
0x4e: {  	s5 =	simm.s32 @p0 $0x13920;
	s12 =	simm.s32 @p0 $0x1A000;
	[sflag:s31] =	ssyncadd.s32 $0xFFFFD800  }
0x4f: {  	[tilespmem:s12], [sflag:$0x1] =	stream.indirect.gather @p0 [hbm4b:s3+s8], $0x80, s5, s8, $0xb8;
	[tilespmem:$0x1F000] =	vst v63  }
0x50: {  	s5 =	simm.s32 @!p0 $0x13920;
	s8 =	simm.s32 @!p0 $0x1A000  }
0x51: {  	[tilespmem:s8], [sflag:$0x1] =	stream.indirect.gather @!p0 [hbm4b:s4+s11], $0x80, s5, s11, $0xb8;
	[tilespmem:$0x1F000] =	vst v63  }
0x52: {  	_ =	swait.ge [sflag:s26], $0x2800  }
0x53: {  	[sflag:s26] =	ssyncset.done $0x0  }
0x54: {  	s8 =	simm.s32 $0x16100;
	[sflag:s26] =	ssyncadd.s32 $0xFFFFD800  }
0x55: {  	[spmem:s1] =	stream.indirect.scatter.add.f32 [tilespmem:s25], [sflag:$0x3], $0x80, s8, s24, $0xb8;
	[tilespmem:$0x1F000] =	vst v63  }
0x56: {  	_ =	swait.ge [sflag:s0], $0x2800  }
0x57: {  	[sflag:s0] =	ssyncset.done $0x0  }
0x58: {  	s11 =	simm.s32 $0x13970;
	[sflag:s0] =	ssyncadd.s32 $0xFFFFD800  }
0x59: {  	[tilespmem:s30], [sflag:$0x2] =	stream.indirect.gather [hbm4b:s13+s24], $0x80, s11, s24, $0xb8;
	[tilespmem:$0x1F000] =	vst v63  }
0x5a: {  	_ =	swait.ge [sflag:s28], $0x2800  }
0x5b: {  	[sflag:s28] =	ssyncset.done $0x0  }
0x5c: {  	s12 =	simm.s32 $0x16180;
	[sflag:s28] =	ssyncadd.s32 $0xFFFFD800  }
0x5d: {  	[spmem:s1] =	stream.indirect.scatter.add.f32 [tilespmem:s30], [sflag:$0x4], $0x80, s12, s24, $0xb8;
	[tilespmem:$0x1F000] =	vst v63  }
0x5e: {  	_ =	swait.ge [sflag:s31], $0x2800  }
0x5f: {  	s8 =	simm.s32 $0x139C0;
	[sflag:s31] =	ssyncset.done $0x0  }
0x60: {  	s11 =	simm.s32 $0xFFFF1000;
	s12 =	simm.s32 $0x13A60;
	[sflag:s31] =	ssyncadd.s32 $0xFFFFD800  }
.LBB2_6:
0x61: {  	[tilespmem:s25], [sflag:$0x1] =	stream.indirect.gather [hbm4b:s13+s24], $0x80, s8, s24, $0xb8;
	[tilespmem:$0x1F000] =	vst v63  }
0x62: {  	s5 =	smov.u32 s11;
	s8 =	smov.u32 s12  }
0x63: {  	p4 =	sne.s32 s11, $0xFFFFFC00;
	s11 =	sadd.s32 $0x400, s11;
	_ =	swait.ge [sflag:s26], $0x2800  }
0x64: {  	s5 =	sshra.s32 s5, $0x2;
	[sflag:s26] =	ssyncset.done $0x0  }
0x65: {  	s6 =	sadd.s32 $0x19E00, s5;
	[sflag:s26] =	ssyncadd.s32 $0xFFFFD800  }
0x66: {  	[spmem:s1] =	stream.indirect.scatter.add.f32 [tilespmem:s25], [sflag:$0x3], $0x80, s6, s24, $0xb8;
	[tilespmem:$0x1F000] =	vst v63  }
0x67: {  	_ =	swait.ge [sflag:s0], $0x2800  }
0x68: {  	[sflag:s0] =	ssyncset.done $0x0  }
0x69: {  	s6 =	sadd.s32 $0xFFFFFFB0, s12;
	[sflag:s0] =	ssyncadd.s32 $0xFFFFD800  }
0x6a: {  	[tilespmem:s30], [sflag:$0x2] =	stream.indirect.gather [hbm4b:s13+s24], $0x80, s6, s24, $0xb8;
	[tilespmem:$0x1F000] =	vst v63  }
0x6b: {  	_ =	swait.ge [sflag:s28], $0x2800  }
0x6c: {  	[sflag:s28] =	ssyncset.done $0x0  }
.Ltmp6:
0x6d: {  	s5 =	sadd.s32 $0x19E80, s5;
	[sflag:s28] =	ssyncadd.s32 $0xFFFFD800;
	(pc) =	sbr.rel @p4 .LBB2_6-.Ltmp6, $4  }
0x6e: {  	[spmem:s1] =	stream.indirect.scatter.add.f32 [tilespmem:s30], [sflag:$0x4], $0x80, s5, s24, $0xb8;
	[tilespmem:$0x1F000] =	vst v63  }
0x6f: {  	_ =	swait.ge [sflag:s31], $0x2800  }
0x70: {  	[sflag:s31] =	ssyncset.done $0x0  }
0x71: {  	s12 =	sadd.s32 $0xA0, s12;
	[sflag:s31] =	ssyncadd.s32 $0xFFFFD800  }
0x72: {  	[tilespmem:s25], [sflag:$0x1] =	stream.indirect.gather [hbm4b:s13+s24], $0x80, s8, s24, $0xb8;
	[tilespmem:$0x1F000] =	vst v63  }
0x73: {  	_ =	swait.ge [sflag:s26], $0x2800  }
0x74: {  	[sflag:s26] =	ssyncset.done $0x0  }
0x75: {  	[sflag:s26] =	ssyncadd.s32 $0xFFFFD800  }
0x76: {  	[spmem:s1] =	stream.indirect.scatter.add.f32 [tilespmem:s25], [sflag:$0x3], $0x80, s2, s24, $0xb8;
	[tilespmem:$0x1F000] =	vst v63  }
0x77: {  	_ =	swait.ge [sflag:s0], $0x2800  }
0x78: {  	[sflag:s0] =	ssyncset.done $0x0  }
0x79: {  	[sflag:s0] =	ssyncadd.s32 $0xFFFFD800  }
.Ltmp7:
0x7a: {  	_ =	swait.ge [sflag:s31], $0x2800;
	(pc) =	sbr.rel @p1 .LBB2_9-.Ltmp7, $4  }
0x7b: {  	[sflag:s31] =	ssyncset.done $0x0  }
0x7c: {  	[sflag:s31] =	ssyncadd.s32 $0xFFFFD800  }
0x7d: {  	[bflag:$0x0] =	sbarrier.arrive $0xFFFF  }
0x7e: {  	s8 =	sor.u32 $0x1C05, s15  }
0x7f: {  	s5 =	rddreg [dreg:$0x8]  }
0x80: {  	[hbm:s5], [sflag:s8] =	dma.local [spmem:s17], $0x2700  }
.Ltmp8:
0x81: {  	_ = 	snop;
	(pc) =	sbr.rel @!p2 .LBB2_11-.Ltmp8, $4  }
.Ltmp9:
0x82: {  	_ = 	snop;
	(pc) =	sbr.rel @p2 .LBB2_10-.Ltmp9, $4  }
0x83: {  	_ =	swait.ge [sflag:s18], $0x2700  }
0x84: {  	[sflag:s18] =	ssyncset.done $0x0  }
0x85: {  	s11 =	rddreg [dreg:$0x3];
	[sflag:s18] =	ssyncadd.s32 $0xFFFFD900  }
0x86: {  	_ = 	snop  }
.LBB2_9:
0x87: {  	s5 =	rddreg [dreg:$0x7]  }
0x88: {  	[hbm:s5], [sflag:s8] =	dma.local [spmem:s17], $0x2700  }
.Ltmp10:
0x89: {  	_ = 	snop;
	(pc) =	sbr.rel @p3 .LBB2_11-.Ltmp10, $4  }
.Ltmp11:
0x8a: {  	_ = 	snop;
	(pc) =	sbr.rel @!p3 .LBB2_10-.Ltmp11, $4  }
0x8b: {  	_ =	swait.ge [sflag:s18], $0x2700  }
0x8c: {  	[sflag:s18] =	ssyncset.done $0x0  }
0x8d: {  	s11 =	rddreg [dreg:$0x4];
	[sflag:s18] =	ssyncadd.s32 $0xFFFFD900  }
0x8e: {  	_ = 	snop  }
.LBB2_12:
0x8f: {  	_ =	sfence.sel $0x180000  }
0x90: {  	[bflag:$0x0] =	sbarrier.arrive $0xFFFF  }
0x91: {  	_ =	strace $0x90000047  }
0x92: {  	[bflag:$0x2] =	sbarrier.arrive $0xFFFF  }
0x93: {  	s0 =	rddreg [dreg:$0x2]  }
0x94: {  	s0 =	sadd.s32 @!p3 $0x100000, s0  }
0x95: {  	[sflag:s0] =	ssyncadd.tile.s32 @!p3 $0x1;
	_ =	shalt  }
.Lfunc_end2:
_tile_overlayer_lowered:
.L_overlay_start_2:
0x96: {  	(tag) =	ssettag $0x2  }
0x97: {  	s0 =	rddreg [dreg:$0x0];
	s2 =	stileid.u32  }
0x98: {  	s1 =	rddreg [dreg:$0x1];
	p0 =	sne.s32 s2, $0x0  }
0x99: {  	s3 =	rddreg [dreg:$0x2];
	[bflag:$0x3] =	sbarrier.arrive $0xFFFF;
	s2 =	simm.s32 @!p0 $0x1C05  }
0x9a: {  	[timem:s3], [sflag:s2] =	dma.local @!p0 [hbm:s0], s1  }
0x9b: {  	s0 =	simm.s32 @!p0 $0x5  }
0x9c: {  	_ =	swait.ge @!p0 [sflag:s0], s1  }
0x9d: {  	s1 =	ssub.s32 @!p0 $0x0, s1;
	[sflag:s0] =	ssyncset.done @!p0 $0x0  }
0x9e: {  	[sflag:s0] =	ssyncadd.s32 @!p0 s1  }
0x9f: {  	[bflag:$0x3] =	sbarrier.arrive $0xFFFF  }
0xa0: {  	_ =	shalt  }

// kernel: sc_edge_aggregate.8.cloned.1.call-start
scs
__scs_entry_jumppad:
0x0: {  	(pc) =	sbr.rel $0x88, $3  }
0x1: {  	(tag) =	ssettag $0x0;
	lr =	simm.s32 $0x1  }
0x2: {  	[smem:$0x3F90] =	sst lr;
	_ =	strace $0xD0000000  }
0x3: {  	_ = 	snop  }
0x4: {  	_ = 	snop  }
0x5: {  	_ = 	snop  }
0x6: {  	_ = 	snop  }
0x7: {  	_ = 	snop  }
__scs_overlays_trampoline_lowered:
0x8: {  	[smem:$0x3F9F] =	sst s0  }
0x9: {  	[smem:$0x3FA0] =	sst s1  }
0xa: {  	[smem:$0x3FA1] =	sst s2  }
0xb: {  	[smem:$0x3FA2] =	sst s3  }
0xc: {  	[smem:$0x3FA3] =	sst s4  }
0xd: {  	[smem:$0x3FA4] =	sst s5  }
0xe: {  	[smem:$0x3FA5] =	sst s6  }
0xf: {  	[smem:$0x3FA6] =	sst s7  }
0x10: {  	[smem:$0x3FA7] =	sst s8  }
0x11: {  	[smem:$0x3FA8] =	sst s9;
	s0 =	simm.s32 @!p0 $0x0  }
0x12: {  	s1 =	sld [smem:$0x3F8E];
	s0 =	simm.s32 @p0 $0x1  }
0x13: {  	[smem:$0x3FA9] =	sst s0;
	s0 =	simm.s32 @!p1 $0x0  }
0x14: {  	s2 =	sld [smem:$0x3F8D];
	s0 =	simm.s32 @p1 $0x1  }
0x15: {  	[smem:$0x3FAA] =	sst s0;
	s0 =	simm.s32 @!p2 $0x0  }
0x16: {  	s3 =	sld [smem:$0x3FDB];
	s0 =	simm.s32 @p2 $0x1  }
0x17: {  	s4 =	simm.s32 $0x1BF5;
	[smem:$0x3FAC] =	sst s0  }
0x18: {  	s0 =	sld [smem:$0x3F8F];
	_ =	swait.ge [sflag:s4], $0x0  }
0x19: {  	s7 =	sld [smem:$0x3F90]  }
0x1a: {  	s8 =	sadd.s32 $0xFFFFE003, lr  }
0x1b: {  	s9 =	sadd.s32 $0xFFFFFEF7, lr;
	s5 =	simm.s32 $0xFFFFFFFF;
	p2 =	slt.u32 s8, $0xFFFFF086  }
0x1c: {  	p1 =	slt.u32 s9, $0xF7A;
	s5 =	simm.s32 @!p2 $0x0  }
0x1d: {  	s5 =	simm.s32 @p1 $0x1;
	p0 =	seq.s32 s7, s2  }
0x1e: {  	s7 =	smul.u32 @!p0 $0xF7A, s2;
	p2 =	seq.s32 @!p0 s5, $0x0  }
0x1f: {  	s9 =	smul.u32 $0xF7A, s1;
	s8 =	simm.s32 @!p0 $0x1BF5;
	p2 =	por !p2, p0  }
0x20: {  	[sflag:s8] =	ssyncset.s32 @!p0 $0xFFFFF086;
	s6 =	sadd.s32 @!p0 s3, s7;
	s7 =	simm.s32 @!p0 $0x108  }
0x21: {  	s3 =	sadd.s32 s3, s9;
	s6 =	sadd.s32 @!p0 $0x88, s6;
	s7 =	simm.s32 @p2 $0x1082  }
0x22: {  	[simem:s7], [sflag:s8] =	dma.local @!p0 [hbm:s6], $0xF7A  }
0x23: {  	s9 =	sor.u32 $0xD0000000, s2;
	s6 =	simm.s32 $0x108;
	_ =	swait.ge @!p0 [sflag:s8], $0x0  }
0x24: {  	s3 =	sadd.s32 $0x88, s3;
	s6 =	simm.s32 @!p1 $0x1082;
	[sflag:s4] =	ssyncset.s32 $0xFFFFF086  }
0x25: {  	[simem:s6], [sflag:s4] =	dma.local [hbm:s3], $0xF7A  }
0x26: {  	[smem:$0x3F90] =	sst s1;
	(tag) =	ssettag s2;
	_ =	strace s9  }
0x27: {  	s1 =	sld [smem:$0x3FA0]  }
0x28: {  	s2 =	sld [smem:$0x3FA1]  }
0x29: {  	s4 =	sld [smem:$0x3FA3]  }
0x2a: {  	p0 =	seq.s32 s5, $0x0;
	s5 =	sld [smem:$0x3FA4]  }
0x2b: {  	s6 =	sld [smem:$0x3FA5]  }
0x2c: {  	s7 =	sld [smem:$0x3FA6]  }
0x2d: {  	s3 =	simm.s32 $0x108;
	s8 =	sld [smem:$0x3FA7]  }
0x2e: {  	s3 =	simm.s32 @!p0 $0x1082;
	s9 =	sld [smem:$0x3FA8]  }
0x2f: {  	lr =	sadd.s32 s0, s3;
	s0 =	sld [smem:$0x3F9F]  }
0x30: {  	s3 =	sld [smem:$0x3FA2]  }
0x31: {  	[smem:$0x3FAB] =	sst s10  }
0x32: {  	s10 =	sld [smem:$0x3FA9];
	_ =	sdelay $0x3  }
0x33: {  	p0 =	seq.s32 s10, $0x1;
	s10 =	sld [smem:$0x3FAB];
	_ =	sdelay $0x3  }
0x34: {  	[smem:$0x3FAB] =	sst s10  }
0x35: {  	s10 =	sld [smem:$0x3FAA];
	_ =	sdelay $0x3  }
0x36: {  	p1 =	seq.s32 s10, $0x1;
	s10 =	sld [smem:$0x3FAB];
	_ =	sdelay $0x3  }
0x37: {  	[smem:$0x3FAB] =	sst s10  }
0x38: {  	s10 =	sld [smem:$0x3FAC]  }
0x39: {  	_ = 	snop;
	(pc) =	sbr.ind lr, $3  }
0x3a: {  	_ = 	snop  }
0x3b: {  	_ = 	snop  }
0x3c: {  	p2 =	seq.s32 s10, $0x1;
	s10 =	sld [smem:$0x3FAB]  }
0x3d: {  	_ =	shalt  }
0x3e: {  	_ =	shalt  }
0x3f: {  	_ =	shalt  }
0x40: {  	_ =	shalt  }
0x41: {  	_ =	shalt  }
0x42: {  	_ =	shalt  }
0x43: {  	_ =	shalt  }
0x44: {  	_ =	shalt  }
0x45: {  	_ =	shalt  }
0x46: {  	_ =	shalt  }
0x47: {  	_ =	shalt  }
0x48: {  	_ =	shalt  }
0x49: {  	_ =	shalt  }
0x4a: {  	_ =	shalt  }
0x4b: {  	_ =	shalt  }
0x4c: {  	_ =	shalt  }
0x4d: {  	_ =	shalt  }
0x4e: {  	_ =	shalt  }
0x4f: {  	_ =	shalt  }
0x50: {  	_ =	shalt  }
0x51: {  	_ =	shalt  }
0x52: {  	_ =	shalt  }
0x53: {  	_ =	shalt  }
0x54: {  	_ =	shalt  }
0x55: {  	_ =	shalt  }
0x56: {  	_ =	shalt  }
0x57: {  	_ =	shalt  }
0x58: {  	_ =	shalt  }
0x59: {  	_ =	shalt  }
0x5a: {  	_ =	shalt  }
0x5b: {  	_ =	shalt  }
0x5c: {  	_ =	shalt  }
0x5d: {  	_ =	shalt  }
0x5e: {  	_ =	shalt  }
0x5f: {  	_ =	shalt  }
0x60: {  	_ =	shalt  }
0x61: {  	_ =	shalt  }
0x62: {  	_ =	shalt  }
0x63: {  	_ =	shalt  }
0x64: {  	_ =	shalt  }
0x65: {  	_ =	shalt  }
0x66: {  	_ =	shalt  }
0x67: {  	_ =	shalt  }
0x68: {  	_ =	shalt  }
0x69: {  	_ =	shalt  }
0x6a: {  	_ =	shalt  }
0x6b: {  	_ =	shalt  }
0x6c: {  	_ =	shalt  }
0x6d: {  	_ =	shalt  }
0x6e: {  	_ =	shalt  }
0x6f: {  	_ =	shalt  }
0x70: {  	_ =	shalt  }
0x71: {  	_ =	shalt  }
0x72: {  	_ =	shalt  }
0x73: {  	_ =	shalt  }
0x74: {  	_ =	shalt  }
0x75: {  	_ =	shalt  }
0x76: {  	_ =	shalt  }
0x77: {  	_ =	shalt  }
0x78: {  	_ =	shalt  }
0x79: {  	_ =	shalt  }
0x7a: {  	_ =	shalt  }
0x7b: {  	_ =	shalt  }
0x7c: {  	_ =	shalt  }
0x7d: {  	_ =	shalt  }
0x7e: {  	_ =	shalt  }
0x7f: {  	_ =	shalt  }
0x80: {  	_ =	shalt  }
0x81: {  	_ =	shalt  }
0x82: {  	_ =	shalt  }
0x83: {  	_ =	shalt  }
0x84: {  	_ =	shalt  }
0x85: {  	_ =	shalt  }
0x86: {  	_ =	shalt  }
0x87: {  	_ =	shalt  }
.Lfunc_end0:
.L_simem_size_0:
called_computation.1_lowered:
.L_overlay_start_0:
0x88: {  	s2 =	sld [smem:$0x3FD9]  }
0x89: {  	s3 =	sld [smem:$0x3FFE];
	_ =	sdelay $0x1  }
0x8a: {  	s1 =	srdreg.scid  }
0x8b: {  	s0 =	sand.u32 $0x1, s1  }
0x8c: {  	s16 =	sshll.u32 s0, $0xA;
	s2 =	sadd.s32 s3, s2  }
0x8d: {  	s2 =	sadd.s32 s2, s16  }
0x8e: {  	[smem:$0x3FB7] =	sst s2  }
0x8f: {  	_ = 	snop  }
0x90: {  	(tm) =	ssettm $0x1  }
0x91: {  	s17 =	sld [smem:$0x3FFB];
	_ =	sdelay $0x3  }
0x92: {  	_ =	strace s17  }
0x93: {  	s2 =	sld [smem:$0x3FFC];
	_ =	sdelay $0x3  }
0x94: {  	_ =	strace s2  }
0x95: {  	s2 =	sld [smem:$0x3FFD];
	_ =	sdelay $0x3  }
0x96: {  	_ =	strace s2  }
0x97: {  	_ =	strace $0x8FFFFFFF  }
0x98: {  	s18 =	sld [smem:$0x3FDB];
	_ =	sdelay $0x1  }
0x99: {  	s19 =	simm.s32 $_scs_section_size  }
0x9a: {  	s4 =	simm.s32 $_size__tile_overlayer_lowered;
	s5 =	simm.s32 $_tile_overlayer_lowered  }
0x9b: {  	s22 =	simm.s32 $0x1BFF;
	s21 =	sshll.u32 s5, $0x1;
	s2 =	sadd.s32 s19, s18  }
0x9c: {  	s6 =	simm.s32 $0x0;
	s20 =	sshll.u32 s4, $0x1;
	s4 =	sadd.s32 s21, s2  }
0x9d: {  	[timem:s6], [sflag:s22] =	dma.local [hbm:s4], s20  }
0x9e: {  	_ =	swait.ge [sflag:s22], s20  }
0x9f: {  	s3 =	ssub.s32 $0x0, s20;
	[sflag:s22] =	ssyncset.done $0x0  }
0xa0: {  	[sflag:s22] =	ssyncadd.s32 s3;
	_ =	sdelay $0x1  }
0xa1: {  	s23 =	simm.s32 $0x1B8B  }
0xa2: {  	_ =	swait.ge [sflag:s23], $0x1  }
0xa3: {  	[sflag:s23] =	ssyncset.done $0x0  }
0xa4: {  	s25 =	simm.s32 $0x1B8E;
	s24 =	sld [smem:$0x3FFE];
	[sflag:s23] =	ssyncadd.s32 $0xFFFFFFFF  }
0xa5: {  	s26 =	simm.s32 $execute0_lowered;
	[smem:$0x3FD2] =	sst s25  }
0xa6: {  	s4 =	sshll.u32 s26, $0x1;
	_ =	strace $0x80000049;
	[dreg:$0x1] =	wrdreg $0xFFFFFFFF  }
0xa7: {  	s28 =	simm.s32 $_size_execute0_lowered;
	s2 =	sadd.s32 s2, s4;
	[dreg:$0x0] =	wrdreg $0x0  }
0xa8: {  	s4 =	sshll.u32 s28, $0x1;
	[dreg:$0x2] =	wrdreg s2  }
0xa9: {  	[dreg:$0x3] =	wrdreg s4  }
0xaa: {  	[dreg:$0x4] =	wrdreg $0xC0  }
0xab: {  	_ =	task [dreg:s6], $0x5FFFF  }
0xac: {  	[dreg:$0x1] =	wrdreg $0xFFFFFFFF  }
0xad: {  	[dreg:$0x0] =	wrdreg $0x60  }
0xae: {  	[dreg:$0x2] =	wrdreg s24  }
0xaf: {  	[dreg:$0x3] =	wrdreg $0x0  }
0xb0: {  	[dreg:$0x4] =	wrdreg $0x9  }
0xb1: {  	_ =	task.clear_ibuf [dreg:s6], $0x5FFFF;
	_ =	strace $0x90000049  }
0xb2: {  	s29 =	simm.s32 $0x9;
	_ =	strace $0x8000004B  }
0xb3: {  	_ =	swait.ge [sflag:s29], $0x1  }
0xb4: {  	[sflag:s29] =	ssyncadd.s32 $0xFFFFFFFF  }
0xb5: {  	_ =	strace $0x9000004B  }
0xb6: {  	_ =	sfence  }
0xb7: {  	s30 =	sld [smem:$0x0];
	_ =	sdelay $0x2  }
0xb8: {  	s31 =	sshll.u32 s1, $0xD;
	s1 =	sshrl.u32 s1, $0x2  }
0xb9: {  	s3 =	sand.u32 $0x4000, s31;
	s1 =	sadd.s32 s1, s30  }
0xba: {  	s0 =	sor.u32 s3, s0;
	s1 =	sshll.u32 s1, $0x11  }
0xbb: {  	s0 =	sor.u32 s1, s0  }
0xbc: {  	s0 =	sadd.s32 $0x8F2B, s0  }
0xbd: {  	[sflag:s0] =	ssyncadd.remote.s32 $0x1  }
0xbe: {  	_ =	sfence.sel $0xFFFF  }
0xbf: {  	[dreg:$0x0] =	wrdreg $0xFFFFFFFF;
	(pc) =	sbr.abs _section_cstart, $3  }
0xc0: {  	[dreg:$0x1] =	wrdreg $0xFFFFFFFF  }
0xc1: {  	_ =	task.clear_ibuf [dreg:s6], $0x2FFFF;
	_ =	strace $0x9FFFFFFF  }
0xc2: {  	(tm) =	ssettm $0x7FFFFFFF  }
0xc3: {  	_ =	shalt  }
tec
execute0_lowered:
.L_overlay_start_1:
0x0: {  	(tag) =	ssettag $0x1  }
0x1: {  	s0 =	rddreg [dreg:$0x0]  }
0x2: {  	s1 =	rddreg [dreg:$0x1]  }
0x3: {  	s2 =	stileid.u32;
	s5 =	simm.s32 $0x0;
	s6 =	srdreg.scid  }
0x4: {  	s28 =	simm.s32 $0x2;
	s29 =	simm.s32 $0x16080;
	s30 =	simm.s32 $0x1C800  }
0x5: {  	s31 =	simm.s32 $0x3;
	s3 =	sshrl.u32 s2, $0x3;
	s17 =	sshll.u32 s2, $0x7  }
0x6: {  	[smem:$0x7FF] =	sst s5;
	s19 =	sshll.u32 s2, $0xB;
	s11 =	smul.u32 $0x4E000, s2  }
0x7: {  	s8 =	sand.u32 $0x1, s6;
	s20 =	sadd.s32 $0x5FE00, s0;
	s13 =	smul.u32 $0x2700, s2  }
0x8: {  	s21 =	sadd.s32 $0x87000, s0;
	s25 =	sadd.s32 $0x138000, s1;
	s15 =	sshll.u32 s2, $0x6  }
0x9: {  	p2 =	seq.s32 s2, $0x0;
	p3 =	sne.s32 s2, $0x0;
	s2 =	simm.s32 $0x19E00  }
0xa: {  	s4 =	smul.u32 $0x13C00, s3;
	s18 =	sand.u32 $0x380, s17;
	_ =	strace $0x8000004A  }
0xb: {  	s3 =	sadd.s32 $0x4A00, s0;
	s10 =	sadd.s32 s19, s0;
	[dreg:$0x4] =	wrdreg s21  }
0xc: {  	s9 =	ssub.s32 $0x2, s8;
	p0 =	seq.s32 s8, $0x0;
	[dreg:$0x3] =	wrdreg s20  }
0xd: {  	p1 =	sne.s32 s8, $0x0;
	s16 =	sor.u32 $0x1C05, s15;
	s19 =	sshrl.u32 s25, $0x3  }
0xe: {  	s25 =	simm.s32 $0x1A000;
	s12 =	sshrl.u32 s9, $0x1;
	s23 =	sshrl.u32 s11, $0x2  }
0xf: {  	s26 =	sadd.s32 s3, s13;
	s10 =	sadd.s32 $0x57E00, s10;
	s6 =	sadd.s32 s21, s13  }
0x10: {  	s21 =	simm.s32 $0x400;
	s5 =	sor.u32 s18, s4;
	s4 =	sadd.s32 $0x2BC00, s0  }
0x11: {  	s22 =	ssub.s32 s9, s12;
	s11 =	sadd.s32 s23, s1;
	[dreg:$0x6] =	wrdreg s26  }
0x12: {  	[dreg:$0x7] =	wrdreg s6;
	s18 =	simm.s32 $0x5;
	s23 =	simm.s32 $0x16000  }
0x13: {  	s26 =	simm.s32 $0x1;
	s5 =	sshrl.u32 s5, $0x3;
	s24 =	sadd.s32 s4, s13  }
.Ltmp0:
0x14: {  	s14 =	smax.u32 s22, $0x1;
	s17 =	sshrl.u32 s11, $0x3;
	(pc) =	sbr.rel .LBB2_1-.Ltmp0, $4  }
0x15: {  	s22 =	simm.s32 $0x13880;
	s7 =	sadd.s32 s5, s0;
	[dreg:$0x5] =	wrdreg s24  }
0x16: {  	s5 =	sadd.s32 s20, s13;
	s13 =	smov.u32 s4;
	s20 =	simm.s32 $0x80  }
0x17: {  	s24 =	simm.s32 $0x50;
	s0 =	simm.s32 $0x4;
	s9 =	sadd.s32 $0x52E00, s7  }
0x18: {  	[dreg:$0x8] =	wrdreg s5;
	s13 =	smov.u32 @p0 s3;
	s7 =	simm.s32 $0x0  }
.LBB2_10:
0x19: {  	s5 =	sadd.s32 $0x27000, s11  }
0x1a: {  	[hbm:s5], [sflag:s8] =	dma.local [spmem:s19], $0x100  }
0x1b: {  	_ =	swait.ge [sflag:s18], $0x100  }
0x1c: {  	[sflag:s18] =	ssyncset.done $0x0  }
0x1d: {  	[sflag:s18] =	ssyncadd.s32 $0xFFFFFF00  }
.LBB2_11:
0x1e: {  	s7 =	sadd.s32 $0x1, s7  }
0x1f: {  	p4 =	sne.s32 s7, s14  }
.Ltmp1:
0x20: {  	_ = 	snop;
	(pc) =	sbr.rel @!p4 .LBB2_12-.Ltmp1, $1  }
0x21: {  	_ =	sdelay $0x3  }
.LBB2_1:
.Ltmp2:
0x22: {  	(pc) =	sbr.rel @p1 .LBB2_3-.Ltmp2, $1  }
0x23: {  	_ =	sdelay $0x3  }
0x24: {  	s5 =	rddreg [dreg:$0x6]  }
0x25: {  	[spmem:s17], [sflag:s16] =	dma.local [hbm:s5], $0x2700  }
.Ltmp3:
0x26: {  	_ = 	snop;
	(pc) =	sbr.rel @!p2 .LBB2_5-.Ltmp3, $4  }
.Ltmp4:
0x27: {  	_ = 	snop;
	(pc) =	sbr.rel @p2 .LBB2_4-.Ltmp4, $4  }
0x28: {  	_ =	swait.ge [sflag:s18], $0x2700  }
0x29: {  	[sflag:s18] =	ssyncset.done $0x0  }
0x2a: {  	s11 =	smov.u32 s3;
	s8 =	smov.u32 s16;
	[sflag:s18] =	ssyncadd.s32 $0xFFFFD900  }
0x2b: {  	_ = 	snop  }
.LBB2_3:
.Ltmp5:
0x2c: {  	s8 =	sor.u32 $0x1C05, s15;
	s5 =	rddreg [dreg:$0x5];
	(pc) =	sbr.rel @p3 .LBB2_5-.Ltmp5, $4  }
0x2d: {  	[spmem:s17], [sflag:s8] =	dma.local [hbm:s5], $0x2700  }
0x2e: {  	_ =	swait.ge [sflag:s18], $0x2700  }
0x2f: {  	[sflag:s18] =	ssyncset.done $0x0  }
0x30: {  	s11 =	smov.u32 s4;
	[sflag:s18] =	ssyncadd.s32 $0xFFFFD900  }
.LBB2_4:
0x31: {  	s11 =	sadd.s32 $0x27000, s11  }
0x32: {  	[spmem:s19], [sflag:s8] =	dma.local [hbm:s11], $0x100  }
0x33: {  	_ =	swait.ge [sflag:s18], $0x100  }
0x34: {  	[sflag:s18] =	ssyncset.done $0x0  }
0x35: {  	[sflag:s18] =	ssyncadd.s32 $0xFFFFFF00  }
.LBB2_5:
0x36: {  	[tilespmem:s22], [sflag:$0x5] =	stream.strided.gather [hbm4b:s9+s20], $0x2780, s21, s20, $0x38;
	[tilespmem:$0x1F000] =	vst v63  }
0x37: {  	_ =	swait.ge [sflag:s18], $0x2780  }
0x38: {  	[sflag:s18] =	ssyncset.done $0x0  }
0x39: {  	s5 =	simm.s32 $0x0;
	[sflag:s18] =	ssyncadd.s32 $0xFFFFD880  }
0x3a: {  	[tilespmem:s23], [sflag:$0x5] =	stream.linear.gather [hbm4b:s10+s5], $0x3E80, $0x38;
	[tilespmem:$0x1F000] =	vst v63  }
0x3b: {  	_ =	swait.ge [sflag:s18], $0x3E80  }
0x3c: {  	[sflag:s18] =	ssyncset.done $0x0  }
0x3d: {  	[sflag:s18] =	ssyncadd.s32 $0xFFFFC180  }
0x3e: {  	[bflag:$0x0] =	sbarrier.arrive $0xFFFF  }
0x3f: {  	[tilespmem:s25], [sflag:$0x1] =	stream.indirect.gather [hbm4b:s13+s24], $0x80, s22, s24, $0xb8;
	[tilespmem:$0x1F000] =	vst v63  }
0x40: {  	_ =	swait.ge [sflag:s26], $0x2800  }
0x41: {  	[sflag:s26] =	ssyncset.done $0x0  }
0x42: {  	[sflag:s26] =	ssyncadd.s32 $0xFFFFD800  }
0x43: {  	[spmem:s1] =	stream.indirect.scatter.add.f32 [tilespmem:s25], [sflag:$0x3], $0x80, s23, s24, $0xb8;
	[tilespmem:$0x1F000] =	vst v63  }
0x44: {  	s8 =	simm.s32 @p0 $0x50;
	s11 =	simm.s32 @p0 $0x138D0;
	s12 =	simm.s32 @p0 $0x1C800  }
0x45: {  	[tilespmem:s12], [sflag:$0x2] =	stream.indirect.gather @p0 [hbm4b:s3+s8], $0x80, s11, s8, $0xb8;
	[tilespmem:$0x1F000] =	vst v63  }
0x46: {  	s5 =	simm.s32 @!p0 $0x1C800;
	s11 =	simm.s32 @!p0 $0x50;
	s12 =	simm.s32 @!p0 $0x138D0  }
0x47: {  	[tilespmem:s5], [sflag:$0x2] =	stream.indirect.gather @!p0 [hbm4b:s4+s11], $0x80, s12, s11, $0xb8;
	[tilespmem:$0x1F000] =	vst v63  }
0x48: {  	_ =	swait.ge [sflag:s28], $0x2800  }
0x49: {  	[sflag:s28] =	ssyncset.done $0x0  }
0x4a: {  	[sflag:s28] =	ssyncadd.s32 $0xFFFFD800  }
0x4b: {  	[spmem:s1] =	stream.indirect.scatter.add.f32 [tilespmem:s30], [sflag:$0x4], $0x80, s29, s24, $0xb8;
	[tilespmem:$0x1F000] =	vst v63  }
0x4c: {  	_ =	swait.ge [sflag:s31], $0x2800  }
0x4d: {  	[sflag:s31] =	ssyncset.done $0x0  }
0x4e: {  	s5 =	simm.s32 @p0 $0x13920;
	s12 =	simm.s32 @p0 $0x1A000;
	[sflag:s31] =	ssyncadd.s32 $0xFFFFD800  }
0x4f: {  	[tilespmem:s12], [sflag:$0x1] =	stream.indirect.gather @p0 [hbm4b:s3+s8], $0x80, s5, s8, $0xb8;
	[tilespmem:$0x1F000] =	vst v63  }
0x50: {  	s5 =	simm.s32 @!p0 $0x13920;
	s8 =	simm.s32 @!p0 $0x1A000  }
0x51: {  	[tilespmem:s8], [sflag:$0x1] =	stream.indirect.gather @!p0 [hbm4b:s4+s11], $0x80, s5, s11, $0xb8;
	[tilespmem:$0x1F000] =	vst v63  }
0x52: {  	_ =	swait.ge [sflag:s26], $0x2800  }
0x53: {  	[sflag:s26] =	ssyncset.done $0x0  }
0x54: {  	s8 =	simm.s32 $0x16100;
	[sflag:s26] =	ssyncadd.s32 $0xFFFFD800  }
0x55: {  	[spmem:s1] =	stream.indirect.scatter.add.f32 [tilespmem:s25], [sflag:$0x3], $0x80, s8, s24, $0xb8;
	[tilespmem:$0x1F000] =	vst v63  }
0x56: {  	_ =	swait.ge [sflag:s0], $0x2800  }
0x57: {  	[sflag:s0] =	ssyncset.done $0x0  }
0x58: {  	s11 =	simm.s32 $0x13970;
	[sflag:s0] =	ssyncadd.s32 $0xFFFFD800  }
0x59: {  	[tilespmem:s30], [sflag:$0x2] =	stream.indirect.gather [hbm4b:s13+s24], $0x80, s11, s24, $0xb8;
	[tilespmem:$0x1F000] =	vst v63  }
0x5a: {  	_ =	swait.ge [sflag:s28], $0x2800  }
0x5b: {  	[sflag:s28] =	ssyncset.done $0x0  }
0x5c: {  	s12 =	simm.s32 $0x16180;
	[sflag:s28] =	ssyncadd.s32 $0xFFFFD800  }
0x5d: {  	[spmem:s1] =	stream.indirect.scatter.add.f32 [tilespmem:s30], [sflag:$0x4], $0x80, s12, s24, $0xb8;
	[tilespmem:$0x1F000] =	vst v63  }
0x5e: {  	_ =	swait.ge [sflag:s31], $0x2800  }
0x5f: {  	s8 =	simm.s32 $0x139C0;
	[sflag:s31] =	ssyncset.done $0x0  }
0x60: {  	s11 =	simm.s32 $0xFFFF1000;
	s12 =	simm.s32 $0x13A60;
	[sflag:s31] =	ssyncadd.s32 $0xFFFFD800  }
.LBB2_6:
0x61: {  	[tilespmem:s25], [sflag:$0x1] =	stream.indirect.gather [hbm4b:s13+s24], $0x80, s8, s24, $0xb8;
	[tilespmem:$0x1F000] =	vst v63  }
0x62: {  	s5 =	smov.u32 s11;
	s8 =	smov.u32 s12  }
0x63: {  	p4 =	sne.s32 s11, $0xFFFFFC00;
	s11 =	sadd.s32 $0x400, s11;
	_ =	swait.ge [sflag:s26], $0x2800  }
0x64: {  	s5 =	sshra.s32 s5, $0x2;
	[sflag:s26] =	ssyncset.done $0x0  }
0x65: {  	s6 =	sadd.s32 $0x19E00, s5;
	[sflag:s26] =	ssyncadd.s32 $0xFFFFD800  }
0x66: {  	[spmem:s1] =	stream.indirect.scatter.add.f32 [tilespmem:s25], [sflag:$0x3], $0x80, s6, s24, $0xb8;
	[tilespmem:$0x1F000] =	vst v63  }
0x67: {  	_ =	swait.ge [sflag:s0], $0x2800  }
0x68: {  	[sflag:s0] =	ssyncset.done $0x0  }
0x69: {  	s6 =	sadd.s32 $0xFFFFFFB0, s12;
	[sflag:s0] =	ssyncadd.s32 $0xFFFFD800  }
0x6a: {  	[tilespmem:s30], [sflag:$0x2] =	stream.indirect.gather [hbm4b:s13+s24], $0x80, s6, s24, $0xb8;
	[tilespmem:$0x1F000] =	vst v63  }
0x6b: {  	_ =	swait.ge [sflag:s28], $0x2800  }
0x6c: {  	[sflag:s28] =	ssyncset.done $0x0  }
.Ltmp6:
0x6d: {  	s5 =	sadd.s32 $0x19E80, s5;
	[sflag:s28] =	ssyncadd.s32 $0xFFFFD800;
	(pc) =	sbr.rel @p4 .LBB2_6-.Ltmp6, $4  }
0x6e: {  	[spmem:s1] =	stream.indirect.scatter.add.f32 [tilespmem:s30], [sflag:$0x4], $0x80, s5, s24, $0xb8;
	[tilespmem:$0x1F000] =	vst v63  }
0x6f: {  	_ =	swait.ge [sflag:s31], $0x2800  }
0x70: {  	[sflag:s31] =	ssyncset.done $0x0  }
0x71: {  	s12 =	sadd.s32 $0xA0, s12;
	[sflag:s31] =	ssyncadd.s32 $0xFFFFD800  }
0x72: {  	[tilespmem:s25], [sflag:$0x1] =	stream.indirect.gather [hbm4b:s13+s24], $0x80, s8, s24, $0xb8;
	[tilespmem:$0x1F000] =	vst v63  }
0x73: {  	_ =	swait.ge [sflag:s26], $0x2800  }
0x74: {  	[sflag:s26] =	ssyncset.done $0x0  }
0x75: {  	[sflag:s26] =	ssyncadd.s32 $0xFFFFD800  }
0x76: {  	[spmem:s1] =	stream.indirect.scatter.add.f32 [tilespmem:s25], [sflag:$0x3], $0x80, s2, s24, $0xb8;
	[tilespmem:$0x1F000] =	vst v63  }
0x77: {  	_ =	swait.ge [sflag:s0], $0x2800  }
0x78: {  	[sflag:s0] =	ssyncset.done $0x0  }
0x79: {  	[sflag:s0] =	ssyncadd.s32 $0xFFFFD800  }
.Ltmp7:
0x7a: {  	_ =	swait.ge [sflag:s31], $0x2800;
	(pc) =	sbr.rel @p1 .LBB2_9-.Ltmp7, $4  }
0x7b: {  	[sflag:s31] =	ssyncset.done $0x0  }
0x7c: {  	[sflag:s31] =	ssyncadd.s32 $0xFFFFD800  }
0x7d: {  	[bflag:$0x0] =	sbarrier.arrive $0xFFFF  }
0x7e: {  	s8 =	sor.u32 $0x1C05, s15  }
0x7f: {  	s5 =	rddreg [dreg:$0x8]  }
0x80: {  	[hbm:s5], [sflag:s8] =	dma.local [spmem:s17], $0x2700  }
.Ltmp8:
0x81: {  	_ = 	snop;
	(pc) =	sbr.rel @!p2 .LBB2_11-.Ltmp8, $4  }
.Ltmp9:
0x82: {  	_ = 	snop;
	(pc) =	sbr.rel @p2 .LBB2_10-.Ltmp9, $4  }
0x83: {  	_ =	swait.ge [sflag:s18], $0x2700  }
0x84: {  	[sflag:s18] =	ssyncset.done $0x0  }
0x85: {  	s11 =	rddreg [dreg:$0x3];
	[sflag:s18] =	ssyncadd.s32 $0xFFFFD900  }
0x86: {  	_ = 	snop  }
.LBB2_9:
0x87: {  	s5 =	rddreg [dreg:$0x7]  }
0x88: {  	[hbm:s5], [sflag:s8] =	dma.local [spmem:s17], $0x2700  }
.Ltmp10:
0x89: {  	_ = 	snop;
	(pc) =	sbr.rel @p3 .LBB2_11-.Ltmp10, $4  }
.Ltmp11:
0x8a: {  	_ = 	snop;
	(pc) =	sbr.rel @!p3 .LBB2_10-.Ltmp11, $4  }
0x8b: {  	_ =	swait.ge [sflag:s18], $0x2700  }
0x8c: {  	[sflag:s18] =	ssyncset.done $0x0  }
0x8d: {  	s11 =	rddreg [dreg:$0x4];
	[sflag:s18] =	ssyncadd.s32 $0xFFFFD900  }
0x8e: {  	_ = 	snop  }
.LBB2_12:
0x8f: {  	_ =	sfence.sel $0x180000  }
0x90: {  	[bflag:$0x0] =	sbarrier.arrive $0xFFFF  }
0x91: {  	_ =	strace $0x9000004A  }
0x92: {  	[bflag:$0x2] =	sbarrier.arrive $0xFFFF  }
0x93: {  	s0 =	rddreg [dreg:$0x2]  }
0x94: {  	s0 =	sadd.s32 @!p3 $0x100000, s0  }
0x95: {  	[sflag:s0] =	ssyncadd.tile.s32 @!p3 $0x1;
	_ =	shalt  }
.Lfunc_end2:
_tile_overlayer_lowered:
.L_overlay_start_2:
0x96: {  	(tag) =	ssettag $0x2  }
0x97: {  	s0 =	rddreg [dreg:$0x0];
	s2 =	stileid.u32  }
0x98: {  	s1 =	rddreg [dreg:$0x1];
	p0 =	sne.s32 s2, $0x0  }
0x99: {  	s3 =	rddreg [dreg:$0x2];
	[bflag:$0x3] =	sbarrier.arrive $0xFFFF;
	s2 =	simm.s32 @!p0 $0x1C05  }
0x9a: {  	[timem:s3], [sflag:s2] =	dma.local @!p0 [hbm:s0], s1  }
0x9b: {  	s0 =	simm.s32 @!p0 $0x5  }
0x9c: {  	_ =	swait.ge @!p0 [sflag:s0], s1  }
0x9d: {  	s1 =	ssub.s32 @!p0 $0x0, s1;
	[sflag:s0] =	ssyncset.done @!p0 $0x0  }
0x9e: {  	[sflag:s0] =	ssyncadd.s32 @!p0 s1  }
0x9f: {  	[bflag:$0x3] =	sbarrier.arrive $0xFFFF  }
0xa0: {  	_ =	shalt  }

</sc_bundles>
